<compile_context>
chip_gen: v7x
topology: tpu7x:2x2x1
jax: 0.10.2.dev20260603
libtpu: 0.0.44.dev20260713+nightly
codegen_flags: <defaults>
</compile_context>

<pallas_src>
import jax
import jax.numpy as jnp
from jax.experimental import pallas as pl

N = 10000
E = 320000
G = 64
D_IN = 128
H = 256

_EB = 4000


def _edge_mlp_body(ea_ref, w1_ref, b1_ref, w2_ref, b2_ref, l1w_ref, l1b_ref,
                   l2w_ref, l2b_ref, e1_ref, e2_ref):
    t = jnp.dot(ea_ref[...], w1_ref[...], preferred_element_type=jnp.float32)
    t = jnp.maximum(t + b1_ref[...], 0.0)
    ea = jnp.dot(t, w2_ref[...], preferred_element_type=jnp.float32) + b2_ref[...]
    e1_ref[...] = jnp.dot(ea, l1w_ref[...], preferred_element_type=jnp.float32) + l1b_ref[...]
    e2_ref[...] = jnp.dot(ea, l2w_ref[...], preferred_element_type=jnp.float32) + l2b_ref[...]


def _edge_features(edge_attr, em_w1, em_b1, em_w2, em_b2, c1_lw, c1_lb,
                   c2_lw, c2_lb):
    nblk = E // _EB
    return pl.pallas_call(
        _edge_mlp_body,
        grid=(nblk,),
        in_specs=[
            pl.BlockSpec((_EB, 16), lambda i: (i, 0)),
            pl.BlockSpec((16, H), lambda i: (0, 0)),
            pl.BlockSpec((1, H), lambda i: (0, 0)),
            pl.BlockSpec((H, H), lambda i: (0, 0)),
            pl.BlockSpec((1, H), lambda i: (0, 0)),
            pl.BlockSpec((H, D_IN), lambda i: (0, 0)),
            pl.BlockSpec((1, D_IN), lambda i: (0, 0)),
            pl.BlockSpec((H, H), lambda i: (0, 0)),
            pl.BlockSpec((1, H), lambda i: (0, 0)),
        ],
        out_specs=[
            pl.BlockSpec((_EB, D_IN), lambda i: (i, 0)),
            pl.BlockSpec((_EB, H), lambda i: (i, 0)),
        ],
        out_shape=[
            jax.ShapeDtypeStruct((E, D_IN), jnp.float32),
            jax.ShapeDtypeStruct((E, H), jnp.float32),
        ],
    )(edge_attr, em_w1, em_b1, em_w2, em_b2, c1_lw, c1_lb, c2_lw, c2_lb)


_NB = 2000


def _node_mlp_body(x_ref, agg_ref, w1_ref, b1_ref, w2_ref, b2_ref, out_ref):
    h = x_ref[...] + agg_ref[...]
    u = jnp.maximum(
        jnp.dot(h, w1_ref[...], preferred_element_type=jnp.float32) + b1_ref[...], 0.0)
    v = jnp.dot(u, w2_ref[...], preferred_element_type=jnp.float32) + b2_ref[...]
    out_ref[...] = jnp.maximum(v, 0.0)


def _node_mlp(x, agg, w1, b1, w2, b2):
    nblk = N // _NB
    din = x.shape[1]
    return pl.pallas_call(
        _node_mlp_body,
        grid=(nblk,),
        in_specs=[
            pl.BlockSpec((_NB, din), lambda i: (i, 0)),
            pl.BlockSpec((_NB, din), lambda i: (i, 0)),
            pl.BlockSpec((din, H), lambda i: (0, 0)),
            pl.BlockSpec((1, H), lambda i: (0, 0)),
            pl.BlockSpec((H, H), lambda i: (0, 0)),
            pl.BlockSpec((1, H), lambda i: (0, 0)),
        ],
        out_specs=pl.BlockSpec((_NB, H), lambda i: (i, 0)),
        out_shape=jax.ShapeDtypeStruct((N, H), jnp.float32),
    )(x, agg, w1, b1, w2, b2)


def _head_body(sums_ref, cnts_ref, l1w_ref, l1b_ref, l2w_ref, l2b_ref,
               hw_ref, hb_ref, out_ref):
    g = sums_ref[...] / jnp.maximum(cnts_ref[...], 1.0)
    g1 = jnp.maximum(
        jnp.dot(g, l1w_ref[...], preferred_element_type=jnp.float32) + l1b_ref[...], 0.0)
    g2 = jnp.maximum(
        jnp.dot(g1, l2w_ref[...], preferred_element_type=jnp.float32) + l2b_ref[...], 0.0)
    out_ref[...] = jnp.dot(g2, hw_ref[...], preferred_element_type=jnp.float32) + hb_ref[...]


def _head(sums, cnts, l1w, l1b, l2w, l2b, hw, hb):
    return pl.pallas_call(
        _head_body,
        in_specs=[
            pl.BlockSpec((G, H), lambda: (0, 0)),
            pl.BlockSpec((G, 1), lambda: (0, 0)),
            pl.BlockSpec((H, 128), lambda: (0, 0)),
            pl.BlockSpec((1, 128), lambda: (0, 0)),
            pl.BlockSpec((128, 64), lambda: (0, 0)),
            pl.BlockSpec((1, 64), lambda: (0, 0)),
            pl.BlockSpec((64, 3), lambda: (0, 0)),
            pl.BlockSpec((1, 3), lambda: (0, 0)),
        ],
        out_specs=pl.BlockSpec((G, 3), lambda: (0, 0)),
        out_shape=jax.ShapeDtypeStruct((G, 3), jnp.float32),
    )(sums, cnts, l1w, l1b, l2w, l2b, hw, hb)


def kernel(x, edge_index, edge_attr, batch,
           em_w1, em_b1, em_w2, em_b2,
           c1_lw, c1_lb, c1_w1, c1_b1, c1_w2, c1_b2,
           c2_lw, c2_lb, c2_w1, c2_b1, c2_w2, c2_b2,
           l1_w, l1_b, l2_w, l2_b, hS_w, hS_b, hP_w, hP_b, hN_w, hN_b):
    src = edge_index[0]
    dst = edge_index[1]

    e1, e2 = _edge_features(edge_attr, em_w1, em_b1[None], em_w2, em_b2[None],
                            c1_lw, c1_lb[None], c2_lw, c2_lb[None])

    m1 = jax.nn.relu(x[src] + e1)
    agg1 = jnp.zeros_like(x).at[dst].add(m1)
    h1 = _node_mlp(x, agg1, c1_w1, c1_b1[None], c1_w2, c1_b2[None])

    m2 = jax.nn.relu(h1[src] + e2)
    agg2 = jnp.zeros_like(h1).at[dst].add(m2)
    h2 = _node_mlp(h1, agg2, c2_w1, c2_b1[None], c2_w2, c2_b2[None])

    sums = jax.ops.segment_sum(h2, batch, num_segments=G)
    cnts = jax.ops.segment_sum(jnp.ones((N,), jnp.float32), batch,
                               num_segments=G)

    hw = jnp.concatenate([hS_w, hP_w, hN_w], axis=1)
    hb = jnp.concatenate([hS_b, hP_b, hN_b]).reshape(1, 3)
    out = _head(sums, cnts[:, None], l1_w, l1_b[None], l2_w, l2_b[None], hw, hb)
    return out[:, 0], out[:, 1], out[:, 2]

# --- scband reference (transcript-rebuilt; emitter-appended) ---
"""Pipeline reference for scband-gnnplus-472446402723 (READ-ONLY COPY).

The authoritative reference and input builder live on the scoring server;
editing this copy changes nothing except your own understanding.
"""

import jax, jax.numpy as jnp
import numpy as np

N = 10000
E = 320000
G = 64
D_IN = 128
D_E = 16
H = 256

def _lin_init(key, fan_in, fan_out):
    return jax.random.normal(key, (fan_in, fan_out), dtype=jnp.float32) * (1.0 / np.sqrt(fan_in))

def setup_inputs(seed: int = 0):
    key = jax.random.key(seed)
    ks = jax.random.split(key, 32)
    inp = {}
    inp['x'] = jax.random.normal(ks[0], (N, D_IN), dtype=jnp.float32)
    inp['edge_index'] = jax.random.randint(ks[1], (2, E), 0, N, dtype=jnp.int32)
    inp['edge_attr'] = jax.random.normal(ks[2], (E, D_E), dtype=jnp.float32)
    inp['batch'] = jnp.sort(jax.random.randint(ks[3], (N,), 0, G, dtype=jnp.int32))
    inp['em_w1'] = _lin_init(ks[4], D_E, H); inp['em_b1'] = jnp.zeros((H,), jnp.float32)
    inp['em_w2'] = _lin_init(ks[5], H, H); inp['em_b2'] = jnp.zeros((H,), jnp.float32)
    inp['c1_lw'] = _lin_init(ks[6], H, D_IN); inp['c1_lb'] = jnp.zeros((D_IN,), jnp.float32)
    inp['c1_w1'] = _lin_init(ks[7], D_IN, H); inp['c1_b1'] = jnp.zeros((H,), jnp.float32)
    inp['c1_w2'] = _lin_init(ks[8], H, H); inp['c1_b2'] = jnp.zeros((H,), jnp.float32)
    inp['c2_lw'] = _lin_init(ks[9], H, H); inp['c2_lb'] = jnp.zeros((H,), jnp.float32)
    inp['c2_w1'] = _lin_init(ks[10], H, H); inp['c2_b1'] = jnp.zeros((H,), jnp.float32)
    inp['c2_w2'] = _lin_init(ks[11], H, H); inp['c2_b2'] = jnp.zeros((H,), jnp.float32)
    inp['l1_w'] = _lin_init(ks[12], H, 128); inp['l1_b'] = jnp.zeros((128,), jnp.float32)
    inp['l2_w'] = _lin_init(ks[13], 128, 64); inp['l2_b'] = jnp.zeros((64,), jnp.float32)
    inp['hS_w'] = _lin_init(ks[14], 64, 1); inp['hS_b'] = jnp.zeros((1,), jnp.float32)
    inp['hP_w'] = _lin_init(ks[15], 64, 1); inp['hP_b'] = jnp.zeros((1,), jnp.float32)
    inp['hN_w'] = _lin_init(ks[16], 64, 1); inp['hN_b'] = jnp.zeros((1,), jnp.float32)
    return inp

def _gine(x, src, dst, ea, lw, lb, w1, b1, w2, b2):
    # GINEConv with edge_dim: edge_attr projected by lin, message=relu(x_j + e), sum-aggr, then nn((1+eps)*x + aggr) with eps=0
    e = ea @ lw + lb
    m = jax.nn.relu(x[src] + e)
    agg = jnp.zeros_like(x).at[dst].add(m)
    h = x + agg
    return jax.nn.relu(h @ w1 + b1) @ w2 + b2

def reference(x, edge_index, edge_attr, batch, em_w1, em_b1, em_w2, em_b2, c1_lw, c1_lb, c1_w1, c1_b1, c1_w2, c1_b2, c2_lw, c2_lb, c2_w1, c2_b1, c2_w2, c2_b2, l1_w, l1_b, l2_w, l2_b, hS_w, hS_b, hP_w, hP_b, hN_w, hN_b):
    src = edge_index[0]; dst = edge_index[1]
    ea = jax.nn.relu(edge_attr @ em_w1 + em_b1) @ em_w2 + em_b2
    h = jax.nn.relu(_gine(x, src, dst, ea, c1_lw, c1_lb, c1_w1, c1_b1, c1_w2, c1_b2))
    # dropout is identity in eval mode
    h = jax.nn.relu(_gine(h, src, dst, ea, c2_lw, c2_lb, c2_w1, c2_b1, c2_w2, c2_b2))
    sums = jax.ops.segment_sum(h, batch, num_segments=G)
    cnts = jax.ops.segment_sum(jnp.ones((h.shape[0],), h.dtype), batch, num_segments=G)
    g = sums / jnp.clip(cnts, 1.0, None)[:, None]
    g = jax.nn.relu(g @ l1_w + l1_b)
    g = jax.nn.relu(g @ l2_w + l2_b)
    return ((g @ hS_w + hS_b)[:, 0], (g @ hP_w + hP_b)[:, 0], (g @ hN_w + hN_b)[:, 0])

if __name__ == "__main__":
    import jax
    _d = setup_inputs()
    print(jax.jit(kernel)(*tuple(_d.values())))

</pallas_src>

<mosaic_0001>
module attributes {stable_mosaic.version = 14 : i64} {
  func.func @_edge_mlp_body(%arg0: i32, %arg1: memref<4000x16xf32, #tpu.memory_space<vmem>>, %arg2: memref<16x256xf32, #tpu.memory_space<vmem>>, %arg3: memref<1x256xf32, #tpu.memory_space<vmem>>, %arg4: memref<256x256xf32, #tpu.memory_space<vmem>>, %arg5: memref<1x256xf32, #tpu.memory_space<vmem>>, %arg6: memref<256x128xf32, #tpu.memory_space<vmem>>, %arg7: memref<1x128xf32, #tpu.memory_space<vmem>>, %arg8: memref<256x256xf32, #tpu.memory_space<vmem>>, %arg9: memref<1x256xf32, #tpu.memory_space<vmem>>, %arg10: memref<4000x128xf32, #tpu.memory_space<vmem>>, %arg11: memref<4000x256xf32, #tpu.memory_space<vmem>>) attributes {dimension_semantics = [#tpu.dimension_semantics<arbitrary>], iteration_bounds = array<i64: 80>, scalar_prefetch = 0 : i64, scratch_operands = 0 : i64, tpu.core_type = #tpu.core_type<tc>, window_params = [{transform_indices = @transform_0, window_bounds = array<i64: 4000, 16>}, {pipeline_mode = #tpu.pipeline_mode<synchronous>, transform_indices = @transform_1, window_bounds = array<i64: 16, 256>}, {pipeline_mode = #tpu.pipeline_mode<synchronous>, transform_indices = @transform_2, window_bounds = array<i64: 1, 256>}, {pipeline_mode = #tpu.pipeline_mode<synchronous>, transform_indices = @transform_3, window_bounds = array<i64: 256, 256>}, {pipeline_mode = #tpu.pipeline_mode<synchronous>, transform_indices = @transform_4, window_bounds = array<i64: 1, 256>}, {pipeline_mode = #tpu.pipeline_mode<synchronous>, transform_indices = @transform_5, window_bounds = array<i64: 256, 128>}, {pipeline_mode = #tpu.pipeline_mode<synchronous>, transform_indices = @transform_6, window_bounds = array<i64: 1, 128>}, {pipeline_mode = #tpu.pipeline_mode<synchronous>, transform_indices = @transform_7, window_bounds = array<i64: 256, 256>}, {pipeline_mode = #tpu.pipeline_mode<synchronous>, transform_indices = @transform_8, window_bounds = array<i64: 1, 256>}, {transform_indices = @transform_9, window_bounds = array<i64: 4000, 128>}, {transform_indices = @transform_10, window_bounds = array<i64: 4000, 256>}]} {
    %get3A = arith.constant 0 : index
    %get3A_0 = arith.constant 0 : index
    %get3A_1 = vector.load %arg1[%get3A, %get3A_0] : memref<4000x16xf32, #tpu.memory_space<vmem>>, vector<4000x16xf32>
    %get3A_2 = arith.constant 0 : index
    %get3A_3 = arith.constant 0 : index
    %get3A_4 = vector.load %arg2[%get3A_2, %get3A_3] : memref<16x256xf32, #tpu.memory_space<vmem>>, vector<16x256xf32>
    %dot_general3A = arith.constant dense<0.000000e+00> : vector<4000x256xf32>
    %dot_general3A_5 = tpu.matmul %get3A_1, %get3A_4, %dot_general3A {dimension_numbers = #tpu.dot_dimension_numbers<[1], [0], [0], [1], [0, 0, 1, 1], [], []>, transpose_lhs_hint = false} : vector<4000x16xf32>, vector<16x256xf32>, vector<4000x256xf32> -> vector<4000x256xf32>
    %get3A_6 = arith.constant 0 : index
    %get3A_7 = arith.constant 0 : index
    %get3A_8 = vector.load %arg3[%get3A_6, %get3A_7] : memref<1x256xf32, #tpu.memory_space<vmem>>, vector<1x256xf32>
    %add3A = vector.broadcast %get3A_8 : vector<1x256xf32> to vector<4000x256xf32>
    %add3A_9 = arith.addf %dot_general3A_5, %add3A : vector<4000x256xf32>
    %max3A = arith.constant 0.000000e+00 : f32
    %max3A_10 = vector.broadcast %max3A : f32 to vector<4000x256xf32>
    %max3A_11 = arith.maximumf %add3A_9, %max3A_10 : vector<4000x256xf32>
    %get3A_12 = arith.constant 0 : index
    %get3A_13 = arith.constant 0 : index
    %get3A_14 = vector.load %arg4[%get3A_12, %get3A_13] : memref<256x256xf32, #tpu.memory_space<vmem>>, vector<256x256xf32>
    %dot_general3A_15 = arith.constant dense<0.000000e+00> : vector<4000x256xf32>
    %dot_general3A_16 = tpu.matmul %max3A_11, %get3A_14, %dot_general3A_15 {dimension_numbers = #tpu.dot_dimension_numbers<[1], [0], [0], [1], [0, 0, 1, 1], [], []>, transpose_lhs_hint = false} : vector<4000x256xf32>, vector<256x256xf32>, vector<4000x256xf32> -> vector<4000x256xf32>
    %get3A_17 = arith.constant 0 : index
    %get3A_18 = arith.constant 0 : index
    %get3A_19 = vector.load %arg5[%get3A_17, %get3A_18] : memref<1x256xf32, #tpu.memory_space<vmem>>, vector<1x256xf32>
    %add3A_20 = vector.broadcast %get3A_19 : vector<1x256xf32> to vector<4000x256xf32>
    %add3A_21 = arith.addf %dot_general3A_16, %add3A_20 : vector<4000x256xf32>
    %get3A_22 = arith.constant 0 : index
    %get3A_23 = arith.constant 0 : index
    %get3A_24 = vector.load %arg6[%get3A_22, %get3A_23] : memref<256x128xf32, #tpu.memory_space<vmem>>, vector<256x128xf32>
    %dot_general3A_25 = arith.constant dense<0.000000e+00> : vector<4000x128xf32>
    %dot_general3A_26 = tpu.matmul %add3A_21, %get3A_24, %dot_general3A_25 {dimension_numbers = #tpu.dot_dimension_numbers<[1], [0], [0], [1], [0, 0, 1, 1], [], []>, transpose_lhs_hint = false} : vector<4000x256xf32>, vector<256x128xf32>, vector<4000x128xf32> -> vector<4000x128xf32>
    %get3A_27 = arith.constant 0 : index
    %get3A_28 = arith.constant 0 : index
    %get3A_29 = vector.load %arg7[%get3A_27, %get3A_28] : memref<1x128xf32, #tpu.memory_space<vmem>>, vector<1x128xf32>
    %add3A_30 = vector.broadcast %get3A_29 : vector<1x128xf32> to vector<4000x128xf32>
    %add3A_31 = arith.addf %dot_general3A_26, %add3A_30 : vector<4000x128xf32>
    %swap3A = arith.constant 0 : index
    %swap3A_32 = arith.constant 0 : index
    %swap3A_33 = vector.load %arg10[%swap3A, %swap3A_32] : memref<4000x128xf32, #tpu.memory_space<vmem>>, vector<4000x128xf32>
    tpu.vector_store %arg10[%swap3A, %swap3A_32], %add3A_31 {strides = array<i32>} : memref<4000x128xf32, #tpu.memory_space<vmem>>, vector<4000x128xf32>,
    %get3A_34 = arith.constant 0 : index
    %get3A_35 = arith.constant 0 : index
    %get3A_36 = vector.load %arg8[%get3A_34, %get3A_35] : memref<256x256xf32, #tpu.memory_space<vmem>>, vector<256x256xf32>
    %dot_general3A_37 = arith.constant dense<0.000000e+00> : vector<4000x256xf32>
    %dot_general3A_38 = tpu.matmul %add3A_21, %get3A_36, %dot_general3A_37 {dimension_numbers = #tpu.dot_dimension_numbers<[1], [0], [0], [1], [0, 0, 1, 1], [], []>, transpose_lhs_hint = false} : vector<4000x256xf32>, vector<256x256xf32>, vector<4000x256xf32> -> vector<4000x256xf32>
    %get3A_39 = arith.constant 0 : index
    %get3A_40 = arith.constant 0 : index
    %get3A_41 = vector.load %arg9[%get3A_39, %get3A_40] : memref<1x256xf32, #tpu.memory_space<vmem>>, vector<1x256xf32>
    %add3A_42 = vector.broadcast %get3A_41 : vector<1x256xf32> to vector<4000x256xf32>
    %add3A_43 = arith.addf %dot_general3A_38, %add3A_42 : vector<4000x256xf32>
    %swap3A_44 = arith.constant 0 : index
    %swap3A_45 = arith.constant 0 : index
    %swap3A_46 = vector.load %arg11[%swap3A_44, %swap3A_45] : memref<4000x256xf32, #tpu.memory_space<vmem>>, vector<4000x256xf32>
    tpu.vector_store %arg11[%swap3A_44, %swap3A_45], %add3A_43 {strides = array<i32>} : memref<4000x256xf32, #tpu.memory_space<vmem>>, vector<4000x256xf32>,
    return
  }
  func.func @transform_0(%arg0: i32) -> (i32, i32) {
    %c0_i32 = arith.constant 0 : i32
    %c0_i32_0 = arith.constant 0 : i32
    return %arg0, %c0_i32 : i32, i32
  }
  func.func @transform_1(%arg0: i32) -> (i32, i32) {
    %c0_i32 = arith.constant 0 : i32
    %c0_i32_0 = arith.constant 0 : i32
    %c0_i32_1 = arith.constant 0 : i32
    return %c0_i32, %c0_i32_0 : i32, i32
  }
  func.func @transform_2(%arg0: i32) -> (i32, i32) {
    %c0_i32 = arith.constant 0 : i32
    %c0_i32_0 = arith.constant 0 : i32
    %c0_i32_1 = arith.constant 0 : i32
    return %c0_i32, %c0_i32_0 : i32, i32
  }
  func.func @transform_3(%arg0: i32) -> (i32, i32) {
    %c0_i32 = arith.constant 0 : i32
    %c0_i32_0 = arith.constant 0 : i32
    %c0_i32_1 = arith.constant 0 : i32
    return %c0_i32, %c0_i32_0 : i32, i32
  }
  func.func @transform_4(%arg0: i32) -> (i32, i32) {
    %c0_i32 = arith.constant 0 : i32
    %c0_i32_0 = arith.constant 0 : i32
    %c0_i32_1 = arith.constant 0 : i32
    return %c0_i32, %c0_i32_0 : i32, i32
  }
  func.func @transform_5(%arg0: i32) -> (i32, i32) {
    %c0_i32 = arith.constant 0 : i32
    %c0_i32_0 = arith.constant 0 : i32
    %c0_i32_1 = arith.constant 0 : i32
    return %c0_i32, %c0_i32_0 : i32, i32
  }
  func.func @transform_6(%arg0: i32) -> (i32, i32) {
    %c0_i32 = arith.constant 0 : i32
    %c0_i32_0 = arith.constant 0 : i32
    %c0_i32_1 = arith.constant 0 : i32
    return %c0_i32, %c0_i32_0 : i32, i32
  }
  func.func @transform_7(%arg0: i32) -> (i32, i32) {
    %c0_i32 = arith.constant 0 : i32
    %c0_i32_0 = arith.constant 0 : i32
    %c0_i32_1 = arith.constant 0 : i32
    return %c0_i32, %c0_i32_0 : i32, i32
  }
  func.func @transform_8(%arg0: i32) -> (i32, i32) {
    %c0_i32 = arith.constant 0 : i32
    %c0_i32_0 = arith.constant 0 : i32
    %c0_i32_1 = arith.constant 0 : i32
    return %c0_i32, %c0_i32_0 : i32, i32
  }
  func.func @transform_9(%arg0: i32) -> (i32, i32) {
    %c0_i32 = arith.constant 0 : i32
    %c0_i32_0 = arith.constant 0 : i32
    return %arg0, %c0_i32 : i32, i32
  }
  func.func @transform_10(%arg0: i32) -> (i32, i32) {
    %c0_i32 = arith.constant 0 : i32
    %c0_i32_0 = arith.constant 0 : i32
    return %arg0, %c0_i32 : i32, i32
  }
}

module attributes {stable_mosaic.version = 14 : i64} {
  func.func @_node_mlp_body(%arg0: i32, %arg1: memref<2000x128xf32, #tpu.memory_space<vmem>>, %arg2: memref<2000x128xf32, #tpu.memory_space<vmem>>, %arg3: memref<128x256xf32, #tpu.memory_space<vmem>>, %arg4: memref<1x256xf32, #tpu.memory_space<vmem>>, %arg5: memref<256x256xf32, #tpu.memory_space<vmem>>, %arg6: memref<1x256xf32, #tpu.memory_space<vmem>>, %arg7: memref<2000x256xf32, #tpu.memory_space<vmem>>) attributes {dimension_semantics = [#tpu.dimension_semantics<arbitrary>], iteration_bounds = array<i64: 5>, scalar_prefetch = 0 : i64, scratch_operands = 0 : i64, tpu.core_type = #tpu.core_type<tc>, window_params = [{transform_indices = @transform_0, window_bounds = array<i64: 2000, 128>}, {transform_indices = @transform_1, window_bounds = array<i64: 2000, 128>}, {pipeline_mode = #tpu.pipeline_mode<synchronous>, transform_indices = @transform_2, window_bounds = array<i64: 128, 256>}, {pipeline_mode = #tpu.pipeline_mode<synchronous>, transform_indices = @transform_3, window_bounds = array<i64: 1, 256>}, {pipeline_mode = #tpu.pipeline_mode<synchronous>, transform_indices = @transform_4, window_bounds = array<i64: 256, 256>}, {pipeline_mode = #tpu.pipeline_mode<synchronous>, transform_indices = @transform_5, window_bounds = array<i64: 1, 256>}, {transform_indices = @transform_6, window_bounds = array<i64: 2000, 256>}]} {
    %get3A = arith.constant 0 : index
    %get3A_0 = arith.constant 0 : index
    %get3A_1 = vector.load %arg1[%get3A, %get3A_0] : memref<2000x128xf32, #tpu.memory_space<vmem>>, vector<2000x128xf32>
    %get3A_2 = arith.constant 0 : index
    %get3A_3 = arith.constant 0 : index
    %get3A_4 = vector.load %arg2[%get3A_2, %get3A_3] : memref<2000x128xf32, #tpu.memory_space<vmem>>, vector<2000x128xf32>
    %add3A = arith.addf %get3A_1, %get3A_4 : vector<2000x128xf32>
    %get3A_5 = arith.constant 0 : index
    %get3A_6 = arith.constant 0 : index
    %get3A_7 = vector.load %arg3[%get3A_5, %get3A_6] : memref<128x256xf32, #tpu.memory_space<vmem>>, vector<128x256xf32>
    %dot_general3A = arith.constant dense<0.000000e+00> : vector<2000x256xf32>
    %dot_general3A_8 = tpu.matmul %add3A, %get3A_7, %dot_general3A {dimension_numbers = #tpu.dot_dimension_numbers<[1], [0], [0], [1], [0, 0, 1, 1], [], []>, transpose_lhs_hint = false} : vector<2000x128xf32>, vector<128x256xf32>, vector<2000x256xf32> -> vector<2000x256xf32>
    %get3A_9 = arith.constant 0 : index
    %get3A_10 = arith.constant 0 : index
    %get3A_11 = vector.load %arg4[%get3A_9, %get3A_10] : memref<1x256xf32, #tpu.memory_space<vmem>>, vector<1x256xf32>
    %add3A_12 = vector.broadcast %get3A_11 : vector<1x256xf32> to vector<2000x256xf32>
    %add3A_13 = arith.addf %dot_general3A_8, %add3A_12 : vector<2000x256xf32>
    %max3A = arith.constant 0.000000e+00 : f32
    %max3A_14 = vector.broadcast %max3A : f32 to vector<2000x256xf32>
    %max3A_15 = arith.maximumf %add3A_13, %max3A_14 : vector<2000x256xf32>
    %get3A_16 = arith.constant 0 : index
    %get3A_17 = arith.constant 0 : index
    %get3A_18 = vector.load %arg5[%get3A_16, %get3A_17] : memref<256x256xf32, #tpu.memory_space<vmem>>, vector<256x256xf32>
    %dot_general3A_19 = arith.constant dense<0.000000e+00> : vector<2000x256xf32>
    %dot_general3A_20 = tpu.matmul %max3A_15, %get3A_18, %dot_general3A_19 {dimension_numbers = #tpu.dot_dimension_numbers<[1], [0], [0], [1], [0, 0, 1, 1], [], []>, transpose_lhs_hint = false} : vector<2000x256xf32>, vector<256x256xf32>, vector<2000x256xf32> -> vector<2000x256xf32>
    %get3A_21 = arith.constant 0 : index
    %get3A_22 = arith.constant 0 : index
    %get3A_23 = vector.load %arg6[%get3A_21, %get3A_22] : memref<1x256xf32, #tpu.memory_space<vmem>>, vector<1x256xf32>
    %add3A_24 = vector.broadcast %get3A_23 : vector<1x256xf32> to vector<2000x256xf32>
    %add3A_25 = arith.addf %dot_general3A_20, %add3A_24 : vector<2000x256xf32>
    %max3A_26 = arith.constant 0.000000e+00 : f32
    %max3A_27 = vector.broadcast %max3A_26 : f32 to vector<2000x256xf32>
    %max3A_28 = arith.maximumf %add3A_25, %max3A_27 : vector<2000x256xf32>
    %swap3A = arith.constant 0 : index
    %swap3A_29 = arith.constant 0 : index
    %swap3A_30 = vector.load %arg7[%swap3A, %swap3A_29] : memref<2000x256xf32, #tpu.memory_space<vmem>>, vector<2000x256xf32>
    tpu.vector_store %arg7[%swap3A, %swap3A_29], %max3A_28 {strides = array<i32>} : memref<2000x256xf32, #tpu.memory_space<vmem>>, vector<2000x256xf32>,
    return
  }
  func.func @transform_0(%arg0: i32) -> (i32, i32) {
    %c0_i32 = arith.constant 0 : i32
    %c0_i32_0 = arith.constant 0 : i32
    return %arg0, %c0_i32 : i32, i32
  }
  func.func @transform_1(%arg0: i32) -> (i32, i32) {
    %c0_i32 = arith.constant 0 : i32
    %c0_i32_0 = arith.constant 0 : i32
    return %arg0, %c0_i32 : i32, i32
  }
  func.func @transform_2(%arg0: i32) -> (i32, i32) {
    %c0_i32 = arith.constant 0 : i32
    %c0_i32_0 = arith.constant 0 : i32
    %c0_i32_1 = arith.constant 0 : i32
    return %c0_i32, %c0_i32_0 : i32, i32
  }
  func.func @transform_3(%arg0: i32) -> (i32, i32) {
    %c0_i32 = arith.constant 0 : i32
    %c0_i32_0 = arith.constant 0 : i32
    %c0_i32_1 = arith.constant 0 : i32
    return %c0_i32, %c0_i32_0 : i32, i32
  }
  func.func @transform_4(%arg0: i32) -> (i32, i32) {
    %c0_i32 = arith.constant 0 : i32
    %c0_i32_0 = arith.constant 0 : i32
    %c0_i32_1 = arith.constant 0 : i32
    return %c0_i32, %c0_i32_0 : i32, i32
  }
  func.func @transform_5(%arg0: i32) -> (i32, i32) {
    %c0_i32 = arith.constant 0 : i32
    %c0_i32_0 = arith.constant 0 : i32
    %c0_i32_1 = arith.constant 0 : i32
    return %c0_i32, %c0_i32_0 : i32, i32
  }
  func.func @transform_6(%arg0: i32) -> (i32, i32) {
    %c0_i32 = arith.constant 0 : i32
    %c0_i32_0 = arith.constant 0 : i32
    return %arg0, %c0_i32 : i32, i32
  }
}

module attributes {stable_mosaic.version = 14 : i64} {
  func.func @_node_mlp_body(%arg0: i32, %arg1: memref<2000x256xf32, #tpu.memory_space<vmem>>, %arg2: memref<2000x256xf32, #tpu.memory_space<vmem>>, %arg3: memref<256x256xf32, #tpu.memory_space<vmem>>, %arg4: memref<1x256xf32, #tpu.memory_space<vmem>>, %arg5: memref<256x256xf32, #tpu.memory_space<vmem>>, %arg6: memref<1x256xf32, #tpu.memory_space<vmem>>, %arg7: memref<2000x256xf32, #tpu.memory_space<vmem>>) attributes {dimension_semantics = [#tpu.dimension_semantics<arbitrary>], iteration_bounds = array<i64: 5>, scalar_prefetch = 0 : i64, scratch_operands = 0 : i64, tpu.core_type = #tpu.core_type<tc>, window_params = [{transform_indices = @transform_0, window_bounds = array<i64: 2000, 256>}, {transform_indices = @transform_1, window_bounds = array<i64: 2000, 256>}, {pipeline_mode = #tpu.pipeline_mode<synchronous>, transform_indices = @transform_2, window_bounds = array<i64: 256, 256>}, {pipeline_mode = #tpu.pipeline_mode<synchronous>, transform_indices = @transform_3, window_bounds = array<i64: 1, 256>}, {pipeline_mode = #tpu.pipeline_mode<synchronous>, transform_indices = @transform_4, window_bounds = array<i64: 256, 256>}, {pipeline_mode = #tpu.pipeline_mode<synchronous>, transform_indices = @transform_5, window_bounds = array<i64: 1, 256>}, {transform_indices = @transform_6, window_bounds = array<i64: 2000, 256>}]} {
    %get3A = arith.constant 0 : index
    %get3A_0 = arith.constant 0 : index
    %get3A_1 = vector.load %arg1[%get3A, %get3A_0] : memref<2000x256xf32, #tpu.memory_space<vmem>>, vector<2000x256xf32>
    %get3A_2 = arith.constant 0 : index
    %get3A_3 = arith.constant 0 : index
    %get3A_4 = vector.load %arg2[%get3A_2, %get3A_3] : memref<2000x256xf32, #tpu.memory_space<vmem>>, vector<2000x256xf32>
    %add3A = arith.addf %get3A_1, %get3A_4 : vector<2000x256xf32>
    %get3A_5 = arith.constant 0 : index
    %get3A_6 = arith.constant 0 : index
    %get3A_7 = vector.load %arg3[%get3A_5, %get3A_6] : memref<256x256xf32, #tpu.memory_space<vmem>>, vector<256x256xf32>
    %dot_general3A = arith.constant dense<0.000000e+00> : vector<2000x256xf32>
    %dot_general3A_8 = tpu.matmul %add3A, %get3A_7, %dot_general3A {dimension_numbers = #tpu.dot_dimension_numbers<[1], [0], [0], [1], [0, 0, 1, 1], [], []>, transpose_lhs_hint = false} : vector<2000x256xf32>, vector<256x256xf32>, vector<2000x256xf32> -> vector<2000x256xf32>
    %get3A_9 = arith.constant 0 : index
    %get3A_10 = arith.constant 0 : index
    %get3A_11 = vector.load %arg4[%get3A_9, %get3A_10] : memref<1x256xf32, #tpu.memory_space<vmem>>, vector<1x256xf32>
    %add3A_12 = vector.broadcast %get3A_11 : vector<1x256xf32> to vector<2000x256xf32>
    %add3A_13 = arith.addf %dot_general3A_8, %add3A_12 : vector<2000x256xf32>
    %max3A = arith.constant 0.000000e+00 : f32
    %max3A_14 = vector.broadcast %max3A : f32 to vector<2000x256xf32>
    %max3A_15 = arith.maximumf %add3A_13, %max3A_14 : vector<2000x256xf32>
    %get3A_16 = arith.constant 0 : index
    %get3A_17 = arith.constant 0 : index
    %get3A_18 = vector.load %arg5[%get3A_16, %get3A_17] : memref<256x256xf32, #tpu.memory_space<vmem>>, vector<256x256xf32>
    %dot_general3A_19 = arith.constant dense<0.000000e+00> : vector<2000x256xf32>
    %dot_general3A_20 = tpu.matmul %max3A_15, %get3A_18, %dot_general3A_19 {dimension_numbers = #tpu.dot_dimension_numbers<[1], [0], [0], [1], [0, 0, 1, 1], [], []>, transpose_lhs_hint = false} : vector<2000x256xf32>, vector<256x256xf32>, vector<2000x256xf32> -> vector<2000x256xf32>
    %get3A_21 = arith.constant 0 : index
    %get3A_22 = arith.constant 0 : index
    %get3A_23 = vector.load %arg6[%get3A_21, %get3A_22] : memref<1x256xf32, #tpu.memory_space<vmem>>, vector<1x256xf32>
    %add3A_24 = vector.broadcast %get3A_23 : vector<1x256xf32> to vector<2000x256xf32>
    %add3A_25 = arith.addf %dot_general3A_20, %add3A_24 : vector<2000x256xf32>
    %max3A_26 = arith.constant 0.000000e+00 : f32
    %max3A_27 = vector.broadcast %max3A_26 : f32 to vector<2000x256xf32>
    %max3A_28 = arith.maximumf %add3A_25, %max3A_27 : vector<2000x256xf32>
    %swap3A = arith.constant 0 : index
    %swap3A_29 = arith.constant 0 : index
    %swap3A_30 = vector.load %arg7[%swap3A, %swap3A_29] : memref<2000x256xf32, #tpu.memory_space<vmem>>, vector<2000x256xf32>
    tpu.vector_store %arg7[%swap3A, %swap3A_29], %max3A_28 {strides = array<i32>} : memref<2000x256xf32, #tpu.memory_space<vmem>>, vector<2000x256xf32>,
    return
  }
  func.func @transform_0(%arg0: i32) -> (i32, i32) {
    %c0_i32 = arith.constant 0 : i32
    %c0_i32_0 = arith.constant 0 : i32
    return %arg0, %c0_i32 : i32, i32
  }
  func.func @transform_1(%arg0: i32) -> (i32, i32) {
    %c0_i32 = arith.constant 0 : i32
    %c0_i32_0 = arith.constant 0 : i32
    return %arg0, %c0_i32 : i32, i32
  }
  func.func @transform_2(%arg0: i32) -> (i32, i32) {
    %c0_i32 = arith.constant 0 : i32
    %c0_i32_0 = arith.constant 0 : i32
    %c0_i32_1 = arith.constant 0 : i32
    return %c0_i32, %c0_i32_0 : i32, i32
  }
  func.func @transform_3(%arg0: i32) -> (i32, i32) {
    %c0_i32 = arith.constant 0 : i32
    %c0_i32_0 = arith.constant 0 : i32
    %c0_i32_1 = arith.constant 0 : i32
    return %c0_i32, %c0_i32_0 : i32, i32
  }
  func.func @transform_4(%arg0: i32) -> (i32, i32) {
    %c0_i32 = arith.constant 0 : i32
    %c0_i32_0 = arith.constant 0 : i32
    %c0_i32_1 = arith.constant 0 : i32
    return %c0_i32, %c0_i32_0 : i32, i32
  }
  func.func @transform_5(%arg0: i32) -> (i32, i32) {
    %c0_i32 = arith.constant 0 : i32
    %c0_i32_0 = arith.constant 0 : i32
    %c0_i32_1 = arith.constant 0 : i32
    return %c0_i32, %c0_i32_0 : i32, i32
  }
  func.func @transform_6(%arg0: i32) -> (i32, i32) {
    %c0_i32 = arith.constant 0 : i32
    %c0_i32_0 = arith.constant 0 : i32
    return %arg0, %c0_i32 : i32, i32
  }
}

module attributes {stable_mosaic.version = 14 : i64} {
  func.func @_head_body(%arg0: memref<64x256xf32, #tpu.memory_space<vmem>>, %arg1: memref<64x1xf32, #tpu.memory_space<vmem>>, %arg2: memref<256x128xf32, #tpu.memory_space<vmem>>, %arg3: memref<1x128xf32, #tpu.memory_space<vmem>>, %arg4: memref<128x64xf32, #tpu.memory_space<vmem>>, %arg5: memref<1x64xf32, #tpu.memory_space<vmem>>, %arg6: memref<64x3xf32, #tpu.memory_space<vmem>>, %arg7: memref<1x3xf32, #tpu.memory_space<vmem>>, %arg8: memref<64x3xf32, #tpu.memory_space<vmem>>) attributes {dimension_semantics = [], scalar_prefetch = 0 : i64, scratch_operands = 0 : i64, tpu.core_type = #tpu.core_type<tc>} {
    %get3A = arith.constant 0 : index
    %get3A_0 = arith.constant 0 : index
    %get3A_1 = vector.load %arg0[%get3A, %get3A_0] : memref<64x256xf32, #tpu.memory_space<vmem>>, vector<64x256xf32>
    %get3A_2 = arith.constant 0 : index
    %get3A_3 = arith.constant 0 : index
    %get3A_4 = vector.load %arg1[%get3A_2, %get3A_3] : memref<64x1xf32, #tpu.memory_space<vmem>>, vector<64x1xf32>
    %max3A = arith.constant 1.000000e+00 : f32
    %max3A_5 = vector.broadcast %max3A : f32 to vector<64x1xf32>
    %max3A_6 = arith.maximumf %get3A_4, %max3A_5 : vector<64x1xf32>
    %div3A = vector.broadcast %max3A_6 : vector<64x1xf32> to vector<64x256xf32>
    %div3A_7 = arith.divf %get3A_1, %div3A : vector<64x256xf32>
    %get3A_8 = arith.constant 0 : index
    %get3A_9 = arith.constant 0 : index
    %get3A_10 = vector.load %arg2[%get3A_8, %get3A_9] : memref<256x128xf32, #tpu.memory_space<vmem>>, vector<256x128xf32>
    %dot_general3A = arith.constant dense<0.000000e+00> : vector<64x128xf32>
    %dot_general3A_11 = tpu.matmul %div3A_7, %get3A_10, %dot_general3A {dimension_numbers = #tpu.dot_dimension_numbers<[1], [0], [0], [1], [0, 0, 1, 1], [], []>, transpose_lhs_hint = false} : vector<64x256xf32>, vector<256x128xf32>, vector<64x128xf32> -> vector<64x128xf32>
    %get3A_12 = arith.constant 0 : index
    %get3A_13 = arith.constant 0 : index
    %get3A_14 = vector.load %arg3[%get3A_12, %get3A_13] : memref<1x128xf32, #tpu.memory_space<vmem>>, vector<1x128xf32>
    %add3A = vector.broadcast %get3A_14 : vector<1x128xf32> to vector<64x128xf32>
    %add3A_15 = arith.addf %dot_general3A_11, %add3A : vector<64x128xf32>
    %max3A_16 = arith.constant 0.000000e+00 : f32
    %max3A_17 = vector.broadcast %max3A_16 : f32 to vector<64x128xf32>
    %max3A_18 = arith.maximumf %add3A_15, %max3A_17 : vector<64x128xf32>
    %get3A_19 = arith.constant 0 : index
    %get3A_20 = arith.constant 0 : index
    %get3A_21 = vector.load %arg4[%get3A_19, %get3A_20] : memref<128x64xf32, #tpu.memory_space<vmem>>, vector<128x64xf32>
    %dot_general3A_22 = arith.constant dense<0.000000e+00> : vector<64x64xf32>
    %dot_general3A_23 = tpu.matmul %max3A_18, %get3A_21, %dot_general3A_22 {dimension_numbers = #tpu.dot_dimension_numbers<[1], [0], [0], [1], [0, 0, 1, 1], [], []>, transpose_lhs_hint = false} : vector<64x128xf32>, vector<128x64xf32>, vector<64x64xf32> -> vector<64x64xf32>
    %get3A_24 = arith.constant 0 : index
    %get3A_25 = arith.constant 0 : index
    %get3A_26 = vector.load %arg5[%get3A_24, %get3A_25] : memref<1x64xf32, #tpu.memory_space<vmem>>, vector<1x64xf32>
    %add3A_27 = vector.broadcast %get3A_26 : vector<1x64xf32> to vector<64x64xf32>
    %add3A_28 = arith.addf %dot_general3A_23, %add3A_27 : vector<64x64xf32>
    %max3A_29 = arith.constant 0.000000e+00 : f32
    %max3A_30 = vector.broadcast %max3A_29 : f32 to vector<64x64xf32>
    %max3A_31 = arith.maximumf %add3A_28, %max3A_30 : vector<64x64xf32>
    %get3A_32 = arith.constant 0 : index
    %get3A_33 = arith.constant 0 : index
    %get3A_34 = vector.load %arg6[%get3A_32, %get3A_33] : memref<64x3xf32, #tpu.memory_space<vmem>>, vector<64x3xf32>
    %dot_general3A_35 = arith.constant dense<0.000000e+00> : vector<64x3xf32>
    %dot_general3A_36 = tpu.matmul %max3A_31, %get3A_34, %dot_general3A_35 {dimension_numbers = #tpu.dot_dimension_numbers<[1], [0], [0], [1], [0, 0, 1, 1], [], []>, transpose_lhs_hint = false} : vector<64x64xf32>, vector<64x3xf32>, vector<64x3xf32> -> vector<64x3xf32>
    %get3A_37 = arith.constant 0 : index
    %get3A_38 = arith.constant 0 : index
    %get3A_39 = vector.load %arg7[%get3A_37, %get3A_38] : memref<1x3xf32, #tpu.memory_space<vmem>>, vector<1x3xf32>
    %add3A_40 = vector.broadcast %get3A_39 : vector<1x3xf32> to vector<64x3xf32>
    %add3A_41 = arith.addf %dot_general3A_36, %add3A_40 : vector<64x3xf32>
    %swap3A = arith.constant 0 : index
    %swap3A_42 = arith.constant 0 : index
    %swap3A_43 = vector.load %arg8[%swap3A, %swap3A_42] : memref<64x3xf32, #tpu.memory_space<vmem>>, vector<64x3xf32>
    tpu.vector_store %arg8[%swap3A, %swap3A_42], %add3A_41 {strides = array<i32>} : memref<64x3xf32, #tpu.memory_space<vmem>>, vector<64x3xf32>,
    return
  }
}

</mosaic_0001>

<sc_bundles>
// kernel: scatter_offload_async_start.1
scs
__scs_entry_jumppad:
0x0: {  	(pc) =	sbr.rel $0x88, $3  }
0x1: {  	(tag) =	ssettag $0x0;
	lr =	simm.s32 $0x1  }
0x2: {  	[smem:$0x3F83] =	sst lr;
	_ =	strace $0xD0000000  }
0x3: {  	_ = 	snop  }
0x4: {  	_ = 	snop  }
0x5: {  	_ = 	snop  }
0x6: {  	_ = 	snop  }
0x7: {  	_ = 	snop  }
__scs_overlays_trampoline_lowered:
0x8: {  	[smem:$0x3F92] =	sst s0  }
0x9: {  	[smem:$0x3F93] =	sst s1  }
0xa: {  	[smem:$0x3F94] =	sst s2  }
0xb: {  	[smem:$0x3F95] =	sst s3  }
0xc: {  	[smem:$0x3F96] =	sst s4  }
0xd: {  	[smem:$0x3F97] =	sst s5  }
0xe: {  	[smem:$0x3F98] =	sst s6  }
0xf: {  	[smem:$0x3F99] =	sst s7  }
0x10: {  	[smem:$0x3F9A] =	sst s8  }
0x11: {  	[smem:$0x3F9B] =	sst s9;
	s0 =	simm.s32 @!p0 $0x0  }
0x12: {  	s1 =	sld [smem:$0x3F81];
	s0 =	simm.s32 @p0 $0x1  }
0x13: {  	[smem:$0x3F9C] =	sst s0;
	s0 =	simm.s32 @!p1 $0x0  }
0x14: {  	s2 =	sld [smem:$0x3F80];
	s0 =	simm.s32 @p1 $0x1  }
0x15: {  	[smem:$0x3F9D] =	sst s0;
	s0 =	simm.s32 @!p2 $0x0  }
0x16: {  	s3 =	sld [smem:$0x3FDB];
	s0 =	simm.s32 @p2 $0x1  }
0x17: {  	s4 =	simm.s32 $0x1BF5;
	[smem:$0x3F9F] =	sst s0  }
0x18: {  	s0 =	sld [smem:$0x3F82];
	_ =	swait.ge [sflag:s4], $0x0  }
0x19: {  	s7 =	sld [smem:$0x3F83]  }
0x1a: {  	s8 =	sadd.s32 $0xFFFFE003, lr  }
0x1b: {  	s9 =	sadd.s32 $0xFFFFFEF7, lr;
	s5 =	simm.s32 $0xFFFFFFFF;
	p2 =	slt.u32 s8, $0xFFFFF086  }
0x1c: {  	p1 =	slt.u32 s9, $0xF7A;
	s5 =	simm.s32 @!p2 $0x0  }
0x1d: {  	s5 =	simm.s32 @p1 $0x1;
	p0 =	seq.s32 s7, s2  }
0x1e: {  	s7 =	smul.u32 @!p0 $0xF7A, s2;
	p2 =	seq.s32 @!p0 s5, $0x0  }
0x1f: {  	s9 =	smul.u32 $0xF7A, s1;
	s8 =	simm.s32 @!p0 $0x1BF5;
	p2 =	por !p2, p0  }
0x20: {  	[sflag:s8] =	ssyncset.s32 @!p0 $0xFFFFF086;
	s6 =	sadd.s32 @!p0 s3, s7;
	s7 =	simm.s32 @!p0 $0x108  }
0x21: {  	s3 =	sadd.s32 s3, s9;
	s6 =	sadd.s32 @!p0 $0x88, s6;
	s7 =	simm.s32 @p2 $0x1082  }
0x22: {  	[simem:s7], [sflag:s8] =	dma.local @!p0 [hbm:s6], $0xF7A  }
0x23: {  	s9 =	sor.u32 $0xD0000000, s2;
	s6 =	simm.s32 $0x108;
	_ =	swait.ge @!p0 [sflag:s8], $0x0  }
0x24: {  	s3 =	sadd.s32 $0x88, s3;
	s6 =	simm.s32 @!p1 $0x1082;
	[sflag:s4] =	ssyncset.s32 $0xFFFFF086  }
0x25: {  	[simem:s6], [sflag:s4] =	dma.local [hbm:s3], $0xF7A  }
0x26: {  	[smem:$0x3F83] =	sst s1;
	(tag) =	ssettag s2;
	_ =	strace s9  }
0x27: {  	s1 =	sld [smem:$0x3F93]  }
0x28: {  	s2 =	sld [smem:$0x3F94]  }
0x29: {  	s4 =	sld [smem:$0x3F96]  }
0x2a: {  	p0 =	seq.s32 s5, $0x0;
	s5 =	sld [smem:$0x3F97]  }
0x2b: {  	s6 =	sld [smem:$0x3F98]  }
0x2c: {  	s7 =	sld [smem:$0x3F99]  }
0x2d: {  	s3 =	simm.s32 $0x108;
	s8 =	sld [smem:$0x3F9A]  }
0x2e: {  	s3 =	simm.s32 @!p0 $0x1082;
	s9 =	sld [smem:$0x3F9B]  }
0x2f: {  	lr =	sadd.s32 s0, s3;
	s0 =	sld [smem:$0x3F92]  }
0x30: {  	s3 =	sld [smem:$0x3F95]  }
0x31: {  	[smem:$0x3F9E] =	sst s10  }
0x32: {  	s10 =	sld [smem:$0x3F9C];
	_ =	sdelay $0x3  }
0x33: {  	p0 =	seq.s32 s10, $0x1;
	s10 =	sld [smem:$0x3F9E];
	_ =	sdelay $0x3  }
0x34: {  	[smem:$0x3F9E] =	sst s10  }
0x35: {  	s10 =	sld [smem:$0x3F9D];
	_ =	sdelay $0x3  }
0x36: {  	p1 =	seq.s32 s10, $0x1;
	s10 =	sld [smem:$0x3F9E];
	_ =	sdelay $0x3  }
0x37: {  	[smem:$0x3F9E] =	sst s10  }
0x38: {  	s10 =	sld [smem:$0x3F9F]  }
0x39: {  	_ = 	snop;
	(pc) =	sbr.ind lr, $3  }
0x3a: {  	_ = 	snop  }
0x3b: {  	_ = 	snop  }
0x3c: {  	p2 =	seq.s32 s10, $0x1;
	s10 =	sld [smem:$0x3F9E]  }
0x3d: {  	_ =	shalt  }
0x3e: {  	_ =	shalt  }
0x3f: {  	_ =	shalt  }
0x40: {  	_ =	shalt  }
0x41: {  	_ =	shalt  }
0x42: {  	_ =	shalt  }
0x43: {  	_ =	shalt  }
0x44: {  	_ =	shalt  }
0x45: {  	_ =	shalt  }
0x46: {  	_ =	shalt  }
0x47: {  	_ =	shalt  }
0x48: {  	_ =	shalt  }
0x49: {  	_ =	shalt  }
0x4a: {  	_ =	shalt  }
0x4b: {  	_ =	shalt  }
0x4c: {  	_ =	shalt  }
0x4d: {  	_ =	shalt  }
0x4e: {  	_ =	shalt  }
0x4f: {  	_ =	shalt  }
0x50: {  	_ =	shalt  }
0x51: {  	_ =	shalt  }
0x52: {  	_ =	shalt  }
0x53: {  	_ =	shalt  }
0x54: {  	_ =	shalt  }
0x55: {  	_ =	shalt  }
0x56: {  	_ =	shalt  }
0x57: {  	_ =	shalt  }
0x58: {  	_ =	shalt  }
0x59: {  	_ =	shalt  }
0x5a: {  	_ =	shalt  }
0x5b: {  	_ =	shalt  }
0x5c: {  	_ =	shalt  }
0x5d: {  	_ =	shalt  }
0x5e: {  	_ =	shalt  }
0x5f: {  	_ =	shalt  }
0x60: {  	_ =	shalt  }
0x61: {  	_ =	shalt  }
0x62: {  	_ =	shalt  }
0x63: {  	_ =	shalt  }
0x64: {  	_ =	shalt  }
0x65: {  	_ =	shalt  }
0x66: {  	_ =	shalt  }
0x67: {  	_ =	shalt  }
0x68: {  	_ =	shalt  }
0x69: {  	_ =	shalt  }
0x6a: {  	_ =	shalt  }
0x6b: {  	_ =	shalt  }
0x6c: {  	_ =	shalt  }
0x6d: {  	_ =	shalt  }
0x6e: {  	_ =	shalt  }
0x6f: {  	_ =	shalt  }
0x70: {  	_ =	shalt  }
0x71: {  	_ =	shalt  }
0x72: {  	_ =	shalt  }
0x73: {  	_ =	shalt  }
0x74: {  	_ =	shalt  }
0x75: {  	_ =	shalt  }
0x76: {  	_ =	shalt  }
0x77: {  	_ =	shalt  }
0x78: {  	_ =	shalt  }
0x79: {  	_ =	shalt  }
0x7a: {  	_ =	shalt  }
0x7b: {  	_ =	shalt  }
0x7c: {  	_ =	shalt  }
0x7d: {  	_ =	shalt  }
0x7e: {  	_ =	shalt  }
0x7f: {  	_ =	shalt  }
0x80: {  	_ =	shalt  }
0x81: {  	_ =	shalt  }
0x82: {  	_ =	shalt  }
0x83: {  	_ =	shalt  }
0x84: {  	_ =	shalt  }
0x85: {  	_ =	shalt  }
0x86: {  	_ =	shalt  }
0x87: {  	_ =	shalt  }
.Lfunc_end0:
.L_simem_size_0:
called_computation.1_lowered:
.L_overlay_start_0:
0x88: {  	s2 =	sld [smem:$0x3FD9]  }
0x89: {  	s3 =	sld [smem:$0x3FFE];
	_ =	sdelay $0x1  }
0x8a: {  	s1 =	srdreg.scid  }
0x8b: {  	s0 =	sand.u32 $0x1, s1  }
0x8c: {  	s15 =	sshll.u32 s0, $0xA;
	s2 =	sadd.s32 s3, s2  }
0x8d: {  	s2 =	sadd.s32 s2, s15  }
0x8e: {  	[smem:$0x3FAA] =	sst s2  }
0x8f: {  	_ = 	snop  }
0x90: {  	(tm) =	ssettm $0x1  }
0x91: {  	s16 =	sld [smem:$0x3FFB];
	_ =	sdelay $0x3  }
0x92: {  	_ =	strace s16  }
0x93: {  	s2 =	sld [smem:$0x3FFC];
	_ =	sdelay $0x3  }
0x94: {  	_ =	strace s2  }
0x95: {  	s2 =	sld [smem:$0x3FFD];
	_ =	sdelay $0x3  }
0x96: {  	_ =	strace s2  }
0x97: {  	_ =	strace $0x8FFFFFFF  }
0x98: {  	s17 =	sld [smem:$0x3FDB];
	_ =	sdelay $0x1  }
0x99: {  	s18 =	simm.s32 $_scs_section_size  }
0x9a: {  	s4 =	simm.s32 $_size__tile_overlayer_lowered;
	s5 =	simm.s32 $_tile_overlayer_lowered  }
0x9b: {  	s21 =	simm.s32 $0x1BFF;
	s20 =	sshll.u32 s5, $0x1;
	s2 =	sadd.s32 s18, s17  }
0x9c: {  	s6 =	simm.s32 $0x0;
	s19 =	sshll.u32 s4, $0x1;
	s4 =	sadd.s32 s20, s2  }
0x9d: {  	[timem:s6], [sflag:s21] =	dma.local [hbm:s4], s19  }
0x9e: {  	_ =	swait.ge [sflag:s21], s19  }
0x9f: {  	s3 =	ssub.s32 $0x0, s19;
	[sflag:s21] =	ssyncset.done $0x0  }
0xa0: {  	[sflag:s21] =	ssyncadd.s32 s3;
	_ =	sdelay $0x1  }
0xa1: {  	s22 =	simm.s32 $0x1B8B  }
0xa2: {  	_ =	swait.ge [sflag:s22], $0x1  }
0xa3: {  	[sflag:s22] =	ssyncset.done $0x0  }
0xa4: {  	s23 =	sld [smem:$0x3FFE];
	[sflag:s22] =	ssyncadd.s32 $0xFFFFFFFF  }
0xa5: {  	s25 =	simm.s32 $0x1B8E;
	s24 =	sld [smem:$0x0]  }
0xa6: {  	s26 =	simm.s32 $execute0_lowered;
	[smem:$0x3FD2] =	sst s25  }
0xa7: {  	s5 =	sshll.u32 s26, $0x1;
	_ =	strace $0x80000049;
	[dreg:$0x1] =	wrdreg $0xFFFFFFFF  }
0xa8: {  	s28 =	simm.s32 $_size_execute0_lowered;
	s2 =	sadd.s32 s2, s5;
	[dreg:$0x0] =	wrdreg $0x0  }
0xa9: {  	s5 =	sshll.u32 s28, $0x1;
	[dreg:$0x2] =	wrdreg s2  }
0xaa: {  	[dreg:$0x3] =	wrdreg s5  }
0xab: {  	[dreg:$0x4] =	wrdreg $0xC0  }
0xac: {  	_ =	task [dreg:s6], $0x5FFFF  }
0xad: {  	[dreg:$0x1] =	wrdreg $0xFFFFFFFF  }
0xae: {  	[dreg:$0x0] =	wrdreg $0x60  }
0xaf: {  	[dreg:$0x2] =	wrdreg s23  }
0xb0: {  	[dreg:$0x3] =	wrdreg s1  }
0xb1: {  	[dreg:$0x4] =	wrdreg s24  }
0xb2: {  	[dreg:$0x5] =	wrdreg $0x9  }
0xb3: {  	_ =	task.clear_ibuf [dreg:s6], $0x6FFFF;
	_ =	strace $0x90000049  }
0xb4: {  	s29 =	simm.s32 $0x9;
	_ =	strace $0x8000004B  }
0xb5: {  	_ =	swait.ge [sflag:s29], $0x1  }
0xb6: {  	[sflag:s29] =	ssyncadd.s32 $0xFFFFFFFF  }
0xb7: {  	_ =	strace $0x9000004B  }
0xb8: {  	_ =	sfence  }
0xb9: {  	s30 =	sld [smem:$0x0];
	_ =	sdelay $0x2  }
0xba: {  	s31 =	sshll.u32 s1, $0xD;
	s1 =	sshrl.u32 s1, $0x2  }
0xbb: {  	s3 =	sand.u32 $0x4000, s31;
	s1 =	sadd.s32 s1, s30  }
0xbc: {  	s0 =	sor.u32 s3, s0;
	s1 =	sshll.u32 s1, $0x11  }
0xbd: {  	s0 =	sor.u32 s1, s0  }
0xbe: {  	s0 =	sadd.s32 $0x8F2B, s0  }
0xbf: {  	[sflag:s0] =	ssyncadd.remote.s32 $0x1  }
0xc0: {  	_ =	sfence.sel $0xFFFF  }
0xc1: {  	[dreg:$0x0] =	wrdreg $0xFFFFFFFF;
	(pc) =	sbr.abs _section_cstart, $3  }
0xc2: {  	[dreg:$0x1] =	wrdreg $0xFFFFFFFF  }
0xc3: {  	_ =	task.clear_ibuf [dreg:s6], $0x2FFFF;
	_ =	strace $0x9FFFFFFF  }
0xc4: {  	(tm) =	ssettm $0x7FFFFFFF  }
0xc5: {  	_ =	shalt  }
tec
execute0_lowered:
.L_overlay_start_1:
0x0: {  	(tag) =	ssettag $0x1  }
0x1: {  	s2 =	rddreg [dreg:$0x0]  }
0x2: {  	s3 =	rddreg [dreg:$0x1];
	_ =	strace $0x8000004A;
	s0 =	simm.s32 $0x1  }
0x3: {  	s5 =	simm.s32 $0x208;
	v0 =	vimm.s32 $0x0;
	[sflag:s0] =	ssyncpa.u1 $0x0  }
0x4: {  	[tilespmem:s5+$0x70] =	vst v0  }
0x5: {  	[tilespmem:s5+$0x60] =	vst v0  }
0x6: {  	[tilespmem:s5+$0x50] =	vst v0  }
0x7: {  	[tilespmem:s5+$0x40] =	vst v0  }
0x8: {  	[tilespmem:s5+$0x30] =	vst v0  }
0x9: {  	s1 =	sadd.s32 $0xA30400, s2;
	s0 =	sadd.s32 $0x800, s2;
	s6 =	sadd.s32 $0x6C400, s2;
	[tilespmem:s5+$0x20] =	vst v0  }
0xa: {  	s4 =	sadd.s32 $0x14400, s2;
	s10 =	sand.u32 $0x1, s3;
	s2 =	simm.s32 $0x40;
	[tilespmem:s5+$0x10] =	vst v0  }
.LBB2_1:
0xb: {  	s2 =	sadd.s32 $0x40, s2;
	[tilespmem:s5+$0x0] =	vst v0;
	s5 =	sadd.s32 $0x80, s5  }
0xc: {  	p0 =	slt.u32 s2, $0x3880;
	[tilespmem:s5+$0x70] =	vst v0  }
0xd: {  	[tilespmem:s5+$0x60] =	vst v0  }
.Ltmp0:
0xe: {  	[tilespmem:s5+$0x50] =	vst v0;
	(pc) =	sbr.rel @p0 .LBB2_1-.Ltmp0, $4  }
0xf: {  	[tilespmem:s5+$0x40] =	vst v0  }
0x10: {  	[tilespmem:s5+$0x30] =	vst v0  }
0x11: {  	[tilespmem:s5+$0x20] =	vst v0  }
0x12: {  	[tilespmem:s5+$0x10] =	vst v0  }
0x13: {  	s11 =	stileid.u32  }
0x14: {  	s2 =	smul.u32 $0x59, s11  }
0x15: {  	s3 =	smin.u32 s11, $0x5  }
0x16: {  	s2 =	sadd.s32 s3, s2  }
0x17: {  	p0 =	slt.u32 s11, $0x5;
	s20 =	smul.u32 $0x70, s2;
	s2 =	simm.s32 $0x2760  }
0x18: {  	s2 =	simm.s32 @!p0 $0x26F0  }
0x19: {  	s2 =	sadd.s32 s2, s20  }
0x1a: {  	s8 =	smin.u32 s2, $0x27100  }
0x1b: {  	s26 =	simm.s32 $0x2;
	s2 =	ssub.s32 s8, s20  }
0x1c: {  	s9 =	simm.s32 $0x9;
	s29 =	simm.s32 $0xA;
	p0 =	sgt.s32 s2, $0x0  }
0x1d: {  	s30 =	simm.s32 $0xB;
	s31 =	smul.u32 $0x4E20, s10;
	s2 =	simm.s32 @!p0 $0x0  }
0x1e: {  	[dreg:$0x4] =	wrdreg s10;
	s12 =	simm.s32 $0x1;
	s25 =	smulhi.u32 $0x92492493, s2  }
0x1f: {  	s24 =	simm.s32 $0x0;
	p1 =	por $0x0, $0x0;
	s18 =	simm.s32 $0x80  }
0x20: {  	s19 =	simm.s32 $0x400;
	s17 =	simm.s32 $0xC;
	s3 =	sshrl.u32 s25, $0x6  }
0x21: {  	s21 =	simm.s32 $0x0;
	s23 =	simm.s32 $0x0;
	s28 =	smul.u32 $0x70, s3  }
.Ltmp1:
0x22: {  	[tilespmem:s5+$0x0] =	vst v0;
	v0 =	vimm.s32 $0xFFFFFFFF;
	[sflag:s26] =	ssyncpa.u1 $0x0;
	s16 =	sshll.u32 s11, $0x9;
	(pc) =	sbr.rel .LBB2_3-.Ltmp1, $4  }
0x23: {  	[tilespmem:$0xE408] =	vst v0;
	[sflag:s9] =	ssyncpa.u1 $0x0;
	p0 =	sne.s32 s2, s28;
	s2 =	simm.s32 $0x1  }
0x24: {  	s14 =	sadd.s32 s31, s4;
	[sflag:s29] =	ssyncpa.u1 $0x0;
	s2 =	simm.s32 @!p0 $0x0  }
0x25: {  	s15 =	sadd.s32 s31, s0;
	[sflag:s30] =	ssyncpa.u1 $0x0;
	s13 =	sadd.s32 s2, s3  }
0x26: {  	v0 =	vlaneseq.u32;
	s22 =	smov.u32 s20;
	p0 =	por $0x1, $0x1;
	s11 =	sadd.s32 $0x1, s13  }
.LBB2_24:
0x27: {  	s2 =	sshrl.u32 s4, $0x2  }
.LBB2_26:
0x28: {  	_ =	swait.ge [sflag:s17], s2  }
0x29: {  	s31 =	ssub.s32 $0x0, s2;
	v1 =	vmov s26;
	vm0 =	veq.s32 v0, $0x0;
	[sflag:s17] =	ssyncset.done $0x0  }
0x2a: {  	vm15 =	veq.s32 v0, $0x2;
	v1 =	vsel vm0, s0, v1;
	[sflag:s17] =	ssyncadd.s32 s31  }
0x2b: {  	v1 =	vsel vm15, s24, v1;
	[sflag:s17] =	ssyncpa.u1 $0x1  }
0x2c: {  	[tilespmem:$0xE408] =	vst v1  }
.LBB2_27:
0x2d: {  	s0 =	sadd.s32 $0x70, s22  }
0x2e: {  	s2 =	smov.u32 s20;
	p2 =	slt.s32 s0, s8  }
0x2f: {  	s2 =	smov.u32 @p2 s0;
	p2 =	sne.s32 s23, s11  }
.Ltmp2:
0x30: {  	_ = 	snop;
	(pc) =	sbr.rel @!p2 .LBB2_28-.Ltmp2, $4  }
0x31: {  	_ = 	snop  }
0x32: {  	s24 =	smov.u32 s21  }
0x33: {  	s31 =	sadd.s32 $0x1, s23;
	s21 =	smov.u32 s22;
	p0 =	por !p0, !p0  }
0x34: {  	p1 =	por !p1, !p1;
	s23 =	smov.u32 s31;
	s22 =	smov.u32 s2  }
.LBB2_3:
0x35: {  	p2 =	sge.u32 s23, s13  }
0x36: {  	s0 =	smulhi.u32 @!p2 $0xAAAAAAAB, s23  }
0x37: {  	s2 =	smov.u32 s22;
	p3 =	sgt.s32 @!p2 s22, $0x27090  }
0x38: {  	s3 =	sshra.s32 @!p2 s22, $0x1F;
	p3 =	por !p3, p2;
	s0 =	sshrl.u32 @!p2 s0, $0x1  }
0x39: {  	s3 =	sand.u32 @!p2 s3, s22;
	s2 =	simm.s32 @p3 $0x27090;
	s0 =	smul.u32 @!p2 $0x3, s0  }
0x3a: {  	s2 =	ssub.s32 @!p2 s2, s3  }
0x3b: {  	s2 =	sadd.s32 @!p2 $0xFFFD8F70, s2;
	s0 =	ssub.s32 @!p2 s23, s0  }
0x3c: {  	s3 =	sshll.u32 @!p2 s2, $0x2;
	p3 =	sgt.s32 @!p2 s2, $0x6F;
	s0 =	smul.u32 @!p2 $0x1C0, s0  }
0x3d: {  	s4 =	sand.u32 @!p2 $0x7, s22;
	s2 =	ssub.s32 @!p2 $0x1C0, s3;
	p3 =	por !p3, p2  }
0x3e: {  	s3 =	sshrl.u32 @!p2 s22, $0x3;
	s2 =	sshrl.u32 @!p2 s2, $0x2;
	s0 =	sshrl.u32 @!p2 s0, $0x2  }
0x3f: {  	s3 =	sadd.s32 @!p2 s3, s14;
	s2 =	simm.s32 @!p3 $0x0;
	s0 =	sadd.s32 @!p2 $0x10448, s0  }
0x40: {  	[tilespmem:s0], [sflag:$0xA] =	stream.linear.gather @!p2 [hbm4b:s3+s4], s2, $0x38;
	[tilespmem:$0x1E678] =	vst v63  }
0x41: {  	s2 =	sadd.s32 $0xFFFFFFFF, s23  }
0x42: {  	p2 =	sge.u32 s2, s13  }
0x43: {  	p3 =	sgt.s32 @!p2 s21, $0x27090  }
0x44: {  	s0 =	smov.u32 s21;
	s3 =	sshra.s32 @!p2 s21, $0x1F;
	p3 =	por !p3, p2  }
0x45: {  	s3 =	sand.u32 @!p2 s3, s21;
	s0 =	simm.s32 @p3 $0x27090  }
0x46: {  	s0 =	ssub.s32 @!p2 s0, s3  }
0x47: {  	s0 =	sadd.s32 @!p2 $0xFFFD8F70, s0  }
0x48: {  	s3 =	sshll.u32 @!p2 s0, $0x2  }
0x49: {  	p3 =	sgt.s32 @!p2 s0, $0x6F;
	s0 =	ssub.s32 @!p2 $0x1C0, s3  }
0x4a: {  	p3 =	por !p3, p2;
	s0 =	sshrl.u32 @!p2 s0, $0x2  }
0x4b: {  	s4 =	simm.s32 @!p2 $0xA;
	s3 =	sand.u32 @!p2 $0x1, s2;
	s0 =	simm.s32 @!p3 $0x0  }
0x4c: {  	s3 =	smul.u32 @!p2 $0x1C0, s3;
	_ =	swait.ge @!p2 [sflag:s4], s0  }
0x4d: {  	s5 =	ssub.s32 @!p2 $0x0, s0;
	[sflag:s4] =	ssyncset.done @!p2 $0x0  }
0x4e: {  	s3 =	sshrl.u32 @!p2 s3, $0x2;
	[sflag:s4] =	ssyncadd.s32 @!p2 s5;
	s4 =	sshrl.u32 @!p2 s21, $0x3  }
0x4f: {  	s3 =	sadd.s32 @!p2 $0x10598, s3;
	s5 =	sand.u32 @!p2 $0x7, s21;
	s4 =	sadd.s32 @!p2 s4, s15  }
0x50: {  	[tilespmem:s3], [sflag:$0xB] =	stream.linear.gather @!p2 [hbm4b:s4+s5], s0, $0x38;
	[tilespmem:$0x1E678] =	vst v63  }
0x51: {  	s0 =	ssub.s32 @!p2 $0x27100, s21  }
0x52: {  	p3 =	slt.s32 @!p2 s0, $0x1  }
0x53: {  	p3 =	por p2, p3  }
.Ltmp3:
0x54: {  	_ = 	snop;
	(pc) =	sbr.rel @p3 .LBB2_9-.Ltmp3, $1  }
0x55: {  	_ =	sdelay $0x3  }
0x56: {  	s3 =	smulhi.u32 $0xAAAAAAAB, s2;
	_ =	sdelay $0x1  }
0x57: {  	s3 =	sshrl.u32 s3, $0x1  }
0x58: {  	s3 =	smul.u32 $0x3, s3;
	_ =	sdelay $0x1  }
0x59: {  	s30 =	ssub.s32 s2, s3  }
0x5a: {  	s4 =	simm.s32 $0x1;
	s2 =	smul.u32 $0x1C0, s30  }
.Ltmp4:
0x5b: {  	s4 =	simm.s32 @!p0 $0x0;
	(pc) =	sbr.rel .LBB2_6-.Ltmp4, $4  }
0x5c: {  	s31 =	smul.u32 $0x1C000, s4  }
0x5d: {  	p3 =	slt.s32 @!p2 s0, $0x70;
	s2 =	sshrl.u32 s2, $0x2  }
0x5e: {  	p2 =	por !p3, p2;
	s3 =	sshrl.u32 s31, $0x2;
	s5 =	sadd.s32 $0x10448, s2  }
0x5f: {  	s0 =	simm.s32 @p2 $0x70;
	s4 =	sor.u32 $0x10678, s3;
	s2 =	simm.s32 $0x0;
	v1 =	vmov s5  }
.LBB2_5:
0x60: {  	p2 =	sge.s32 s2, s0  }
.Ltmp5:
0x61: {  	_ = 	snop;
	(pc) =	sbr.rel @p2 .LBB2_9-.Ltmp5, $2  }
0x62: {  	_ =	sdelay $0x2  }
0x63: {  	s4 =	sadd.s32 $0x1000, s4  }
.LBB2_6:
0x64: {  	p2 =	sle.s32 s0, s2  }
.Ltmp6:
0x65: {  	_ = 	snop;
	(pc) =	sbr.rel @p2 .LBB2_5-.Ltmp6, $2  }
0x66: {  	_ =	sdelay $0x2  }
0x67: {  	s5 =	smov.u32 s2;
	s2 =	sadd.s32 $0x10, s2  }
0x68: {  	s3 =	ssub.s32 s0, s5  }
0x69: {  	p2 =	slt.s32 s3, $0x10  }
0x6a: {  	s3 =	simm.s32 @!p2 $0x10  }
0x6b: {  	v2 =	vmov s3  }
0x6c: {  	vm0 =	vgt.s32 v2, v0;
	_ =	sdelay $0x5  }
0x6d: {  	v2 =	vld.idx.msk [tilespmem:v1+s5+$0x0 ss:$0x1], vm0;
	_ =	sdelay $0x2  }
0x6e: {  	p2 =	slt.s32 s2, s0;
	s3 =	smov.u32 s0  }
0x6f: {  	s9 =	smov.u32 s4;
	s25 =	simm.s32 $0x0;
	s3 =	smov.u32 @p2 s2  }
.LBB2_8:
0x70: {  	(v2sf) =	vpush v2, s25;
	_ =	sdelay $0xe  }
0x71: {  	s25 =	sadd.s32 $0x1, s25;
	s10 =	spop (v2sf)  }
0x72: {  	s31 =	sadd.s32 s25, s5;
	s26 =	sshll.u32 s10, $0x8;
	s10 =	sshll.u32 s10, $0x7  }
0x73: {  	p2 =	slt.s32 s31, s3;
	s26 =	sand.u32 $0xFFFFF800, s26;
	s10 =	sand.u32 $0x380, s10  }
.Ltmp7:
0x74: {  	s10 =	sor.u32 s10, s26;
	(pc) =	sbr.rel @p2 .LBB2_8-.Ltmp7, $4  }
0x75: {  	s10 =	sshrl.u32 s10, $0x3  }
0x76: {  	s10 =	sadd.s32 s6, s10  }
0x77: {  	[tilespmem:s9], [sflag:$0x9] =	stream.strided.gather [hbm4b:s10+s18], $0x100, s19, s18, $0x38;
	[tilespmem:$0x1E678] =	vst v63  }
0x78: {  	s9 =	sadd.s32 $0x100, s9  }
.Ltmp8:
0x79: {  	_ = 	snop;
	(pc) =	sbr.rel .LBB2_5-.Ltmp8, $1  }
0x7a: {  	_ =	sdelay $0x3  }
.LBB2_9:
0x7b: {  	p2 =	slt.u32 s23, $0x2  }
.Ltmp9:
0x7c: {  	_ = 	snop;
	(pc) =	sbr.rel @p2 .LBB2_27-.Ltmp9, $1  }
0x7d: {  	_ =	sdelay $0x3  }
0x7e: {  	p2 =	sgt.s32 s24, $0x27090  }
0x7f: {  	s0 =	smov.u32 s24;
	s2 =	sshra.s32 s24, $0x1F;
	s3 =	ssub.s32 $0x27100, s24  }
0x80: {  	s0 =	simm.s32 @!p2 $0x27090;
	s2 =	sand.u32 s2, s24;
	p2 =	slt.s32 s3, $0x70  }
0x81: {  	s0 =	ssub.s32 s0, s2;
	s3 =	simm.s32 @!p2 $0x70  }
0x82: {  	s0 =	sadd.s32 $0xFFFD8F70, s0;
	s9 =	sshll.u32 s3, $0x8  }
0x83: {  	s26 =	simm.s32 $0x9;
	s10 =	sshll.u32 s0, $0x2;
	s2 =	sand.u32 $0x3FFFFF00, s9  }
0x84: {  	p2 =	sgt.s32 s0, $0x6F;
	s25 =	ssub.s32 $0x1C0, s10;
	_ =	swait.ge [sflag:s26], s2  }
0x85: {  	s2 =	ssub.s32 $0x0, s2;
	[sflag:s26] =	ssyncset.done $0x0;
	s0 =	sshrl.u32 s25, $0x2  }
0x86: {  	s29 =	simm.s32 $0xB;
	[sflag:s26] =	ssyncadd.s32 s2;
	s0 =	simm.s32 @p2 $0x0  }
0x87: {  	_ =	swait.ge [sflag:s29], s0  }
0x88: {  	s0 =	ssub.s32 $0x0, s0;
	[sflag:s29] =	ssyncset.done $0x0  }
0x89: {  	[sflag:s29] =	ssyncadd.s32 s0  }
0x8a: {  	v1 =	vld [tilespmem:$0xE408];
	_ =	sdelay $0x4  }
0x8b: {  	(v2sf) =	vpush v1, $0x0  }
0x8c: {  	(v2sf) =	vpush v1, $0x1  }
0x8d: {  	(v2sf) =	vpush v1, $0x2;
	_ =	sdelay $0x3  }
0x8e: {  	s0 =	sadd.s32 $0x70, s24  }
0x8f: {  	s2 =	ssub.s32 $0x4E200, s24;
	p2 =	slt.s32 s8, s0  }
0x90: {  	s0 =	smov.u32 @p2 s8;
	p2 =	sgt.s32 s2, $0x0  }
0x91: {  	s0 =	ssub.s32 s0, s24;
	s2 =	simm.s32 @!p2 $0x0  }
0x92: {  	p2 =	slt.s32 s2, s0  }
0x93: {  	s0 =	smov.u32 @p2 s2  }
0x94: {  	s4 =	simm.s32 $0x1;
	p2 =	slt.s32 s0, $0x1  }
.Ltmp10:
0x95: {  	s4 =	simm.s32 @!p1 $0x0;
	(pc) =	sbr.rel @p2 .LBB2_14-.Ltmp10, $4  }
0x96: {  	s30 =	smul.u32 $0x1C0, s4  }
0x97: {  	s5 =	spop (v2sf)  }
0x98: {  	s31 =	sshrl.u32 s30, $0x2;
	s28 =	spop (v2sf)  }
0x99: {  	s25 =	sadd.s32 $0x10598, s31;
	s24 =	spop (v2sf)  }
0x9a: {  	s2 =	smin.u32 s0, $0x10  }
0x9b: {  	v1 =	vmov s2  }
0x9c: {  	vm1 =	vgt.u32 v1, v0  }
0x9d: {  	p3 =	sgt.s32 s0, $0x10  }
.Ltmp11:
0x9e: {  	_ = 	snop;
	(pc) =	sbr.rel @!p3 .LBB2_13-.Ltmp11, $2  }
0x9f: {  	_ =	sdelay $0x2  }
0xa0: {  	s26 =	simm.s32 $0x10;
	s29 =	sadd.s32 $0xFFFFFFF0, s0;
	s2 =	smov.u32 s25;
	vm0 =	vmmov vm1;
	v1 =	vld.msk [tilespmem:s25+$0x0 ss:$0x1], vm1  }
.LBB2_12:
0xa1: {  	s3 =	smin.u32 s29, $0x10;
	s26 =	sadd.s32 $0x10, s26  }
0xa2: {  	v2 =	vmov s3;
	p3 =	slt.s32 s26, s0  }
0xa3: {  	vm1 =	vgt.u32 v2, v0;
	_ =	sdelay $0x1  }
0xa4: {  	v2 =	vshll.u32 v1, $0x5;
	v1 =	vshll.u32 v1, $0x4  }
.Ltmp12:
0xa5: {  	v2 =	vand.u32 $0xFFFFFF00, v2;
	v1 =	vand.u32 $0x70, v1;
	(pc) =	sbr.rel @p3 .LBB2_12-.Ltmp12, $4  }
0xa6: {  	v1 =	vor.u32 v1, v2  }
0xa7: {  	[tilespmem:s2+$0x0] =	vst.msk vm0, v1;
	s2 =	sadd.s32 $0x10, s2;
	vm0 =	vmmov vm1  }
0xa8: {  	v1 =	vld.msk [tilespmem:s2+$0x0 ss:$0x1], vm1  }
0xa9: {  	s29 =	sadd.s32 $0xFFFFFFF0, s29  }
.LBB2_13:
0xaa: {  	_ =	sdelay $0x3  }
0xab: {  	v2 =	vshll.u32 v1, $0x5;
	v1 =	vshll.u32 v1, $0x4  }
0xac: {  	v2 =	vand.u32 $0xFFFFFF00, v2;
	v1 =	vand.u32 $0x70, v1  }
0xad: {  	v1 =	vor.u32 v1, v2  }
0xae: {  	[tilespmem:s2+$0x0] =	vst.msk vm0, v1  }
.LBB2_14:
0xaf: {  	s2 =	sand.u32 $0x1, s23  }
0xb0: {  	s2 =	smul.u32 $0x70, s2  }
0xb1: {  	p3 =	sne.s32 s28, $0xFFFFFFFF  }
0xb2: {  	v1 =	vld.msk @!p3 [tilespmem:s2+$0x10598], $0x1;
	_ =	sdelay $0x4  }
0xb3: {  	(v2sf) =	vpush @!p3 v1, $0x0;
	_ =	sdelay $0xc  }
.Ltmp13:
0xb4: {  	_ = 	snop;
	(pc) =	sbr.rel @p2 .LBB2_25-.Ltmp13, $4  }
0xb5: {  	_ = 	snop  }
0xb6: {  	s31 =	spop @!p3 (v2sf)  }
0xb7: {  	s24 =	simm.s32 @!p3 $0x0;
	s26 =	smov.u32 s31  }
0xb8: {  	[sflag:s17] =	ssyncpa.u1 $0x0;
	s31 =	smov.u32 @p3 s5;
	s26 =	smov.u32 @p3 s28  }
0xb9: {  	v1 =	vld.msk [tilespmem:s25+$0x0], $0x1;
	_ =	sdelay $0x4  }
0xba: {  	(v2sf) =	vpush v1, $0x0;
	_ =	sdelay $0xe  }
0xbb: {  	s7 =	smov.u32 s11;
	s5 =	spop (v2sf)  }
0xbc: {  	s17 =	smov.u32 s15;
	s2 =	smul.u32 $0x1C000, s4;
	p2 =	seq.s32 s31, s5  }
0xbd: {  	s3 =	smov.u32 s31;
	s29 =	ssub.s32 $0x0, s0;
	p3 =	sgt.s32 @!p2 s31, $0x0  }
0xbe: {  	s30 =	simm.s32 $0x0;
	s2 =	sshrl.u32 s2, $0x2;
	p3 =	por !p3, p2  }
0xbf: {  	s0 =	sadd.s32 $0x1, s29;
	s28 =	sor.u32 $0x106F8, s2;
	s3 =	simm.s32 @p3 $0x0  }
0xc0: {  	s2 =	simm.s32 @!p2 $0x1;
	p3 =	seq.s32 s0, $0x0;
	s3 =	smin.u32 @!p2 s3, $0x4E170  }
.Ltmp14:
0xc1: {  	s4 =	simm.s32 @!p2 $0x7308;
	s9 =	sand.u32 @!p2 $0x7FFF8, s3;
	(pc) =	sbr.rel @p3 .LBB2_17-.Ltmp14, $4  }
0xc2: {  	s10 =	sadd.s32 @!p2 $0x80, s3;
	s11 =	sadd.s32 @!p2 s1, s9;
	s9 =	sand.u32 @!p2 $0x7, s3  }
0xc3: {  	[tilespmem:s4], [sflag:$0x2] =	stream.linear.gather @!p2 [hbm4b:s11+s9], $0x80, $0x38;
	[tilespmem:$0x1E678] =	vst v63  }
0xc4: {  	s15 =	smov.u32 s14;
	s2 =	smov.u32 @p2 s30;
	s4 =	sand.u32 @!p2 $0xFFFF8, s10  }
0xc5: {  	s3 =	simm.s32 @!p2 $0x7388;
	s10 =	sadd.s32 @!p2 s1, s4;
	s4 =	sadd.s32 $0x1, s25  }
.LBB2_16:
0xc6: {  	s11 =	smov.u32 s2  }
0xc7: {  	[tilespmem:s3], [sflag:$0x2] =	stream.linear.gather @!p2 [hbm4b:s10+s9], $0x80, $0x38;
	[tilespmem:$0x1E678] =	vst v63  }
0xc8: {  	s0 =	sadd.s32 $0x1, s0;
	s9 =	smov.u32 s5;
	v1 =	vld.msk [tilespmem:s4+$0x0], $0x1  }
0xc9: {  	p3 =	seq.s32 s0, $0x0;
	_ =	sdelay $0x3  }
0xca: {  	(v2sf) =	vpush v1, $0x0;
	_ =	sdelay $0xe  }
0xcb: {  	s5 =	spop (v2sf)  }
0xcc: {  	p2 =	seq.s32 s9, s5  }
0xcd: {  	p4 =	sgt.s32 @!p2 s9, $0x0;
	s3 =	sshll.u32 @!p2 s2, $0xA;
	s2 =	sadd.s32 @!p2 $0x1, s2  }
0xce: {  	p4 =	por !p4, p2;
	s3 =	sshra.s32 @!p2 s3, $0x2;
	s2 =	smov.u32 @p2 s11  }
0xcf: {  	s9 =	simm.s32 @p4 $0x0;
	s10 =	sadd.s32 @!p2 $0x7308, s3;
	s3 =	sadd.s32 @!p2 $0x7388, s3  }
.Ltmp15:
0xd0: {  	s9 =	smin.u32 @!p2 s9, $0x4E170;
	(pc) =	sbr.rel @!p3 .LBB2_16-.Ltmp15, $4  }
0xd1: {  	s11 =	sand.u32 @!p2 $0x7FFF8, s9;
	s14 =	sadd.s32 @!p2 $0x80, s9  }
0xd2: {  	s9 =	sand.u32 @!p2 $0x7, s9;
	s11 =	sadd.s32 @!p2 s1, s11;
	s14 =	sand.u32 @!p2 $0xFFFF8, s14  }
0xd3: {  	[tilespmem:s10], [sflag:$0x2] =	stream.linear.gather @!p2 [hbm4b:s11+s9], $0x80, $0x38;
	[tilespmem:$0x1E678] =	vst v63  }
0xd4: {  	s4 =	sadd.s32 $0x1, s4;
	s10 =	sadd.s32 @!p2 s1, s14  }
.LBB2_17:
0xd5: {  	[tilespmem:s3], [sflag:$0x2] =	stream.linear.gather @!p2 [hbm4b:s10+s9], $0x80, $0x38;
	[tilespmem:$0x1E678] =	vst v63  }
0xd6: {  	s0 =	sshll.u32 s2, $0x8  }
.Ltmp16:
0xd7: {  	s14 =	simm.s32 $0x2;
	s0 =	sand.u32 $0x3FFFFF00, s0;
	(pc) =	sbr.rel .LBB2_18-.Ltmp16, $4  }
0xd8: {  	_ =	swait.ge [sflag:s14], s0  }
0xd9: {  	s0 =	ssub.s32 $0x0, s0;
	[sflag:s14] =	ssyncset.done $0x0  }
0xda: {  	s4 =	simm.s32 $0x0;
	s11 =	smov.u32 s7;
	[sflag:s14] =	ssyncadd.s32 s0  }
0xdb: {  	s14 =	smov.u32 s15;
	s15 =	smov.u32 s17;
	s17 =	simm.s32 $0xC  }
.LBB2_19:
0xdc: {  	v1 =	vld [tilespmem:s28+$0xFFFFFF80];
	_ =	sdelay $0x4  }
0xdd: {  	[tilespmem:s5+$0x208] =	vst.add.f32.msk $0xffff, v1  }
0xde: {  	v1 =	vld [tilespmem:s28+$0xFFFFFF90];
	_ =	sdelay $0x4  }
0xdf: {  	[tilespmem:s5+$0x218] =	vst.add.f32.msk $0xffff, v1  }
0xe0: {  	v1 =	vld [tilespmem:s28+$0xFFFFFFA0];
	_ =	sdelay $0x4  }
0xe1: {  	[tilespmem:s5+$0x228] =	vst.add.f32.msk $0xffff, v1  }
0xe2: {  	v1 =	vld [tilespmem:s28+$0xFFFFFFB0];
	_ =	sdelay $0x4  }
0xe3: {  	[tilespmem:s5+$0x238] =	vst.add.f32.msk $0xffff, v1  }
0xe4: {  	v1 =	vld [tilespmem:s28+$0xFFFFFFC0];
	_ =	sdelay $0x4  }
0xe5: {  	[tilespmem:s5+$0x248] =	vst.add.f32.msk $0xffff, v1  }
0xe6: {  	v1 =	vld [tilespmem:s28+$0xFFFFFFD0];
	_ =	sdelay $0x4  }
0xe7: {  	[tilespmem:s5+$0x258] =	vst.add.f32.msk $0xffff, v1  }
0xe8: {  	v1 =	vld [tilespmem:s28+$0xFFFFFFE0];
	_ =	sdelay $0x4  }
0xe9: {  	[tilespmem:s5+$0x268] =	vst.add.f32.msk $0xffff, v1  }
0xea: {  	v1 =	vld [tilespmem:s28+$0xFFFFFFF0];
	_ =	sdelay $0x4  }
0xeb: {  	[tilespmem:s5+$0x278] =	vst.add.f32.msk $0xffff, v1  }
0xec: {  	v1 =	vld [tilespmem:s28+$0x0];
	_ =	sdelay $0x4  }
0xed: {  	[tilespmem:s5+$0x288] =	vst.add.f32.msk $0xffff, v1  }
0xee: {  	v1 =	vld [tilespmem:s28+$0x10];
	_ =	sdelay $0x4  }
0xef: {  	[tilespmem:s5+$0x298] =	vst.add.f32.msk $0xffff, v1  }
0xf0: {  	v1 =	vld [tilespmem:s28+$0x20];
	_ =	sdelay $0x4  }
0xf1: {  	[tilespmem:s5+$0x2A8] =	vst.add.f32.msk $0xffff, v1  }
0xf2: {  	v1 =	vld [tilespmem:s28+$0x30];
	_ =	sdelay $0x4  }
0xf3: {  	[tilespmem:s5+$0x2B8] =	vst.add.f32.msk $0xffff, v1  }
0xf4: {  	v1 =	vld [tilespmem:s28+$0x40];
	_ =	sdelay $0x4  }
0xf5: {  	[tilespmem:s5+$0x2C8] =	vst.add.f32.msk $0xffff, v1  }
0xf6: {  	v1 =	vld [tilespmem:s28+$0x50];
	_ =	sdelay $0x4  }
0xf7: {  	[tilespmem:s5+$0x2D8] =	vst.add.f32.msk $0xffff, v1  }
0xf8: {  	v1 =	vld [tilespmem:s28+$0x60];
	_ =	sdelay $0x4  }
0xf9: {  	[tilespmem:s5+$0x2E8] =	vst.add.f32.msk $0xffff, v1  }
0xfa: {  	v1 =	vld [tilespmem:s28+$0x70];
	_ =	sdelay $0x4  }
0xfb: {  	[tilespmem:s5+$0x2F8] =	vst.add.f32.msk $0xffff, v1  }
.LBB2_23:
0xfc: {  	s29 =	sadd.s32 $0x1, s29  }
0xfd: {  	p2 =	seq.s32 s29, $0x0  }
.Ltmp17:
0xfe: {  	_ = 	snop;
	(pc) =	sbr.rel @p2 .LBB2_24-.Ltmp17, $2  }
0xff: {  	_ =	sdelay $0x2  }
0x100: {  	s25 =	sadd.s32 $0x1, s25;
	s28 =	sadd.s32 $0x100, s28;
	s31 =	smov.u32 s0  }
.LBB2_18:
0x101: {  	v1 =	vld.msk [tilespmem:s25+$0x0], $0x1;
	_ =	sdelay $0x4  }
0x102: {  	(v2sf) =	vpush v1, $0x0;
	_ =	sdelay $0xe  }
0x103: {  	s0 =	spop (v2sf)  }
0x104: {  	p2 =	sne.s32 s31, s0  }
.Ltmp18:
0x105: {  	_ = 	snop;
	(pc) =	sbr.rel @!p2 .LBB2_19-.Ltmp18, $3  }
0x106: {  	_ =	sdelay $0x1  }
0x107: {  	s2 =	sshll.u32 s24, $0xA  }
0x108: {  	s5 =	sshra.s32 s2, $0x2  }
0x109: {  	p2 =	seq.s32 s31, s26  }
.Ltmp19:
0x10a: {  	_ = 	snop;
	(pc) =	sbr.rel @!p2 .LBB2_21-.Ltmp19, $1  }
0x10b: {  	_ =	sdelay $0x3  }
.Ltmp20:
0x10c: {  	s2 =	sadd.s32 $0x208, s5;
	(pc) =	sbr.rel .LBB2_22-.Ltmp20, $4  }
0x10d: {  	[spmem:s16] =	stream.linear.scatter [tilespmem:s2], [sflag:$0x1], $0x100, $0x38;
	[tilespmem:$0x1E678] =	vst v63  }
0x10e: {  	_ =	swait.ge [sflag:s12], $0x100  }
0x10f: {  	[sflag:s12] =	ssyncset.done $0x0  }
0x110: {  	[sflag:s12] =	ssyncadd.s32 $0xFFFFFF00  }
.LBB2_21:
0x111: {  	s2 =	sshll.u32 s30, $0xA  }
0x112: {  	s2 =	sshra.s32 s2, $0x2  }
0x113: {  	v1 =	vld [tilespmem:s2+$0x7308];
	_ =	sdelay $0x4  }
0x114: {  	[tilespmem:s5+$0x208] =	vst.add.f32.msk $0xffff, v1  }
0x115: {  	v1 =	vld [tilespmem:s2+$0x7318];
	_ =	sdelay $0x4  }
0x116: {  	[tilespmem:s5+$0x218] =	vst.add.f32.msk $0xffff, v1  }
0x117: {  	v1 =	vld [tilespmem:s2+$0x7328];
	_ =	sdelay $0x4  }
0x118: {  	[tilespmem:s5+$0x228] =	vst.add.f32.msk $0xffff, v1  }
0x119: {  	v1 =	vld [tilespmem:s2+$0x7338];
	_ =	sdelay $0x4  }
0x11a: {  	[tilespmem:s5+$0x238] =	vst.add.f32.msk $0xffff, v1  }
0x11b: {  	v1 =	vld [tilespmem:s2+$0x7348];
	_ =	sdelay $0x4  }
0x11c: {  	[tilespmem:s5+$0x248] =	vst.add.f32.msk $0xffff, v1  }
0x11d: {  	v1 =	vld [tilespmem:s2+$0x7358];
	_ =	sdelay $0x4  }
0x11e: {  	[tilespmem:s5+$0x258] =	vst.add.f32.msk $0xffff, v1  }
0x11f: {  	v1 =	vld [tilespmem:s2+$0x7368];
	_ =	sdelay $0x4  }
0x120: {  	[tilespmem:s5+$0x268] =	vst.add.f32.msk $0xffff, v1  }
0x121: {  	v1 =	vld [tilespmem:s2+$0x7378];
	_ =	sdelay $0x4  }
0x122: {  	[tilespmem:s5+$0x278] =	vst.add.f32.msk $0xffff, v1  }
0x123: {  	v1 =	vld [tilespmem:s2+$0x7388];
	_ =	sdelay $0x4  }
0x124: {  	[tilespmem:s5+$0x288] =	vst.add.f32.msk $0xffff, v1  }
0x125: {  	v1 =	vld [tilespmem:s2+$0x7398];
	_ =	sdelay $0x4  }
0x126: {  	[tilespmem:s5+$0x298] =	vst.add.f32.msk $0xffff, v1  }
0x127: {  	v1 =	vld [tilespmem:s2+$0x73A8];
	_ =	sdelay $0x4  }
0x128: {  	[tilespmem:s5+$0x2A8] =	vst.add.f32.msk $0xffff, v1  }
0x129: {  	v1 =	vld [tilespmem:s2+$0x73B8];
	_ =	sdelay $0x4  }
0x12a: {  	[tilespmem:s5+$0x2B8] =	vst.add.f32.msk $0xffff, v1  }
0x12b: {  	v1 =	vld [tilespmem:s2+$0x73C8];
	_ =	sdelay $0x4  }
0x12c: {  	[tilespmem:s5+$0x2C8] =	vst.add.f32.msk $0xffff, v1  }
0x12d: {  	v1 =	vld [tilespmem:s2+$0x73D8];
	_ =	sdelay $0x4  }
0x12e: {  	[tilespmem:s5+$0x2D8] =	vst.add.f32.msk $0xffff, v1  }
0x12f: {  	v1 =	vld [tilespmem:s2+$0x73E8];
	_ =	sdelay $0x4  }
0x130: {  	[tilespmem:s5+$0x2E8] =	vst.add.f32.msk $0xffff, v1  }
0x131: {  	v1 =	vld [tilespmem:s2+$0x73F8];
	_ =	sdelay $0x2  }
0x132: {  	p2 =	sgt.u32 s31, $0x4E170  }
0x133: {  	s2 =	sand.u32 @!p2 $0x7FFF8, s31  }
0x134: {  	s3 =	sadd.s32 $0x208, s5;
	s9 =	sand.u32 @!p2 $0x7, s31;
	s2 =	sadd.s32 @!p2 s1, s2;
	[tilespmem:s5+$0x2F8] =	vst.add.f32.msk $0xffff, v1  }
0x135: {  	[hbm4b:s2+s9] =	stream.linear.scatter @!p2 [tilespmem:s3], [sflag:$0xC], $0x80, $0x38;
	[tilespmem:$0x1E678] =	vst v63  }
0x136: {  	s2 =	sadd.s32 @!p2 $0x80, s31  }
0x137: {  	s2 =	sand.u32 @!p2 $0xFFFF8, s2  }
0x138: {  	s3 =	sadd.s32 $0x288, s5;
	s2 =	sadd.s32 @!p2 s1, s2  }
0x139: {  	[hbm4b:s2+s9] =	stream.linear.scatter @!p2 [tilespmem:s3], [sflag:$0xC], $0x80, $0x38;
	[tilespmem:$0x1E678] =	vst v63  }
0x13a: {  	s2 =	simm.s32 $0x0  }
0x13b: {  	s2 =	simm.s32 @!p2 $0x400  }
0x13c: {  	s4 =	sadd.s32 s2, s4  }
.LBB2_22:
0x13d: {  	s2 =	sadd.s32 $0x1, s24  }
0x13e: {  	s3 =	sshrl.u32 s2, $0x4  }
0x13f: {  	s3 =	smulhi.u32 $0x24924925, s3  }
0x140: {  	v1 =	vld [tilespmem:s28+$0xFFFFFF80]  }
0x141: {  	s3 =	smul.u32 $0x70, s3;
	_ =	sdelay $0x1  }
0x142: {  	s24 =	ssub.s32 s2, s3  }
0x143: {  	s2 =	sshll.u32 s24, $0x8  }
0x144: {  	[tilespmem:s2+$0x208] =	vst v1  }
0x145: {  	v1 =	vld [tilespmem:s28+$0xFFFFFF90];
	_ =	sdelay $0x4  }
0x146: {  	[tilespmem:s2+$0x218] =	vst v1  }
0x147: {  	v1 =	vld [tilespmem:s28+$0xFFFFFFA0];
	_ =	sdelay $0x4  }
0x148: {  	[tilespmem:s2+$0x228] =	vst v1  }
0x149: {  	v1 =	vld [tilespmem:s28+$0xFFFFFFB0];
	_ =	sdelay $0x4  }
0x14a: {  	[tilespmem:s2+$0x238] =	vst v1  }
0x14b: {  	v1 =	vld [tilespmem:s28+$0xFFFFFFC0];
	_ =	sdelay $0x4  }
0x14c: {  	[tilespmem:s2+$0x248] =	vst v1  }
0x14d: {  	v1 =	vld [tilespmem:s28+$0xFFFFFFD0];
	_ =	sdelay $0x4  }
0x14e: {  	[tilespmem:s2+$0x258] =	vst v1  }
0x14f: {  	v1 =	vld [tilespmem:s28+$0xFFFFFFE0];
	_ =	sdelay $0x4  }
0x150: {  	[tilespmem:s2+$0x268] =	vst v1  }
0x151: {  	v1 =	vld [tilespmem:s28+$0xFFFFFFF0];
	_ =	sdelay $0x4  }
0x152: {  	[tilespmem:s2+$0x278] =	vst v1  }
0x153: {  	v1 =	vld [tilespmem:s28+$0x0];
	_ =	sdelay $0x4  }
0x154: {  	[tilespmem:s2+$0x288] =	vst v1  }
0x155: {  	v1 =	vld [tilespmem:s28+$0x10];
	_ =	sdelay $0x4  }
0x156: {  	[tilespmem:s2+$0x298] =	vst v1  }
0x157: {  	v1 =	vld [tilespmem:s28+$0x20];
	_ =	sdelay $0x4  }
0x158: {  	[tilespmem:s2+$0x2A8] =	vst v1  }
0x159: {  	v1 =	vld [tilespmem:s28+$0x30];
	_ =	sdelay $0x4  }
0x15a: {  	[tilespmem:s2+$0x2B8] =	vst v1  }
0x15b: {  	v1 =	vld [tilespmem:s28+$0x40];
	_ =	sdelay $0x4  }
0x15c: {  	[tilespmem:s2+$0x2C8] =	vst v1  }
0x15d: {  	v1 =	vld [tilespmem:s28+$0x50];
	_ =	sdelay $0x4  }
0x15e: {  	[tilespmem:s2+$0x2D8] =	vst v1  }
0x15f: {  	v1 =	vld [tilespmem:s28+$0x60];
	_ =	sdelay $0x4  }
0x160: {  	[tilespmem:s2+$0x2E8] =	vst v1  }
0x161: {  	v1 =	vld [tilespmem:s28+$0x70]  }
.Ltmp21:
0x162: {  	_ = 	snop;
	(pc) =	sbr.rel .LBB2_23-.Ltmp21, $2  }
0x163: {  	_ =	sdelay $0x2  }
0x164: {  	s30 =	sadd.s32 $0x1, s30;
	[tilespmem:s2+$0x2F8] =	vst v1  }
.LBB2_25:
.Ltmp22:
0x165: {  	(pc) =	sbr.rel .LBB2_26-.Ltmp22, $4  }
0x166: {  	_ = 	snop  }
0x167: {  	s0 =	simm.s32 $0x2  }
0x168: {  	_ =	swait.ge [sflag:s0], $0x0  }
0x169: {  	s2 =	simm.s32 $0x0;
	[sflag:s0] =	ssyncset.done $0x0;
	s0 =	smov.u32 s31  }
.LBB2_28:
0x16a: {  	_ =	sfence.sel $0x180000  }
0x16b: {  	s0 =	simm.s32 $0x9;
	[bflag:$0x0] =	sbarrier.arrive $0xFFFF  }
0x16c: {  	s24 =	simm.s32 $0xA;
	[sflag:s0] =	ssyncpa.u1 $0x1  }
0x16d: {  	s25 =	simm.s32 $0xB;
	[sflag:s24] =	ssyncpa.u1 $0x1  }
0x16e: {  	s26 =	simm.s32 $0x2;
	[sflag:s25] =	ssyncpa.u1 $0x1  }
0x16f: {  	[sflag:s26] =	ssyncpa.u1 $0x1  }
0x170: {  	v0 =	vld [tilespmem:$0xE408];
	_ =	sdelay $0x4  }
0x171: {  	(v2sf) =	vpush v0, $0x0  }
0x172: {  	(v2sf) =	vpush v0, $0x1;
	_ =	sdelay $0x1  }
0x173: {  	(v2sf) =	vpush v0, $0x2;
	_ =	sdelay $0xb  }
0x174: {  	s0 =	spop (v2sf)  }
0x175: {  	s2 =	spop (v2sf)  }
0x176: {  	s3 =	smov.u32 s0;
	p0 =	sne.s32 s0, s2  }
0x177: {  	s4 =	spop (v2sf);
	s3 =	simm.s32 @!p0 $0xFFFFFFFF  }
0x178: {  	v2 =	vimm.s32 $0x1;
	v3 =	vlaneseq.u32;
	p0 =	seq.s32 s4, $0xFFFFFFFF;
	v1 =	vmov s3  }
0x179: {  	s15 =	stileid.u32;
	v0 =	vperm.xlane v0, v2;
	p1 =	sne.s32 @!p0 s0, s2;
	v1 =	vperm.xlane v1, v3  }
0x17a: {  	vm0 =	vcmask $0x3F04;
	s6 =	simm.s32 $0xE408;
	s0 =	simm.s32 @!p0 $0x1;
	p1 =	por !p1, p0  }
0x17b: {  	s3 =	sshll.u32 s15, $0x1;
	s2 =	sshll.u32 @!p0 s4, $0xA;
	s0 =	simm.s32 @p1 $0x0;
	v0 =	vsel vm0, v1, v0  }
0x17c: {  	s5 =	sor.u32 $0x2000, s3;
	s2 =	sshra.s32 @!p0 s2, $0x2;
	s0 =	sor.u32 @!p0 s0, s3;
	[tilespmem:$0xE408] =	vst v0  }
0x17d: {  	[spmem:s5] =	stream.linear.scatter [tilespmem:s6], [sflag:$0x1], $0x2, $0x38;
	[tilespmem:$0x1E678] =	vst v63  }
0x17e: {  	s2 =	sadd.s32 @!p0 $0x208, s2;
	s0 =	sshll.u32 @!p0 s0, $0x8  }
0x17f: {  	[spmem:s0] =	stream.linear.scatter @!p0 [tilespmem:s2], [sflag:$0x1], $0x100, $0x38;
	[tilespmem:$0x1E678] =	vst v63  }
0x180: {  	s0 =	simm.s32 @!p0 $0x102  }
0x181: {  	s28 =	simm.s32 $0x1;
	s0 =	simm.s32 @p0 $0x2  }
0x182: {  	_ =	swait.ge [sflag:s28], s0  }
0x183: {  	s0 =	ssub.s32 $0x0, s0;
	[sflag:s28] =	ssyncset.done $0x0  }
0x184: {  	p0 =	sne.s32 s15, $0x0;
	[sflag:s28] =	ssyncadd.s32 s0  }
.Ltmp23:
0x185: {  	_ =	sfence.stream.spmem;
	(pc) =	sbr.rel @p0 .LBB2_45-.Ltmp23, $4  }
0x186: {  	s29 =	simm.s32 $0x3;
	[bflag:$0x0] =	sbarrier.arrive $0xFFFF  }
0x187: {  	s30 =	simm.s32 $0x4;
	[sflag:s29] =	ssyncpa.u1 $0x1  }
0x188: {  	s31 =	simm.s32 $0x3C;
	[sflag:s30] =	ssyncpa.u1 $0x1  }
0x189: {  	s14 =	rddreg [dreg:$0x4];
	[sflag:s31] =	ssyncpa.u1 $0x1  }
0x18a: {  	_ =	sfence.stream.spmem;
	s0 =	simm.s32 $0x5  }
0x18b: {  	s2 =	simm.s32 $0x2000;
	s3 =	simm.s32 $0xE418;
	[sflag:s0] =	ssyncpa.u1 $0x0  }
0x18c: {  	[tilespmem:s3], [sflag:$0x5] =	stream.linear.gather [spmem:s2], $0x20, $0x38;
	[tilespmem:$0x1E678] =	vst v63  }
0x18d: {  	s26 =	simm.s32 $0x0;
	s28 =	simm.s32 $0xE438  }
0x18e: {  	[tilespmem:s28], [sflag:$0x5] =	stream.linear.gather [spmem:s26], $0x2000, $0x38;
	[tilespmem:$0x1E678] =	vst v63  }
0x18f: {  	_ =	swait.ge [sflag:s0], $0x2020  }
0x190: {  	[sflag:s0] =	ssyncset.done $0x0  }
0x191: {  	s29 =	simm.s32 $0x0;
	[sflag:s0] =	ssyncadd.s32 $0xFFFFDFE0  }
0x192: {  	v0 =	vld.msk [tilespmem:s29+$0xE418], $0x1;
	_ =	sdelay $0x1  }
0x193: {  	s30 =	simm.s32 $0x1  }
0x194: {  	v1 =	vld.msk [tilespmem:s30+$0xE418], $0x1;
	_ =	sdelay $0x1  }
0x195: {  	(v2sf) =	vpush v0, $0x0;
	_ =	sdelay $0x2  }
0x196: {  	(v2sf) =	vpush v1, $0x0;
	_ =	sdelay $0x2  }
0x197: {  	s31 =	simm.s32 $0x2  }
0x198: {  	v0 =	vld.msk [tilespmem:s31+$0xE418], $0x1;
	_ =	sdelay $0x2  }
0x199: {  	s2 =	simm.s32 $0xFFFFFFFF;
	s3 =	simm.s32 $0xFFFFFFFF;
	s0 =	simm.s32 $0xC  }
.LBB2_30:
0x19a: {  	s4 =	smov.u32 s3;
	s5 =	smov.u32 s2  }
0x19b: {  	s2 =	sshra.s32 s0, $0x2;
	p1 =	sne.s32 s0, $0x7C;
	s0 =	sadd.s32 $0x4, s0;
	(v2sf) =	vpush v0, $0x0  }
0x19c: {  	v0 =	vld.msk [tilespmem:s2+$0xE418], $0x1  }
.Ltmp24:
0x19d: {  	(pc) =	sbr.rel @p1 .LBB2_30-.Ltmp24, $4  }
0x19e: {  	s3 =	spop (v2sf)  }
0x19f: {  	p2 =	sne.s32 s5, $0xFFFFFFFF;
	s2 =	smov.u32 s3  }
0x1a0: {  	p3 =	seq.s32 s3, $0xFFFFFFFF;
	s2 =	smov.u32 @p2 s5  }
0x1a1: {  	s3 =	smov.u32 @p3 s4;
	s2 =	smov.u32 @p3 s5  }
0x1a2: {  	(v2sf) =	vpush v0, $0x0;
	_ =	sdelay $0x8  }
0x1a3: {  	s0 =	spop (v2sf)  }
0x1a4: {  	p1 =	sne.s32 s2, $0xFFFFFFFF;
	s9 =	simm.s32 $0x6;
	s4 =	smov.u32 s0  }
0x1a5: {  	s6 =	simm.s32 $0x0;
	p2 =	seq.s32 s0, $0xFFFFFFFF;
	s4 =	smov.u32 @p1 s2  }
0x1a6: {  	s10 =	simm.s32 $0xE308;
	s4 =	smov.u32 @p2 s2;
	s2 =	spop (v2sf)  }
0x1a7: {  	s0 =	smov.u32 @p2 s3;
	p1 =	sne.s32 s4, $0xFFFFFFFF;
	s5 =	smov.u32 s2  }
.Ltmp25:
0x1a8: {  	p2 =	seq.s32 s2, $0xFFFFFFFF;
	s5 =	smov.u32 @p1 s4;
	(pc) =	sbr.rel .LBB2_32-.Ltmp25, $4  }
0x1a9: {  	s11 =	simm.s32 $0xE388;
	s5 =	smov.u32 @p2 s4;
	s7 =	spop (v2sf)  }
0x1aa: {  	s12 =	simm.s32 $0x0;
	p1 =	sne.s32 s5, $0xFFFFFFFF;
	s8 =	smov.u32 s7  }
0x1ab: {  	s2 =	smov.u32 @p2 s0;
	p2 =	seq.s32 s7, $0xFFFFFFFF;
	s8 =	smov.u32 @p1 s5  }
0x1ac: {  	[sflag:s9] =	ssyncpa.u1 $0x0;
	s7 =	smov.u32 @p2 s2;
	s8 =	smov.u32 @p2 s5  }
.LBB2_38:
0x1ad: {  	p1 =	sgt.u32 s0, $0x4E170  }
0x1ae: {  	p2 =	seq.s32 @!p1 s0, s8  }
0x1af: {  	p1 =	por p1, p2  }
0x1b0: {  	p2 =	sne.s32 @!p1 s0, s7  }
0x1b1: {  	p1 =	por p1, !p2  }
0x1b2: {  	s0 =	sshll.u32 @p1 s12, $0xA  }
0x1b3: {  	s2 =	sand.u32 @!p1 $0x7FFF8, s0;
	s3 =	sand.u32 @!p1 $0x7, s0;
	s0 =	sadd.s32 @!p1 $0x80, s0  }
0x1b4: {  	s2 =	sadd.s32 @!p1 s1, s2;
	s0 =	sand.u32 @!p1 $0xFFFF8, s0  }
0x1b5: {  	[tilespmem:s10], [sflag:$0x6] =	stream.linear.gather @!p1 [hbm4b:s2+s3], $0x80, $0x38;
	[tilespmem:$0x1E678] =	vst v63  }
0x1b6: {  	s0 =	sadd.s32 @!p1 s1, s0  }
0x1b7: {  	[tilespmem:s11], [sflag:$0x6] =	stream.linear.gather @!p1 [hbm4b:s0+s3], $0x80, $0x38;
	[tilespmem:$0x1E678] =	vst v63  }
0x1b8: {  	_ =	swait.ge @!p1 [sflag:s9], $0x100  }
0x1b9: {  	[sflag:s9] =	ssyncset.done @!p1 $0x0  }
0x1ba: {  	[sflag:s9] =	ssyncadd.s32 @!p1 $0xFFFFFF00  }
0x1bb: {  	v1 =	vld @!p1 [tilespmem:$0xE308];
	_ =	sdelay $0x2  }
0x1bc: {  	s0 =	sshll.u32 @!p1 s12, $0xA  }
0x1bd: {  	s2 =	sshrl.u32 @!p1 s0, $0x2  }
0x1be: {  	[tilespmem:s2+$0xE438] =	vst.add.f32.msk @!p1 $0xffff, v1  }
0x1bf: {  	v1 =	vld @!p1 [tilespmem:$0xE318];
	_ =	sdelay $0x4  }
0x1c0: {  	[tilespmem:s2+$0xE448] =	vst.add.f32.msk @!p1 $0xffff, v1  }
0x1c1: {  	v1 =	vld @!p1 [tilespmem:$0xE328];
	_ =	sdelay $0x4  }
0x1c2: {  	[tilespmem:s2+$0xE458] =	vst.add.f32.msk @!p1 $0xffff, v1  }
0x1c3: {  	v1 =	vld @!p1 [tilespmem:$0xE338];
	_ =	sdelay $0x4  }
0x1c4: {  	[tilespmem:s2+$0xE468] =	vst.add.f32.msk @!p1 $0xffff, v1  }
0x1c5: {  	v1 =	vld @!p1 [tilespmem:$0xE348];
	_ =	sdelay $0x4  }
0x1c6: {  	[tilespmem:s2+$0xE478] =	vst.add.f32.msk @!p1 $0xffff, v1  }
0x1c7: {  	v1 =	vld @!p1 [tilespmem:$0xE358];
	_ =	sdelay $0x4  }
0x1c8: {  	[tilespmem:s2+$0xE488] =	vst.add.f32.msk @!p1 $0xffff, v1  }
0x1c9: {  	v1 =	vld @!p1 [tilespmem:$0xE368];
	_ =	sdelay $0x4  }
0x1ca: {  	[tilespmem:s2+$0xE498] =	vst.add.f32.msk @!p1 $0xffff, v1  }
0x1cb: {  	v1 =	vld @!p1 [tilespmem:$0xE378];
	_ =	sdelay $0x4  }
0x1cc: {  	[tilespmem:s2+$0xE4A8] =	vst.add.f32.msk @!p1 $0xffff, v1  }
0x1cd: {  	v1 =	vld @!p1 [tilespmem:$0xE388];
	_ =	sdelay $0x4  }
0x1ce: {  	[tilespmem:s2+$0xE4B8] =	vst.add.f32.msk @!p1 $0xffff, v1  }
0x1cf: {  	v1 =	vld @!p1 [tilespmem:$0xE398];
	_ =	sdelay $0x4  }
0x1d0: {  	[tilespmem:s2+$0xE4C8] =	vst.add.f32.msk @!p1 $0xffff, v1  }
0x1d1: {  	v1 =	vld @!p1 [tilespmem:$0xE3A8];
	_ =	sdelay $0x4  }
0x1d2: {  	[tilespmem:s2+$0xE4D8] =	vst.add.f32.msk @!p1 $0xffff, v1  }
0x1d3: {  	v1 =	vld @!p1 [tilespmem:$0xE3B8];
	_ =	sdelay $0x4  }
0x1d4: {  	[tilespmem:s2+$0xE4E8] =	vst.add.f32.msk @!p1 $0xffff, v1  }
0x1d5: {  	v1 =	vld @!p1 [tilespmem:$0xE3C8];
	_ =	sdelay $0x4  }
0x1d6: {  	[tilespmem:s2+$0xE4F8] =	vst.add.f32.msk @!p1 $0xffff, v1  }
0x1d7: {  	v1 =	vld @!p1 [tilespmem:$0xE3D8];
	_ =	sdelay $0x4  }
0x1d8: {  	[tilespmem:s2+$0xE508] =	vst.add.f32.msk @!p1 $0xffff, v1  }
0x1d9: {  	v1 =	vld @!p1 [tilespmem:$0xE3E8];
	_ =	sdelay $0x4  }
0x1da: {  	[tilespmem:s2+$0xE518] =	vst.add.f32.msk @!p1 $0xffff, v1  }
0x1db: {  	v1 =	vld @!p1 [tilespmem:$0xE3F8];
	_ =	sdelay $0x4  }
0x1dc: {  	[tilespmem:s2+$0xE528] =	vst.add.f32.msk @!p1 $0xffff, v1  }
0x1dd: {  	s0 =	sshrl.u32 s0, $0x2;
	[tilespmem:s6+$0xE418] =	vst.msk $0x1, v0  }
0x1de: {  	v0 =	vld [tilespmem:s0+$0xE438];
	_ =	sdelay $0x2  }
0x1df: {  	s31 =	sshll.u32 s6, $0xA  }
0x1e0: {  	s2 =	sshra.s32 s31, $0x2  }
0x1e1: {  	[tilespmem:s2+$0xE438] =	vst v0  }
0x1e2: {  	v0 =	vld [tilespmem:s0+$0xE448];
	_ =	sdelay $0x4  }
0x1e3: {  	[tilespmem:s2+$0xE448] =	vst v0  }
0x1e4: {  	v0 =	vld [tilespmem:s0+$0xE458];
	_ =	sdelay $0x4  }
0x1e5: {  	[tilespmem:s2+$0xE458] =	vst v0  }
0x1e6: {  	v0 =	vld [tilespmem:s0+$0xE468];
	_ =	sdelay $0x4  }
0x1e7: {  	[tilespmem:s2+$0xE468] =	vst v0  }
0x1e8: {  	v0 =	vld [tilespmem:s0+$0xE478];
	_ =	sdelay $0x4  }
0x1e9: {  	[tilespmem:s2+$0xE478] =	vst v0  }
0x1ea: {  	v0 =	vld [tilespmem:s0+$0xE488];
	_ =	sdelay $0x4  }
0x1eb: {  	[tilespmem:s2+$0xE488] =	vst v0  }
0x1ec: {  	v0 =	vld [tilespmem:s0+$0xE498];
	_ =	sdelay $0x4  }
0x1ed: {  	[tilespmem:s2+$0xE498] =	vst v0  }
0x1ee: {  	v0 =	vld [tilespmem:s0+$0xE4A8];
	_ =	sdelay $0x4  }
0x1ef: {  	[tilespmem:s2+$0xE4A8] =	vst v0  }
0x1f0: {  	v0 =	vld [tilespmem:s0+$0xE4B8];
	_ =	sdelay $0x4  }
0x1f1: {  	[tilespmem:s2+$0xE4B8] =	vst v0  }
0x1f2: {  	v0 =	vld [tilespmem:s0+$0xE4C8];
	_ =	sdelay $0x4  }
0x1f3: {  	[tilespmem:s2+$0xE4C8] =	vst v0  }
0x1f4: {  	v0 =	vld [tilespmem:s0+$0xE4D8];
	_ =	sdelay $0x4  }
0x1f5: {  	[tilespmem:s2+$0xE4D8] =	vst v0  }
0x1f6: {  	v0 =	vld [tilespmem:s0+$0xE4E8];
	_ =	sdelay $0x4  }
0x1f7: {  	[tilespmem:s2+$0xE4E8] =	vst v0  }
0x1f8: {  	v0 =	vld [tilespmem:s0+$0xE4F8];
	_ =	sdelay $0x4  }
0x1f9: {  	[tilespmem:s2+$0xE4F8] =	vst v0  }
0x1fa: {  	v0 =	vld [tilespmem:s0+$0xE508];
	_ =	sdelay $0x4  }
0x1fb: {  	[tilespmem:s2+$0xE508] =	vst v0  }
0x1fc: {  	v0 =	vld [tilespmem:s0+$0xE518];
	_ =	sdelay $0x4  }
0x1fd: {  	[tilespmem:s2+$0xE518] =	vst v0  }
0x1fe: {  	v0 =	vld [tilespmem:s0+$0xE528];
	_ =	sdelay $0x4  }
0x1ff: {  	s6 =	sadd.s32 $0x1, s6;
	[tilespmem:s2+$0xE528] =	vst v0  }
.LBB2_39:
0x200: {  	s12 =	sadd.s32 $0x1, s12  }
0x201: {  	p1 =	sne.s32 s12, $0x20  }
.Ltmp26:
0x202: {  	_ = 	snop;
	(pc) =	sbr.rel @!p1 .LBB2_40-.Ltmp26, $1  }
0x203: {  	_ =	sdelay $0x3  }
.LBB2_32:
0x204: {  	v0 =	vld.msk [tilespmem:s12+$0xE418], $0x1;
	_ =	sdelay $0x4  }
0x205: {  	(v2sf) =	vpush v0, $0x0;
	_ =	sdelay $0xe  }
0x206: {  	s0 =	spop (v2sf)  }
0x207: {  	p1 =	seq.s32 s0, $0xFFFFFFFF  }
.Ltmp27:
0x208: {  	_ = 	snop;
	(pc) =	sbr.rel @p1 .LBB2_39-.Ltmp27, $1  }
0x209: {  	_ =	sdelay $0x3  }
0x20a: {  	p1 =	slt.s32 s6, $0x1  }
.Ltmp28:
0x20b: {  	_ = 	snop;
	(pc) =	sbr.rel @p1 .LBB2_38-.Ltmp28, $1  }
0x20c: {  	_ =	sdelay $0x3  }
0x20d: {  	s4 =	simm.s32 $0xE418;
	p1 =	por $0x0, $0x0  }
0x20e: {  	v1 =	vld.msk @!p1 [tilespmem:s4+$0x0], $0x1;
	_ =	sdelay $0x4  }
0x20f: {  	(v2sf) =	vpush @!p1 v1, $0x0;
	_ =	sdelay $0xd  }
0x210: {  	p3 =	sne.s32 s6, $0x1  }
.Ltmp29:
0x211: {  	s2 =	spop @!p1 (v2sf);
	(pc) =	sbr.rel @!p3 .LBB2_36-.Ltmp29, $4  }
0x212: {  	p2 =	seq.s32 @!p1 s0, s2  }
0x213: {  	s5 =	simm.s32 $0x0;
	p2 =	por !p2, p1  }
0x214: {  	s2 =	simm.s32 $0xFFFFFFFF;
	s5 =	simm.s32 @p2 $0xFFFFFFFF  }
0x215: {  	s13 =	simm.s32 $0x1;
	s5 =	smov.u32 @p1 s2  }
.LBB2_35:
0x216: {  	s2 =	smov.u32 s5;
	p1 =	sne.s32 s5, $0xFFFFFFFF  }
0x217: {  	s4 =	sadd.s32 $0x1, s4;
	s5 =	smov.u32 s13;
	s13 =	sadd.s32 $0x1, s13  }
0x218: {  	p2 =	sne.s32 s6, s13;
	v1 =	vld.msk @!p1 [tilespmem:s4+$0x0], $0x1;
	_ =	sdelay $0x4  }
0x219: {  	(v2sf) =	vpush @!p1 v1, $0x0;
	_ =	sdelay $0xe  }
.Ltmp30:
0x21a: {  	s3 =	spop @!p1 (v2sf);
	(pc) =	sbr.rel @p2 .LBB2_35-.Ltmp30, $4  }
0x21b: {  	p3 =	seq.s32 @!p1 s0, s3  }
0x21c: {  	p3 =	por !p3, p1  }
0x21d: {  	s5 =	simm.s32 @p3 $0xFFFFFFFF  }
0x21e: {  	s5 =	smov.u32 @p1 s2  }
.LBB2_36:
0x21f: {  	p1 =	seq.s32 s5, $0xFFFFFFFF  }
.Ltmp31:
0x220: {  	_ = 	snop;
	(pc) =	sbr.rel @p1 .LBB2_38-.Ltmp31, $1  }
0x221: {  	_ =	sdelay $0x3  }
0x222: {  	s0 =	sshll.u32 s12, $0x8  }
0x223: {  	s0 =	sand.u32 $0x3FFFFF00, s0  }
0x224: {  	v0 =	vld [tilespmem:s0+$0xE438];
	_ =	sdelay $0x2  }
0x225: {  	s2 =	sshll.u32 s5, $0xA  }
0x226: {  	s2 =	sshra.s32 s2, $0x2  }
0x227: {  	[tilespmem:s2+$0xE438] =	vst.add.f32.msk $0xffff, v0  }
0x228: {  	v0 =	vld [tilespmem:s0+$0xE448];
	_ =	sdelay $0x4  }
0x229: {  	[tilespmem:s2+$0xE448] =	vst.add.f32.msk $0xffff, v0  }
0x22a: {  	v0 =	vld [tilespmem:s0+$0xE458];
	_ =	sdelay $0x4  }
0x22b: {  	[tilespmem:s2+$0xE458] =	vst.add.f32.msk $0xffff, v0  }
0x22c: {  	v0 =	vld [tilespmem:s0+$0xE468];
	_ =	sdelay $0x4  }
0x22d: {  	[tilespmem:s2+$0xE468] =	vst.add.f32.msk $0xffff, v0  }
0x22e: {  	v0 =	vld [tilespmem:s0+$0xE478];
	_ =	sdelay $0x4  }
0x22f: {  	[tilespmem:s2+$0xE478] =	vst.add.f32.msk $0xffff, v0  }
0x230: {  	v0 =	vld [tilespmem:s0+$0xE488];
	_ =	sdelay $0x4  }
0x231: {  	[tilespmem:s2+$0xE488] =	vst.add.f32.msk $0xffff, v0  }
0x232: {  	v0 =	vld [tilespmem:s0+$0xE498];
	_ =	sdelay $0x4  }
0x233: {  	[tilespmem:s2+$0xE498] =	vst.add.f32.msk $0xffff, v0  }
0x234: {  	v0 =	vld [tilespmem:s0+$0xE4A8];
	_ =	sdelay $0x4  }
0x235: {  	[tilespmem:s2+$0xE4A8] =	vst.add.f32.msk $0xffff, v0  }
0x236: {  	v0 =	vld [tilespmem:s0+$0xE4B8];
	_ =	sdelay $0x4  }
0x237: {  	[tilespmem:s2+$0xE4B8] =	vst.add.f32.msk $0xffff, v0  }
0x238: {  	v0 =	vld [tilespmem:s0+$0xE4C8];
	_ =	sdelay $0x4  }
0x239: {  	[tilespmem:s2+$0xE4C8] =	vst.add.f32.msk $0xffff, v0  }
0x23a: {  	v0 =	vld [tilespmem:s0+$0xE4D8];
	_ =	sdelay $0x4  }
0x23b: {  	[tilespmem:s2+$0xE4D8] =	vst.add.f32.msk $0xffff, v0  }
0x23c: {  	v0 =	vld [tilespmem:s0+$0xE4E8];
	_ =	sdelay $0x4  }
0x23d: {  	[tilespmem:s2+$0xE4E8] =	vst.add.f32.msk $0xffff, v0  }
0x23e: {  	v0 =	vld [tilespmem:s0+$0xE4F8];
	_ =	sdelay $0x4  }
0x23f: {  	[tilespmem:s2+$0xE4F8] =	vst.add.f32.msk $0xffff, v0  }
0x240: {  	v0 =	vld [tilespmem:s0+$0xE508];
	_ =	sdelay $0x4  }
0x241: {  	[tilespmem:s2+$0xE508] =	vst.add.f32.msk $0xffff, v0  }
0x242: {  	v0 =	vld [tilespmem:s0+$0xE518];
	_ =	sdelay $0x4  }
0x243: {  	[tilespmem:s2+$0xE518] =	vst.add.f32.msk $0xffff, v0  }
0x244: {  	v0 =	vld [tilespmem:s0+$0xE528]  }
.Ltmp32:
0x245: {  	_ = 	snop;
	(pc) =	sbr.rel .LBB2_39-.Ltmp32, $2  }
0x246: {  	_ =	sdelay $0x2  }
0x247: {  	[tilespmem:s2+$0xE528] =	vst.add.f32.msk $0xffff, v0  }
.LBB2_40:
0x248: {  	s0 =	simm.s32 $0x6;
	p1 =	seq.s32 s6, $0x0  }
0x249: {  	[sflag:s0] =	ssyncpa.u1 $0x1;
	v0 =	vimm.s32 @p1 $0xFFFFFFFF  }
0x24a: {  	s0 =	sadd.s32 $0xFFFFFFFF, s6;
	[tilespmem:$0x10438] =	vst @p1 v0  }
0x24b: {  	v0 =	vld.msk @!p1 [tilespmem:s0+$0xE418], $0x1;
	_ =	sdelay $0x1  }
0x24c: {  	v1 =	vld.msk @!p1 [tilespmem:$0xE418], $0x1;
	_ =	sdelay $0x2  }
0x24d: {  	p2 =	seq.s32 @!p1 s0, $0x0;
	v0 =	vbroadcast @!p1 v0, $0x0  }
0x24e: {  	vm0 =	vmmov @!p1 $0x1;
	p2 =	por !p2, p1  }
0x24f: {  	v1 =	vnsel @!p1 vm0, $0xFFFFFFFF, v1;
	vm0 =	vcmask @!p1 $0x308;
	v0 =	vpsel !p2, $0xFFFFFFFF, v0  }
0x250: {  	p2 =	sne.s32 @!p1 s8, s7;
	v0 =	vsel @!p1 vm0, v1, v0  }
0x251: {  	s2 =	simm.s32 @!p1 $0xE438;
	s3 =	simm.s32 @!p1 $0x0;
	p3 =	por !p2, p1;
	[tilespmem:$0x10438] =	vst @!p1 v0  }
0x252: {  	[spmem:s3] =	stream.linear.scatter @!p1 [tilespmem:s2], [sflag:$0x1], $0x100, $0x38;
	[tilespmem:$0x1E678] =	vst v63  }
0x253: {  	s2 =	sshll.u32 @!p3 s0, $0xA  }
0x254: {  	s2 =	sshra.s32 @!p3 s2, $0x2  }
0x255: {  	s3 =	simm.s32 @!p3 $0x100;
	s2 =	sadd.s32 @!p3 $0xE438, s2  }
0x256: {  	[spmem:s3] =	stream.linear.scatter @!p3 [tilespmem:s2], [sflag:$0x1], $0x100, $0x38;
	[tilespmem:$0x1E678] =	vst v63  }
0x257: {  	s2 =	simm.s32 @!p3 $0x1  }
0x258: {  	_ =	swait.ge @!p3 [sflag:s2], $0x200  }
0x259: {  	p1 =	por p2, p1;
	[sflag:s2] =	ssyncset.done @!p3 $0x0  }
0x25a: {  	[sflag:s2] =	ssyncadd.s32 @!p3 $0xFFFFFE00;
	s2 =	simm.s32 @!p1 $0x1  }
0x25b: {  	_ =	swait.ge @!p1 [sflag:s2], $0x100  }
0x25c: {  	s29 =	simm.s32 $0x10438;
	[sflag:s2] =	ssyncset.done @!p1 $0x0  }
0x25d: {  	s30 =	simm.s32 $0x2000;
	s31 =	simm.s32 $0x1;
	[sflag:s2] =	ssyncadd.s32 @!p1 $0xFFFFFF00  }
0x25e: {  	[spmem:s30] =	stream.linear.scatter [tilespmem:s29], [sflag:$0x1], $0x10, $0x38;
	[tilespmem:$0x1E678] =	vst v63  }
0x25f: {  	_ =	swait.ge [sflag:s31], $0x10  }
0x260: {  	[sflag:s31] =	ssyncset.done $0x0  }
0x261: {  	p1 =	seq.s32 s14, $0x0;
	s9 =	rddreg [dreg:$0x1];
	[sflag:s31] =	ssyncadd.s32 $0xFFFFFFF0  }
0x262: {  	s3 =	sshll.u32 @p1 s9, $0xE;
	s8 =	rddreg [dreg:$0x2]  }
0x263: {  	s2 =	sadd.s32 @p1 $0x15C3C, s3;
	s3 =	sshll.u32 @p1 s8, $0x11  }
0x264: {  	_ =	sfence.stream.spmem;
	s2 =	sor.u32 @p1 s3, s2  }
0x265: {  	[sflag:s2] =	ssyncadd.remote.s32 @p1 $0x1;
	s2 =	simm.s32 @p1 $0x4  }
0x266: {  	s4 =	simm.s32 @!p1 $0x3C;
	s3 =	sand.u32 $0xFFFFFFFE, s9;
	_ =	swait.ge @p1 [sflag:s2], $0x42  }
0x267: {  	s5 =	simm.s32 @!p1 $0x0;
	s3 =	sadd.s32 @!p1 $0x4, s3;
	[sflag:s2] =	ssyncset.done @p1 $0x0  }
0x268: {  	s7 =	simm.s32 @!p1 $0x200;
	[sflag:s2] =	ssyncadd.s32 @p1 $0xFFFFFFBE;
	s2 =	sshll.u32 @!p1 s3, $0x1A  }
0x269: {  	s3 =	sshll.u32 @!p1 s3, $0xD;
	s2 =	sor.u32 @!p1 s2, s8;
	_ =	swait.eq @!p1 [sflag:s4], $0x1  }
0x26a: {  	s3 =	sor.u32 @!p1 $0x1C04, s3;
	s4 =	simm.s32 @!p1 $0x1C03;
	s2 =	sor.u32 @!p1 $0x80004000, s2  }
0x26b: {  	[spmem:s7], [sflag:s3] =	dma.general @!p1 [spmem:s5], [sflag:s4], length:$0x40, [dreg:$0x0], stride_count:$0x0, ici_dest:s2, dma_misc:DstOpCode:WRITE  }
0x26c: {  	p2 =	slt.s32 s0, $0x2;
	s5 =	simm.s32 @!p1 $0x400;
	s7 =	simm.s32 @!p1 $0x402  }
0x26d: {  	[spmem:s7], [sflag:s3] =	dma.general @!p1 [spmem:s5], [sflag:s4], length:$0x2, [dreg:$0x0], stride_count:$0x0, ici_dest:s2, dma_misc:DstOpCode:WRITE  }
.Ltmp33:
0x26e: {  	s2 =	simm.s32 @!p1 $0x3;
	(pc) =	sbr.rel @p2 .LBB2_44-.Ltmp33, $4  }
0x26f: {  	s3 =	sshll.u32 @!p1 s9, $0xE;
	_ =	swait.ge @!p1 [sflag:s2], $0x42  }
0x270: {  	s4 =	sshll.u32 @!p1 s8, $0x11;
	s3 =	sadd.s32 @!p1 $0x11C3C, s3;
	[sflag:s2] =	ssyncset.done @!p1 $0x0  }
0x271: {  	[sflag:s2] =	ssyncadd.s32 @!p1 $0xFFFFFFBE;
	s2 =	sor.u32 @!p1 s4, s3  }
0x272: {  	s0 =	simm.s32 $0x0;
	[sflag:s2] =	ssyncadd.remote.s32 @!p1 $0xFFFFFFFF  }
0x273: {  	s0 =	simm.s32 $0xE419  }
0x274: {  	v0 =	vld.msk [tilespmem:s0+$0x0], $0x1;
	_ =	sdelay $0x4  }
0x275: {  	(v2sf) =	vpush v0, $0x0;
	_ =	sdelay $0xd  }
0x276: {  	s31 =	sadd.s32 $0xFFFFFFFE, s6  }
0x277: {  	s6 =	simm.s32 $0x0;
	s0 =	sadd.s32 $0xFFFFFFFF, s31;
	s2 =	spop (v2sf)  }
0x278: {  	s3 =	simm.s32 $0xE538;
	p1 =	sne.s32 s0, $0x0;
	p2 =	sgt.u32 s2, $0x4E170  }
.Ltmp34:
0x279: {  	s4 =	simm.s32 $0xE638;
	s5 =	sand.u32 @!p2 $0x7FFF8, s2;
	(pc) =	sbr.rel @!p1 .LBB2_43-.Ltmp34, $4  }
0x27a: {  	s7 =	sadd.s32 @!p2 $0x80, s2;
	s2 =	sand.u32 @!p2 $0x7, s2;
	s6 =	simm.s32 @!p2 $0x400  }
0x27b: {  	s5 =	sadd.s32 @!p2 s1, s5;
	s7 =	sand.u32 @!p2 $0xFFFF8, s7;
	s6 =	sadd.s32 $0x0, s6  }
0x27c: {  	[hbm4b:s5+s2] =	stream.linear.scatter @!p2 [tilespmem:s3], [sflag:$0x5], $0x80, $0x38;
	[tilespmem:$0x1E678] =	vst v63  }
0x27d: {  	s5 =	simm.s32 $0xE41A;
	s3 =	simm.s32 @!p2 $0xE5B8;
	s7 =	sadd.s32 @!p2 s1, s7  }
.LBB2_42:
0x27e: {  	[hbm4b:s7+s2] =	stream.linear.scatter @!p2 [tilespmem:s3], [sflag:$0x5], $0x80, $0x38;
	[tilespmem:$0x1E678] =	vst v63  }
0x27f: {  	s0 =	sadd.s32 $0xFFFFFFFF, s0;
	s3 =	smov.u32 s4;
	v0 =	vld.msk [tilespmem:s5+$0x0], $0x1  }
0x280: {  	p1 =	sne.s32 s0, $0x0;
	_ =	sdelay $0x3  }
0x281: {  	(v2sf) =	vpush v0, $0x0;
	_ =	sdelay $0xe  }
0x282: {  	s4 =	sadd.s32 $0x100, s4;
	s8 =	simm.s32 $0x0;
	s2 =	spop (v2sf)  }
.Ltmp35:
0x283: {  	s5 =	sadd.s32 $0x1, s5;
	p2 =	sgt.u32 s2, $0x4E170;
	(pc) =	sbr.rel @p1 .LBB2_42-.Ltmp35, $4  }
0x284: {  	s8 =	simm.s32 @!p2 $0x400;
	s7 =	sand.u32 @!p2 $0x7FFF8, s2;
	s9 =	sadd.s32 @!p2 $0x80, s2  }
0x285: {  	s2 =	sand.u32 @!p2 $0x7, s2;
	s7 =	sadd.s32 @!p2 s1, s7;
	s9 =	sand.u32 @!p2 $0xFFFF8, s9  }
0x286: {  	[hbm4b:s7+s2] =	stream.linear.scatter @!p2 [tilespmem:s3], [sflag:$0x5], $0x80, $0x38;
	[tilespmem:$0x1E678] =	vst v63  }
0x287: {  	s6 =	sadd.s32 s6, s8;
	s3 =	sadd.s32 @!p2 $0x80, s3;
	s7 =	sadd.s32 @!p2 s1, s9  }
.LBB2_43:
0x288: {  	[hbm4b:s7+s2] =	stream.linear.scatter @!p2 [tilespmem:s3], [sflag:$0x5], $0x80, $0x38;
	[tilespmem:$0x1E678] =	vst v63  }
0x289: {  	s0 =	sshrl.u32 s6, $0x2  }
.LBB2_44:
0x28a: {  	s2 =	simm.s32 $0x5  }
0x28b: {  	_ =	swait.ge [sflag:s2], s0  }
0x28c: {  	s31 =	ssub.s32 $0x0, s0;
	[sflag:s2] =	ssyncset.done $0x0  }
0x28d: {  	[sflag:s2] =	ssyncadd.s32 s31  }
0x28e: {  	[sflag:s2] =	ssyncpa.u1 $0x1  }
.LBB2_45:
0x28f: {  	s0 =	sor.u32 s14, s15  }
0x290: {  	p1 =	sne.s32 s0, $0x0  }
.Ltmp36:
0x291: {  	_ = 	snop;
	(pc) =	sbr.rel @p1 .LBB2_60-.Ltmp36, $3  }
0x292: {  	_ =	sdelay $0x1  }
0x293: {  	[bflag:$0x0] =	sbarrier.arrive $0xFFFF  }
0x294: {  	_ =	sfence  }
0x295: {  	s0 =	simm.s32 $0x7  }
0x296: {  	s2 =	simm.s32 $0x2000;
	s3 =	simm.s32 $0xE418;
	[sflag:s0] =	ssyncpa.u1 $0x0  }
0x297: {  	[tilespmem:s3], [sflag:$0x7] =	stream.linear.gather [spmem:s2], $0x20, $0x38;
	[tilespmem:$0x1E678] =	vst v63  }
0x298: {  	s30 =	simm.s32 $0xE438;
	s2 =	simm.s32 $0x0  }
0x299: {  	[tilespmem:s30], [sflag:$0x7] =	stream.linear.gather [spmem:s2], $0x2000, $0x38;
	[tilespmem:$0x1E678] =	vst v63  }
.Ltmp37:
0x29a: {  	_ = 	snop;
	(pc) =	sbr.rel .LBB2_47-.Ltmp37, $4  }
0x29b: {  	_ =	swait.ge [sflag:s0], $0x2020  }
0x29c: {  	[sflag:s0] =	ssyncset.done $0x0  }
0x29d: {  	s31 =	simm.s32 $0x8;
	[sflag:s0] =	ssyncadd.s32 $0xFFFFDFE0  }
0x29e: {  	s3 =	simm.s32 $0x0;
	[sflag:s31] =	ssyncpa.u1 $0x0  }
.LBB2_53:
0x29f: {  	p1 =	slt.u32 s0, $0x4E171  }
0x2a0: {  	s4 =	sand.u32 @p1 $0x7FFF8, s0;
	s5 =	sand.u32 @p1 $0x7, s0;
	s0 =	sadd.s32 @p1 $0x80, s0  }
0x2a1: {  	s6 =	simm.s32 @p1 $0xE308;
	s4 =	sadd.s32 @p1 s1, s4;
	s0 =	sand.u32 @p1 $0xFFFF8, s0  }
0x2a2: {  	[tilespmem:s6], [sflag:$0x8] =	stream.linear.gather @p1 [hbm4b:s4+s5], $0x80, $0x38;
	[tilespmem:$0x1E678] =	vst v63  }
0x2a3: {  	s0 =	sadd.s32 @p1 s1, s0;
	s4 =	simm.s32 @p1 $0xE388  }
0x2a4: {  	[tilespmem:s4], [sflag:$0x8] =	stream.linear.gather @p1 [hbm4b:s0+s5], $0x80, $0x38;
	[tilespmem:$0x1E678] =	vst v63  }
0x2a5: {  	s0 =	simm.s32 @p1 $0x8  }
0x2a6: {  	_ =	swait.ge @p1 [sflag:s0], $0x100  }
0x2a7: {  	[sflag:s0] =	ssyncset.done @p1 $0x0  }
0x2a8: {  	[sflag:s0] =	ssyncadd.s32 @p1 $0xFFFFFF00  }
0x2a9: {  	v1 =	vld @p1 [tilespmem:$0xE308];
	_ =	sdelay $0x2  }
0x2aa: {  	s0 =	sshll.u32 @p1 s3, $0xA  }
0x2ab: {  	s4 =	sshrl.u32 @p1 s0, $0x2  }
0x2ac: {  	[tilespmem:s4+$0xE438] =	vst.add.f32.msk @p1 $0xffff, v1  }
0x2ad: {  	v1 =	vld @p1 [tilespmem:$0xE318];
	_ =	sdelay $0x4  }
0x2ae: {  	[tilespmem:s4+$0xE448] =	vst.add.f32.msk @p1 $0xffff, v1  }
0x2af: {  	v1 =	vld @p1 [tilespmem:$0xE328];
	_ =	sdelay $0x4  }
0x2b0: {  	[tilespmem:s4+$0xE458] =	vst.add.f32.msk @p1 $0xffff, v1  }
0x2b1: {  	v1 =	vld @p1 [tilespmem:$0xE338];
	_ =	sdelay $0x4  }
0x2b2: {  	[tilespmem:s4+$0xE468] =	vst.add.f32.msk @p1 $0xffff, v1  }
0x2b3: {  	v1 =	vld @p1 [tilespmem:$0xE348];
	_ =	sdelay $0x4  }
0x2b4: {  	[tilespmem:s4+$0xE478] =	vst.add.f32.msk @p1 $0xffff, v1  }
0x2b5: {  	v1 =	vld @p1 [tilespmem:$0xE358];
	_ =	sdelay $0x4  }
0x2b6: {  	[tilespmem:s4+$0xE488] =	vst.add.f32.msk @p1 $0xffff, v1  }
0x2b7: {  	v1 =	vld @p1 [tilespmem:$0xE368];
	_ =	sdelay $0x4  }
0x2b8: {  	[tilespmem:s4+$0xE498] =	vst.add.f32.msk @p1 $0xffff, v1  }
0x2b9: {  	v1 =	vld @p1 [tilespmem:$0xE378];
	_ =	sdelay $0x4  }
0x2ba: {  	[tilespmem:s4+$0xE4A8] =	vst.add.f32.msk @p1 $0xffff, v1  }
0x2bb: {  	v1 =	vld @p1 [tilespmem:$0xE388];
	_ =	sdelay $0x4  }
0x2bc: {  	[tilespmem:s4+$0xE4B8] =	vst.add.f32.msk @p1 $0xffff, v1  }
0x2bd: {  	v1 =	vld @p1 [tilespmem:$0xE398];
	_ =	sdelay $0x4  }
0x2be: {  	[tilespmem:s4+$0xE4C8] =	vst.add.f32.msk @p1 $0xffff, v1  }
0x2bf: {  	v1 =	vld @p1 [tilespmem:$0xE3A8];
	_ =	sdelay $0x4  }
0x2c0: {  	[tilespmem:s4+$0xE4D8] =	vst.add.f32.msk @p1 $0xffff, v1  }
0x2c1: {  	v1 =	vld @p1 [tilespmem:$0xE3B8];
	_ =	sdelay $0x4  }
0x2c2: {  	[tilespmem:s4+$0xE4E8] =	vst.add.f32.msk @p1 $0xffff, v1  }
0x2c3: {  	v1 =	vld @p1 [tilespmem:$0xE3C8];
	_ =	sdelay $0x4  }
0x2c4: {  	[tilespmem:s4+$0xE4F8] =	vst.add.f32.msk @p1 $0xffff, v1  }
0x2c5: {  	v1 =	vld @p1 [tilespmem:$0xE3D8];
	_ =	sdelay $0x4  }
0x2c6: {  	[tilespmem:s4+$0xE508] =	vst.add.f32.msk @p1 $0xffff, v1  }
0x2c7: {  	v1 =	vld @p1 [tilespmem:$0xE3E8];
	_ =	sdelay $0x4  }
0x2c8: {  	[tilespmem:s4+$0xE518] =	vst.add.f32.msk @p1 $0xffff, v1  }
0x2c9: {  	v1 =	vld @p1 [tilespmem:$0xE3F8];
	_ =	sdelay $0x3  }
0x2ca: {  	s5 =	sshll.u32 @!p1 s3, $0xA  }
0x2cb: {  	s5 =	smov.u32 @p1 s0;
	[tilespmem:s4+$0xE528] =	vst.add.f32.msk @p1 $0xffff, v1  }
0x2cc: {  	s0 =	sshrl.u32 s5, $0x2;
	[tilespmem:s2+$0xE418] =	vst.msk $0x1, v0  }
0x2cd: {  	v0 =	vld [tilespmem:s0+$0xE438];
	_ =	sdelay $0x2  }
0x2ce: {  	s31 =	sshll.u32 s2, $0xA  }
0x2cf: {  	s4 =	sshra.s32 s31, $0x2  }
0x2d0: {  	[tilespmem:s4+$0xE438] =	vst v0  }
0x2d1: {  	v0 =	vld [tilespmem:s0+$0xE448];
	_ =	sdelay $0x4  }
0x2d2: {  	[tilespmem:s4+$0xE448] =	vst v0  }
0x2d3: {  	v0 =	vld [tilespmem:s0+$0xE458];
	_ =	sdelay $0x4  }
0x2d4: {  	[tilespmem:s4+$0xE458] =	vst v0  }
0x2d5: {  	v0 =	vld [tilespmem:s0+$0xE468];
	_ =	sdelay $0x4  }
0x2d6: {  	[tilespmem:s4+$0xE468] =	vst v0  }
0x2d7: {  	v0 =	vld [tilespmem:s0+$0xE478];
	_ =	sdelay $0x4  }
0x2d8: {  	[tilespmem:s4+$0xE478] =	vst v0  }
0x2d9: {  	v0 =	vld [tilespmem:s0+$0xE488];
	_ =	sdelay $0x4  }
0x2da: {  	[tilespmem:s4+$0xE488] =	vst v0  }
0x2db: {  	v0 =	vld [tilespmem:s0+$0xE498];
	_ =	sdelay $0x4  }
0x2dc: {  	[tilespmem:s4+$0xE498] =	vst v0  }
0x2dd: {  	v0 =	vld [tilespmem:s0+$0xE4A8];
	_ =	sdelay $0x4  }
0x2de: {  	[tilespmem:s4+$0xE4A8] =	vst v0  }
0x2df: {  	v0 =	vld [tilespmem:s0+$0xE4B8];
	_ =	sdelay $0x4  }
0x2e0: {  	[tilespmem:s4+$0xE4B8] =	vst v0  }
0x2e1: {  	v0 =	vld [tilespmem:s0+$0xE4C8];
	_ =	sdelay $0x4  }
0x2e2: {  	[tilespmem:s4+$0xE4C8] =	vst v0  }
0x2e3: {  	v0 =	vld [tilespmem:s0+$0xE4D8];
	_ =	sdelay $0x4  }
0x2e4: {  	[tilespmem:s4+$0xE4D8] =	vst v0  }
0x2e5: {  	v0 =	vld [tilespmem:s0+$0xE4E8];
	_ =	sdelay $0x4  }
0x2e6: {  	[tilespmem:s4+$0xE4E8] =	vst v0  }
0x2e7: {  	v0 =	vld [tilespmem:s0+$0xE4F8];
	_ =	sdelay $0x4  }
0x2e8: {  	[tilespmem:s4+$0xE4F8] =	vst v0  }
0x2e9: {  	v0 =	vld [tilespmem:s0+$0xE508];
	_ =	sdelay $0x4  }
0x2ea: {  	[tilespmem:s4+$0xE508] =	vst v0  }
0x2eb: {  	v0 =	vld [tilespmem:s0+$0xE518];
	_ =	sdelay $0x4  }
0x2ec: {  	[tilespmem:s4+$0xE518] =	vst v0  }
0x2ed: {  	v0 =	vld [tilespmem:s0+$0xE528];
	_ =	sdelay $0x4  }
0x2ee: {  	s2 =	sadd.s32 $0x1, s2;
	[tilespmem:s4+$0xE528] =	vst v0  }
.LBB2_54:
0x2ef: {  	s3 =	sadd.s32 $0x1, s3  }
0x2f0: {  	p1 =	sne.s32 s3, $0x20  }
.Ltmp38:
0x2f1: {  	_ = 	snop;
	(pc) =	sbr.rel @!p1 .LBB2_55-.Ltmp38, $1  }
0x2f2: {  	_ =	sdelay $0x3  }
.LBB2_47:
0x2f3: {  	v0 =	vld.msk [tilespmem:s3+$0xE418], $0x1;
	_ =	sdelay $0x4  }
0x2f4: {  	(v2sf) =	vpush v0, $0x0;
	_ =	sdelay $0xe  }
0x2f5: {  	s0 =	spop (v2sf)  }
0x2f6: {  	p1 =	seq.s32 s0, $0xFFFFFFFF  }
.Ltmp39:
0x2f7: {  	_ = 	snop;
	(pc) =	sbr.rel @p1 .LBB2_54-.Ltmp39, $1  }
0x2f8: {  	_ =	sdelay $0x3  }
0x2f9: {  	p1 =	slt.s32 s2, $0x1  }
.Ltmp40:
0x2fa: {  	_ = 	snop;
	(pc) =	sbr.rel @p1 .LBB2_53-.Ltmp40, $1  }
0x2fb: {  	_ =	sdelay $0x3  }
0x2fc: {  	s4 =	simm.s32 $0xE418;
	p1 =	por $0x0, $0x0  }
0x2fd: {  	v1 =	vld.msk @!p1 [tilespmem:s4+$0x0], $0x1;
	_ =	sdelay $0x4  }
0x2fe: {  	(v2sf) =	vpush @!p1 v1, $0x0;
	_ =	sdelay $0xd  }
0x2ff: {  	p3 =	sne.s32 s2, $0x1  }
.Ltmp41:
0x300: {  	s5 =	spop @!p1 (v2sf);
	(pc) =	sbr.rel @!p3 .LBB2_51-.Ltmp41, $4  }
0x301: {  	p2 =	seq.s32 @!p1 s0, s5  }
0x302: {  	s5 =	simm.s32 $0x0;
	p2 =	por !p2, p1  }
0x303: {  	s7 =	simm.s32 $0xFFFFFFFF;
	s5 =	simm.s32 @p2 $0xFFFFFFFF  }
0x304: {  	s6 =	simm.s32 $0x1;
	s5 =	smov.u32 @p1 s7  }
.LBB2_50:
0x305: {  	s7 =	smov.u32 s5;
	p1 =	sne.s32 s5, $0xFFFFFFFF  }
0x306: {  	s4 =	sadd.s32 $0x1, s4;
	s5 =	smov.u32 s6;
	s6 =	sadd.s32 $0x1, s6  }
0x307: {  	p2 =	sne.s32 s2, s6;
	v1 =	vld.msk @!p1 [tilespmem:s4+$0x0], $0x1;
	_ =	sdelay $0x4  }
0x308: {  	(v2sf) =	vpush @!p1 v1, $0x0;
	_ =	sdelay $0xe  }
.Ltmp42:
0x309: {  	s8 =	spop @!p1 (v2sf);
	(pc) =	sbr.rel @p2 .LBB2_50-.Ltmp42, $4  }
0x30a: {  	p3 =	seq.s32 @!p1 s0, s8  }
0x30b: {  	p3 =	por !p3, p1  }
0x30c: {  	s5 =	simm.s32 @p3 $0xFFFFFFFF  }
0x30d: {  	s5 =	smov.u32 @p1 s7  }
.LBB2_51:
0x30e: {  	p1 =	seq.s32 s5, $0xFFFFFFFF  }
.Ltmp43:
0x30f: {  	_ = 	snop;
	(pc) =	sbr.rel @p1 .LBB2_53-.Ltmp43, $1  }
0x310: {  	_ =	sdelay $0x3  }
0x311: {  	s0 =	sshll.u32 s3, $0x8  }
0x312: {  	s0 =	sand.u32 $0x3FFFFF00, s0  }
0x313: {  	v0 =	vld [tilespmem:s0+$0xE438];
	_ =	sdelay $0x2  }
0x314: {  	s4 =	sshll.u32 s5, $0xA  }
0x315: {  	s4 =	sshra.s32 s4, $0x2  }
0x316: {  	[tilespmem:s4+$0xE438] =	vst.add.f32.msk $0xffff, v0  }
0x317: {  	v0 =	vld [tilespmem:s0+$0xE448];
	_ =	sdelay $0x4  }
0x318: {  	[tilespmem:s4+$0xE448] =	vst.add.f32.msk $0xffff, v0  }
0x319: {  	v0 =	vld [tilespmem:s0+$0xE458];
	_ =	sdelay $0x4  }
0x31a: {  	[tilespmem:s4+$0xE458] =	vst.add.f32.msk $0xffff, v0  }
0x31b: {  	v0 =	vld [tilespmem:s0+$0xE468];
	_ =	sdelay $0x4  }
0x31c: {  	[tilespmem:s4+$0xE468] =	vst.add.f32.msk $0xffff, v0  }
0x31d: {  	v0 =	vld [tilespmem:s0+$0xE478];
	_ =	sdelay $0x4  }
0x31e: {  	[tilespmem:s4+$0xE478] =	vst.add.f32.msk $0xffff, v0  }
0x31f: {  	v0 =	vld [tilespmem:s0+$0xE488];
	_ =	sdelay $0x4  }
0x320: {  	[tilespmem:s4+$0xE488] =	vst.add.f32.msk $0xffff, v0  }
0x321: {  	v0 =	vld [tilespmem:s0+$0xE498];
	_ =	sdelay $0x4  }
0x322: {  	[tilespmem:s4+$0xE498] =	vst.add.f32.msk $0xffff, v0  }
0x323: {  	v0 =	vld [tilespmem:s0+$0xE4A8];
	_ =	sdelay $0x4  }
0x324: {  	[tilespmem:s4+$0xE4A8] =	vst.add.f32.msk $0xffff, v0  }
0x325: {  	v0 =	vld [tilespmem:s0+$0xE4B8];
	_ =	sdelay $0x4  }
0x326: {  	[tilespmem:s4+$0xE4B8] =	vst.add.f32.msk $0xffff, v0  }
0x327: {  	v0 =	vld [tilespmem:s0+$0xE4C8];
	_ =	sdelay $0x4  }
0x328: {  	[tilespmem:s4+$0xE4C8] =	vst.add.f32.msk $0xffff, v0  }
0x329: {  	v0 =	vld [tilespmem:s0+$0xE4D8];
	_ =	sdelay $0x4  }
0x32a: {  	[tilespmem:s4+$0xE4D8] =	vst.add.f32.msk $0xffff, v0  }
0x32b: {  	v0 =	vld [tilespmem:s0+$0xE4E8];
	_ =	sdelay $0x4  }
0x32c: {  	[tilespmem:s4+$0xE4E8] =	vst.add.f32.msk $0xffff, v0  }
0x32d: {  	v0 =	vld [tilespmem:s0+$0xE4F8];
	_ =	sdelay $0x4  }
0x32e: {  	[tilespmem:s4+$0xE4F8] =	vst.add.f32.msk $0xffff, v0  }
0x32f: {  	v0 =	vld [tilespmem:s0+$0xE508];
	_ =	sdelay $0x4  }
0x330: {  	[tilespmem:s4+$0xE508] =	vst.add.f32.msk $0xffff, v0  }
0x331: {  	v0 =	vld [tilespmem:s0+$0xE518];
	_ =	sdelay $0x4  }
0x332: {  	[tilespmem:s4+$0xE518] =	vst.add.f32.msk $0xffff, v0  }
0x333: {  	v0 =	vld [tilespmem:s0+$0xE528]  }
.Ltmp44:
0x334: {  	_ = 	snop;
	(pc) =	sbr.rel .LBB2_54-.Ltmp44, $2  }
0x335: {  	_ =	sdelay $0x2  }
0x336: {  	[tilespmem:s4+$0xE528] =	vst.add.f32.msk $0xffff, v0  }
.LBB2_55:
0x337: {  	p1 =	slt.s32 s2, $0x1  }
.Ltmp45:
0x338: {  	_ = 	snop;
	(pc) =	sbr.rel @p1 .LBB2_59-.Ltmp45, $3  }
0x339: {  	_ =	sdelay $0x1  }
0x33a: {  	s0 =	simm.s32 $0x8  }
0x33b: {  	s4 =	simm.s32 $0x0;
	[sflag:s0] =	ssyncpa.u1 $0x1  }
0x33c: {  	s0 =	simm.s32 $0xE418  }
0x33d: {  	v0 =	vld.msk [tilespmem:s0+$0x0], $0x1;
	_ =	sdelay $0x4  }
0x33e: {  	(v2sf) =	vpush v0, $0x0;
	_ =	sdelay $0xe  }
0x33f: {  	s0 =	sadd.s32 $0xFFFFFFFF, s2;
	s3 =	spop (v2sf)  }
0x340: {  	s6 =	simm.s32 $0xE438;
	p1 =	sne.s32 s0, $0x0;
	p2 =	sgt.u32 s3, $0x4E170  }
.Ltmp46:
0x341: {  	s2 =	simm.s32 $0xE538;
	s5 =	sand.u32 @!p2 $0x7FFF8, s3;
	(pc) =	sbr.rel @!p1 .LBB2_58-.Ltmp46, $4  }
0x342: {  	s7 =	sadd.s32 @!p2 $0x80, s3;
	s4 =	simm.s32 @!p2 $0x400;
	s8 =	sadd.s32 @!p2 s1, s5  }
0x343: {  	s5 =	sand.u32 @!p2 $0x7, s3;
	s3 =	simm.s32 $0xE419;
	s7 =	sand.u32 @!p2 $0xFFFF8, s7  }
0x344: {  	[hbm4b:s8+s5] =	stream.linear.scatter @!p2 [tilespmem:s6], [sflag:$0x7], $0x80, $0x38;
	[tilespmem:$0x1E678] =	vst v63  }
0x345: {  	s4 =	sadd.s32 $0x0, s4;
	s6 =	simm.s32 @!p2 $0xE4B8;
	s7 =	sadd.s32 @!p2 s1, s7  }
.LBB2_57:
0x346: {  	[hbm4b:s7+s5] =	stream.linear.scatter @!p2 [tilespmem:s6], [sflag:$0x7], $0x80, $0x38;
	[tilespmem:$0x1E678] =	vst v63  }
0x347: {  	s0 =	sadd.s32 $0xFFFFFFFF, s0;
	s6 =	smov.u32 s2;
	v0 =	vld.msk [tilespmem:s3+$0x0], $0x1  }
0x348: {  	p1 =	sne.s32 s0, $0x0;
	_ =	sdelay $0x3  }
0x349: {  	(v2sf) =	vpush v0, $0x0;
	_ =	sdelay $0xe  }
0x34a: {  	s2 =	sadd.s32 $0x100, s2;
	s8 =	simm.s32 $0x0;
	s5 =	spop (v2sf)  }
.Ltmp47:
0x34b: {  	s3 =	sadd.s32 $0x1, s3;
	p2 =	sgt.u32 s5, $0x4E170;
	(pc) =	sbr.rel @p1 .LBB2_57-.Ltmp47, $4  }
0x34c: {  	s8 =	simm.s32 @!p2 $0x400;
	s7 =	sand.u32 @!p2 $0x7FFF8, s5;
	s9 =	sadd.s32 @!p2 $0x80, s5  }
0x34d: {  	s5 =	sand.u32 @!p2 $0x7, s5;
	s7 =	sadd.s32 @!p2 s1, s7;
	s9 =	sand.u32 @!p2 $0xFFFF8, s9  }
0x34e: {  	[hbm4b:s7+s5] =	stream.linear.scatter @!p2 [tilespmem:s6], [sflag:$0x7], $0x80, $0x38;
	[tilespmem:$0x1E678] =	vst v63  }
0x34f: {  	s4 =	sadd.s32 s4, s8;
	s6 =	sadd.s32 @!p2 $0x80, s6;
	s7 =	sadd.s32 @!p2 s1, s9  }
.LBB2_58:
0x350: {  	[hbm4b:s7+s5] =	stream.linear.scatter @!p2 [tilespmem:s6], [sflag:$0x7], $0x80, $0x38;
	[tilespmem:$0x1E678] =	vst v63  }
0x351: {  	s4 =	sshrl.u32 s4, $0x2  }
.LBB2_59:
0x352: {  	s0 =	simm.s32 $0x7  }
0x353: {  	_ =	swait.ge [sflag:s0], s4  }
0x354: {  	s1 =	ssub.s32 $0x0, s4;
	[sflag:s0] =	ssyncset.done $0x0  }
0x355: {  	[sflag:s0] =	ssyncadd.s32 s1  }
0x356: {  	[sflag:s0] =	ssyncpa.u1 $0x1  }
.LBB2_60:
0x357: {  	_ =	sfence;
	s0 =	simm.s32 $0x1  }
0x358: {  	[sflag:s0] =	ssyncpa.u1 $0x1  }
0x359: {  	_ =	strace $0x9000004A  }
0x35a: {  	[bflag:$0x2] =	sbarrier.arrive $0xFFFF  }
0x35b: {  	s0 =	rddreg [dreg:$0x3]  }
0x35c: {  	s0 =	sadd.s32 @!p0 $0x100000, s0  }
0x35d: {  	[sflag:s0] =	ssyncadd.tile.s32 @!p0 $0x1;
	_ =	shalt  }
.Lfunc_end2:
_tile_overlayer_lowered:
.L_overlay_start_2:
0x35e: {  	(tag) =	ssettag $0x2  }
0x35f: {  	s0 =	rddreg [dreg:$0x0];
	s2 =	stileid.u32  }
0x360: {  	s1 =	rddreg [dreg:$0x1];
	p0 =	sne.s32 s2, $0x0  }
0x361: {  	s3 =	rddreg [dreg:$0x2];
	[bflag:$0x3] =	sbarrier.arrive $0xFFFF;
	s2 =	simm.s32 @!p0 $0x1C01  }
0x362: {  	[timem:s3], [sflag:s2] =	dma.local @!p0 [hbm:s0], s1  }
0x363: {  	s0 =	simm.s32 @!p0 $0x1  }
0x364: {  	_ =	swait.ge @!p0 [sflag:s0], s1  }
0x365: {  	s1 =	ssub.s32 @!p0 $0x0, s1;
	[sflag:s0] =	ssyncset.done @!p0 $0x0  }
0x366: {  	[sflag:s0] =	ssyncadd.s32 @!p0 s1  }
0x367: {  	[bflag:$0x3] =	sbarrier.arrive $0xFFFF  }
0x368: {  	_ =	shalt  }

// kernel: scatter_offload_async_start.2
scs
__scs_entry_jumppad:
0x0: {  	(pc) =	sbr.rel $0x88, $3  }
0x1: {  	(tag) =	ssettag $0x0;
	lr =	simm.s32 $0x1  }
0x2: {  	[smem:$0x3F83] =	sst lr;
	_ =	strace $0xD0000000  }
0x3: {  	_ = 	snop  }
0x4: {  	_ = 	snop  }
0x5: {  	_ = 	snop  }
0x6: {  	_ = 	snop  }
0x7: {  	_ = 	snop  }
__scs_overlays_trampoline_lowered:
0x8: {  	[smem:$0x3F92] =	sst s0  }
0x9: {  	[smem:$0x3F93] =	sst s1  }
0xa: {  	[smem:$0x3F94] =	sst s2  }
0xb: {  	[smem:$0x3F95] =	sst s3  }
0xc: {  	[smem:$0x3F96] =	sst s4  }
0xd: {  	[smem:$0x3F97] =	sst s5  }
0xe: {  	[smem:$0x3F98] =	sst s6  }
0xf: {  	[smem:$0x3F99] =	sst s7  }
0x10: {  	[smem:$0x3F9A] =	sst s8  }
0x11: {  	[smem:$0x3F9B] =	sst s9;
	s0 =	simm.s32 @!p0 $0x0  }
0x12: {  	s1 =	sld [smem:$0x3F81];
	s0 =	simm.s32 @p0 $0x1  }
0x13: {  	[smem:$0x3F9C] =	sst s0;
	s0 =	simm.s32 @!p1 $0x0  }
0x14: {  	s2 =	sld [smem:$0x3F80];
	s0 =	simm.s32 @p1 $0x1  }
0x15: {  	[smem:$0x3F9D] =	sst s0;
	s0 =	simm.s32 @!p2 $0x0  }
0x16: {  	s3 =	sld [smem:$0x3FDB];
	s0 =	simm.s32 @p2 $0x1  }
0x17: {  	s4 =	simm.s32 $0x1BF5;
	[smem:$0x3F9F] =	sst s0  }
0x18: {  	s0 =	sld [smem:$0x3F82];
	_ =	swait.ge [sflag:s4], $0x0  }
0x19: {  	s7 =	sld [smem:$0x3F83]  }
0x1a: {  	s8 =	sadd.s32 $0xFFFFE003, lr  }
0x1b: {  	s9 =	sadd.s32 $0xFFFFFEF7, lr;
	s5 =	simm.s32 $0xFFFFFFFF;
	p2 =	slt.u32 s8, $0xFFFFF086  }
0x1c: {  	p1 =	slt.u32 s9, $0xF7A;
	s5 =	simm.s32 @!p2 $0x0  }
0x1d: {  	s5 =	simm.s32 @p1 $0x1;
	p0 =	seq.s32 s7, s2  }
0x1e: {  	s7 =	smul.u32 @!p0 $0xF7A, s2;
	p2 =	seq.s32 @!p0 s5, $0x0  }
0x1f: {  	s9 =	smul.u32 $0xF7A, s1;
	s8 =	simm.s32 @!p0 $0x1BF5;
	p2 =	por !p2, p0  }
0x20: {  	[sflag:s8] =	ssyncset.s32 @!p0 $0xFFFFF086;
	s6 =	sadd.s32 @!p0 s3, s7;
	s7 =	simm.s32 @!p0 $0x108  }
0x21: {  	s3 =	sadd.s32 s3, s9;
	s6 =	sadd.s32 @!p0 $0x88, s6;
	s7 =	simm.s32 @p2 $0x1082  }
0x22: {  	[simem:s7], [sflag:s8] =	dma.local @!p0 [hbm:s6], $0xF7A  }
0x23: {  	s9 =	sor.u32 $0xD0000000, s2;
	s6 =	simm.s32 $0x108;
	_ =	swait.ge @!p0 [sflag:s8], $0x0  }
0x24: {  	s3 =	sadd.s32 $0x88, s3;
	s6 =	simm.s32 @!p1 $0x1082;
	[sflag:s4] =	ssyncset.s32 $0xFFFFF086  }
0x25: {  	[simem:s6], [sflag:s4] =	dma.local [hbm:s3], $0xF7A  }
0x26: {  	[smem:$0x3F83] =	sst s1;
	(tag) =	ssettag s2;
	_ =	strace s9  }
0x27: {  	s1 =	sld [smem:$0x3F93]  }
0x28: {  	s2 =	sld [smem:$0x3F94]  }
0x29: {  	s4 =	sld [smem:$0x3F96]  }
0x2a: {  	p0 =	seq.s32 s5, $0x0;
	s5 =	sld [smem:$0x3F97]  }
0x2b: {  	s6 =	sld [smem:$0x3F98]  }
0x2c: {  	s7 =	sld [smem:$0x3F99]  }
0x2d: {  	s3 =	simm.s32 $0x108;
	s8 =	sld [smem:$0x3F9A]  }
0x2e: {  	s3 =	simm.s32 @!p0 $0x1082;
	s9 =	sld [smem:$0x3F9B]  }
0x2f: {  	lr =	sadd.s32 s0, s3;
	s0 =	sld [smem:$0x3F92]  }
0x30: {  	s3 =	sld [smem:$0x3F95]  }
0x31: {  	[smem:$0x3F9E] =	sst s10  }
0x32: {  	s10 =	sld [smem:$0x3F9C];
	_ =	sdelay $0x3  }
0x33: {  	p0 =	seq.s32 s10, $0x1;
	s10 =	sld [smem:$0x3F9E];
	_ =	sdelay $0x3  }
0x34: {  	[smem:$0x3F9E] =	sst s10  }
0x35: {  	s10 =	sld [smem:$0x3F9D];
	_ =	sdelay $0x3  }
0x36: {  	p1 =	seq.s32 s10, $0x1;
	s10 =	sld [smem:$0x3F9E];
	_ =	sdelay $0x3  }
0x37: {  	[smem:$0x3F9E] =	sst s10  }
0x38: {  	s10 =	sld [smem:$0x3F9F]  }
0x39: {  	_ = 	snop;
	(pc) =	sbr.ind lr, $3  }
0x3a: {  	_ = 	snop  }
0x3b: {  	_ = 	snop  }
0x3c: {  	p2 =	seq.s32 s10, $0x1;
	s10 =	sld [smem:$0x3F9E]  }
0x3d: {  	_ =	shalt  }
0x3e: {  	_ =	shalt  }
0x3f: {  	_ =	shalt  }
0x40: {  	_ =	shalt  }
0x41: {  	_ =	shalt  }
0x42: {  	_ =	shalt  }
0x43: {  	_ =	shalt  }
0x44: {  	_ =	shalt  }
0x45: {  	_ =	shalt  }
0x46: {  	_ =	shalt  }
0x47: {  	_ =	shalt  }
0x48: {  	_ =	shalt  }
0x49: {  	_ =	shalt  }
0x4a: {  	_ =	shalt  }
0x4b: {  	_ =	shalt  }
0x4c: {  	_ =	shalt  }
0x4d: {  	_ =	shalt  }
0x4e: {  	_ =	shalt  }
0x4f: {  	_ =	shalt  }
0x50: {  	_ =	shalt  }
0x51: {  	_ =	shalt  }
0x52: {  	_ =	shalt  }
0x53: {  	_ =	shalt  }
0x54: {  	_ =	shalt  }
0x55: {  	_ =	shalt  }
0x56: {  	_ =	shalt  }
0x57: {  	_ =	shalt  }
0x58: {  	_ =	shalt  }
0x59: {  	_ =	shalt  }
0x5a: {  	_ =	shalt  }
0x5b: {  	_ =	shalt  }
0x5c: {  	_ =	shalt  }
0x5d: {  	_ =	shalt  }
0x5e: {  	_ =	shalt  }
0x5f: {  	_ =	shalt  }
0x60: {  	_ =	shalt  }
0x61: {  	_ =	shalt  }
0x62: {  	_ =	shalt  }
0x63: {  	_ =	shalt  }
0x64: {  	_ =	shalt  }
0x65: {  	_ =	shalt  }
0x66: {  	_ =	shalt  }
0x67: {  	_ =	shalt  }
0x68: {  	_ =	shalt  }
0x69: {  	_ =	shalt  }
0x6a: {  	_ =	shalt  }
0x6b: {  	_ =	shalt  }
0x6c: {  	_ =	shalt  }
0x6d: {  	_ =	shalt  }
0x6e: {  	_ =	shalt  }
0x6f: {  	_ =	shalt  }
0x70: {  	_ =	shalt  }
0x71: {  	_ =	shalt  }
0x72: {  	_ =	shalt  }
0x73: {  	_ =	shalt  }
0x74: {  	_ =	shalt  }
0x75: {  	_ =	shalt  }
0x76: {  	_ =	shalt  }
0x77: {  	_ =	shalt  }
0x78: {  	_ =	shalt  }
0x79: {  	_ =	shalt  }
0x7a: {  	_ =	shalt  }
0x7b: {  	_ =	shalt  }
0x7c: {  	_ =	shalt  }
0x7d: {  	_ =	shalt  }
0x7e: {  	_ =	shalt  }
0x7f: {  	_ =	shalt  }
0x80: {  	_ =	shalt  }
0x81: {  	_ =	shalt  }
0x82: {  	_ =	shalt  }
0x83: {  	_ =	shalt  }
0x84: {  	_ =	shalt  }
0x85: {  	_ =	shalt  }
0x86: {  	_ =	shalt  }
0x87: {  	_ =	shalt  }
.Lfunc_end0:
.L_simem_size_0:
called_computation.2_lowered:
.L_overlay_start_0:
0x88: {  	s0 =	sld [smem:$0x3FD9]  }
0x89: {  	s1 =	sld [smem:$0x3FFE];
	_ =	sdelay $0x3  }
0x8a: {  	s0 =	sadd.s32 s1, s0  }
0x8b: {  	[smem:$0x3FAA] =	sst s0  }
0x8c: {  	_ = 	snop  }
0x8d: {  	(tm) =	ssettm $0x1  }
0x8e: {  	s15 =	sld [smem:$0x3FFB];
	_ =	sdelay $0x3  }
0x8f: {  	_ =	strace s15  }
0x90: {  	s0 =	sld [smem:$0x3FFC];
	_ =	sdelay $0x3  }
0x91: {  	_ =	strace s0  }
0x92: {  	s0 =	sld [smem:$0x3FFD];
	_ =	sdelay $0x3  }
0x93: {  	_ =	strace s0  }
0x94: {  	_ =	strace $0x8FFFFFFF  }
0x95: {  	s16 =	sld [smem:$0x3FDB];
	_ =	sdelay $0x1  }
0x96: {  	s17 =	simm.s32 $_scs_section_size  }
0x97: {  	s2 =	simm.s32 $_size__tile_overlayer_lowered;
	s3 =	simm.s32 $_tile_overlayer_lowered  }
0x98: {  	s20 =	simm.s32 $0x1BFF;
	s19 =	sshll.u32 s3, $0x1;
	s0 =	sadd.s32 s17, s16  }
0x99: {  	s4 =	simm.s32 $0x0;
	s18 =	sshll.u32 s2, $0x1;
	s2 =	sadd.s32 s19, s0  }
0x9a: {  	[timem:s4], [sflag:s20] =	dma.local [hbm:s2], s18  }
0x9b: {  	_ =	swait.ge [sflag:s20], s18  }
0x9c: {  	s1 =	ssub.s32 $0x0, s18;
	[sflag:s20] =	ssyncset.done $0x0  }
0x9d: {  	[sflag:s20] =	ssyncadd.s32 s1;
	_ =	sdelay $0x1  }
0x9e: {  	s21 =	simm.s32 $0x1B8B  }
0x9f: {  	_ =	swait.ge [sflag:s21], $0x1  }
0xa0: {  	[sflag:s21] =	ssyncset.done $0x0  }
0xa1: {  	s23 =	simm.s32 $0x1B8E;
	s22 =	sld [smem:$0x3FFE];
	[sflag:s21] =	ssyncadd.s32 $0xFFFFFFFF  }
0xa2: {  	s24 =	simm.s32 $execute0_lowered;
	[smem:$0x3FD2] =	sst s23  }
0xa3: {  	s2 =	sshll.u32 s24, $0x1;
	_ =	strace $0x8000004F;
	[dreg:$0x1] =	wrdreg $0xFFFFFFFF  }
0xa4: {  	s25 =	simm.s32 $_size_execute0_lowered;
	s0 =	sadd.s32 s0, s2;
	[dreg:$0x0] =	wrdreg $0x0  }
0xa5: {  	s2 =	sshll.u32 s25, $0x1;
	[dreg:$0x2] =	wrdreg s0  }
0xa6: {  	[dreg:$0x3] =	wrdreg s2  }
0xa7: {  	[dreg:$0x4] =	wrdreg $0xC0  }
0xa8: {  	_ =	task [dreg:s4], $0x5FFFF  }
0xa9: {  	[dreg:$0x1] =	wrdreg $0xFFFFFFFF  }
0xaa: {  	[dreg:$0x0] =	wrdreg $0x60  }
0xab: {  	[dreg:$0x2] =	wrdreg s22  }
0xac: {  	[dreg:$0x3] =	wrdreg $0x9  }
0xad: {  	_ =	task.clear_ibuf [dreg:s4], $0x4FFFF;
	_ =	strace $0x9000004F  }
0xae: {  	s26 =	simm.s32 $0x9;
	_ =	strace $0x80000051  }
0xaf: {  	_ =	swait.ge [sflag:s26], $0x1  }
0xb0: {  	[sflag:s26] =	ssyncadd.s32 $0xFFFFFFFF  }
0xb1: {  	_ =	strace $0x90000051  }
0xb2: {  	_ =	sfence  }
0xb3: {  	s28 =	sld [smem:$0x0];
	_ =	sdelay $0x1  }
0xb4: {  	s29 =	srdreg.scid  }
0xb5: {  	s30 =	sshll.u32 s29, $0xD;
	s31 =	sshrl.u32 s29, $0x2  }
0xb6: {  	s1 =	sand.u32 $0x1, s29;
	s2 =	sand.u32 $0x4000, s30;
	s0 =	sadd.s32 s31, s28  }
0xb7: {  	s1 =	sor.u32 s2, s1;
	s0 =	sshll.u32 s0, $0x11  }
0xb8: {  	s0 =	sor.u32 s0, s1  }
0xb9: {  	s0 =	sadd.s32 $0x8F2B, s0  }
0xba: {  	[sflag:s0] =	ssyncadd.remote.s32 $0x1  }
0xbb: {  	_ =	sfence.sel $0xFFFF  }
0xbc: {  	[dreg:$0x0] =	wrdreg $0xFFFFFFFF;
	(pc) =	sbr.abs _section_cstart, $3  }
0xbd: {  	[dreg:$0x1] =	wrdreg $0xFFFFFFFF  }
0xbe: {  	_ =	task.clear_ibuf [dreg:s4], $0x2FFFF;
	_ =	strace $0x9FFFFFFF  }
0xbf: {  	(tm) =	ssettm $0x7FFFFFFF  }
tec
execute0_lowered:
.L_overlay_start_1:
0x0: {  	(tag) =	ssettag $0x1  }
0x1: {  	s0 =	rddreg [dreg:$0x0];
	_ =	strace $0x80000050;
	s1 =	simm.s32 $0x1  }
0x2: {  	s8 =	simm.s32 $0x208;
	v0 =	vimm.s32 $0x0;
	[sflag:s1] =	ssyncpa.u1 $0x0  }
0x3: {  	[tilespmem:s8+$0x70] =	vst v0  }
0x4: {  	[tilespmem:s8+$0x60] =	vst v0  }
0x5: {  	[tilespmem:s8+$0x50] =	vst v0  }
0x6: {  	[tilespmem:s8+$0x40] =	vst v0  }
0x7: {  	[tilespmem:s8+$0x30] =	vst v0  }
0x8: {  	s1 =	sadd.s32 $0x800, s0;
	s10 =	sadd.s32 $0xA600, s0;
	[tilespmem:s8+$0x20] =	vst v0  }
0x9: {  	s4 =	sadd.s32 $0xBE00, s0;
	s5 =	sadd.s32 $0xAC00, s0;
	s0 =	simm.s32 $0x40;
	[tilespmem:s8+$0x10] =	vst v0  }
.LBB2_1:
0xa: {  	s0 =	sadd.s32 $0x40, s0;
	[tilespmem:s8+$0x0] =	vst v0;
	s8 =	sadd.s32 $0x80, s8  }
0xb: {  	p0 =	slt.u32 s0, $0x3880;
	[tilespmem:s8+$0x70] =	vst v0  }
0xc: {  	[tilespmem:s8+$0x60] =	vst v0  }
.Ltmp0:
0xd: {  	[tilespmem:s8+$0x50] =	vst v0;
	(pc) =	sbr.rel @p0 .LBB2_1-.Ltmp0, $4  }
0xe: {  	[tilespmem:s8+$0x40] =	vst v0  }
0xf: {  	[tilespmem:s8+$0x30] =	vst v0  }
0x10: {  	[tilespmem:s8+$0x20] =	vst v0  }
0x11: {  	[tilespmem:s8+$0x10] =	vst v0  }
0x12: {  	s3 =	stileid.u32  }
0x13: {  	s0 =	smul.u32 $0x5, s3  }
0x14: {  	s2 =	smin.u32 s3, $0xA  }
0x15: {  	s0 =	sadd.s32 s2, s0  }
0x16: {  	p0 =	slt.u32 s3, $0xA;
	s6 =	smul.u32 $0x70, s0;
	s0 =	simm.s32 $0x2A0  }
0x17: {  	s0 =	simm.s32 @!p0 $0x230  }
0x18: {  	s0 =	sadd.s32 s0, s6  }
0x19: {  	s7 =	smin.u32 s0, $0x2710  }
0x1a: {  	s0 =	ssub.s32 s7, s6  }
0x1b: {  	p0 =	sgt.s32 s0, $0x0  }
0x1c: {  	s0 =	simm.s32 @!p0 $0x0  }
0x1d: {  	s26 =	sand.u32 $0xFFF0, s0  }
0x1e: {  	s28 =	simm.s32 $0x2;
	s2 =	sshrl.u32 s26, $0x4  }
0x1f: {  	s29 =	simm.s32 $0x7;
	s30 =	simm.s32 $0x8;
	s2 =	smul.u32 $0x2493, s2  }
0x20: {  	s31 =	simm.s32 $0x9;
	s11 =	simm.s32 $0x1;
	s21 =	simm.s32 $0x0  }
0x21: {  	p1 =	por $0x0, $0x0;
	s15 =	simm.s32 $0x80;
	s2 =	sshrl.u32 s2, $0x10  }
0x22: {  	s16 =	simm.s32 $0x400;
	s17 =	simm.s32 $0xA;
	s9 =	smul.u32 $0x70, s2  }
.Ltmp1:
0x23: {  	[tilespmem:s8+$0x0] =	vst v0;
	v0 =	vimm.s32 $0xFFFFFFFF;
	s18 =	simm.s32 $0x0;
	[sflag:s28] =	ssyncpa.u1 $0x0;
	(pc) =	sbr.rel .LBB2_3-.Ltmp1, $4  }
0x24: {  	[tilespmem:$0xE408] =	vst v0;
	[sflag:s29] =	ssyncpa.u1 $0x0;
	p0 =	sne.s32 s0, s9;
	s0 =	simm.s32 $0x1  }
0x25: {  	s20 =	simm.s32 $0x0;
	[sflag:s30] =	ssyncpa.u1 $0x0;
	s0 =	simm.s32 @!p0 $0x0  }
0x26: {  	s13 =	sshll.u32 s3, $0x9;
	[sflag:s31] =	ssyncpa.u1 $0x0;
	s12 =	sadd.s32 s2, s0  }
0x27: {  	v0 =	vlaneseq.u32;
	s19 =	smov.u32 s6;
	p0 =	por $0x1, $0x1;
	s14 =	sadd.s32 $0x1, s12  }
.LBB2_24:
0x28: {  	s0 =	sshrl.u32 s30, $0x2  }
.LBB2_26:
0x29: {  	_ =	swait.ge [sflag:s17], s0  }
0x2a: {  	s31 =	ssub.s32 $0x0, s0;
	v1 =	vmov s23;
	vm0 =	veq.s32 v0, $0x0;
	[sflag:s17] =	ssyncset.done $0x0  }
0x2b: {  	vm15 =	veq.s32 v0, $0x2;
	v1 =	vsel vm0, s29, v1;
	[sflag:s17] =	ssyncadd.s32 s31  }
0x2c: {  	v1 =	vsel vm15, s21, v1;
	[sflag:s17] =	ssyncpa.u1 $0x1  }
0x2d: {  	[tilespmem:$0xE408] =	vst v1  }
.LBB2_27:
0x2e: {  	s0 =	sadd.s32 $0x70, s19  }
0x2f: {  	s2 =	smov.u32 s6;
	p2 =	slt.s32 s0, s7  }
0x30: {  	s2 =	smov.u32 @p2 s0;
	p2 =	sne.s32 s20, s14  }
.Ltmp2:
0x31: {  	_ = 	snop;
	(pc) =	sbr.rel @!p2 .LBB2_28-.Ltmp2, $4  }
0x32: {  	_ = 	snop  }
0x33: {  	s21 =	smov.u32 s18  }
0x34: {  	s31 =	sadd.s32 $0x1, s20;
	s18 =	smov.u32 s19;
	p0 =	por !p0, !p0  }
0x35: {  	p1 =	por !p1, !p1;
	s20 =	smov.u32 s31;
	s19 =	smov.u32 s2  }
.LBB2_3:
0x36: {  	p2 =	sge.u32 s20, s12  }
0x37: {  	s0 =	smulhi.u32 @!p2 $0xAAAAAAAB, s20  }
0x38: {  	s2 =	smov.u32 s19;
	p3 =	sgt.s32 @!p2 s19, $0x26A0  }
0x39: {  	s8 =	sshra.s32 @!p2 s19, $0x1F;
	p3 =	por !p3, p2;
	s0 =	sshrl.u32 @!p2 s0, $0x1  }
0x3a: {  	s8 =	sand.u32 @!p2 s8, s19;
	s2 =	simm.s32 @p3 $0x26A0;
	s0 =	smul.u32 @!p2 $0x3, s0  }
0x3b: {  	s2 =	ssub.s32 @!p2 s2, s8  }
0x3c: {  	s2 =	sadd.s32 @!p2 $0xFFFFD960, s2;
	s0 =	ssub.s32 @!p2 s20, s0  }
0x3d: {  	s8 =	sshll.u32 @!p2 s2, $0x2;
	p3 =	sgt.s32 @!p2 s2, $0x6F;
	s0 =	smul.u32 @!p2 $0x1C0, s0  }
0x3e: {  	s9 =	sand.u32 @!p2 $0x7, s19;
	s2 =	ssub.s32 @!p2 $0x1C0, s8;
	p3 =	por !p3, p2  }
0x3f: {  	s8 =	sshrl.u32 @!p2 s19, $0x3;
	s2 =	sshrl.u32 @!p2 s2, $0x2;
	s0 =	sshrl.u32 @!p2 s0, $0x2  }
0x40: {  	s8 =	sadd.s32 @!p2 s5, s8;
	s2 =	simm.s32 @!p3 $0x0;
	s0 =	sadd.s32 @!p2 $0x10438, s0  }
0x41: {  	[tilespmem:s0], [sflag:$0x8] =	stream.linear.gather @!p2 [hbm4b:s8+s9], s2, $0x38;
	[tilespmem:$0x1E668] =	vst v63  }
0x42: {  	s0 =	sadd.s32 $0xFFFFFFFF, s20  }
0x43: {  	p2 =	sge.u32 s0, s12  }
0x44: {  	p3 =	sgt.s32 @!p2 s18, $0x26A0  }
0x45: {  	s2 =	smov.u32 s18;
	s8 =	sshra.s32 @!p2 s18, $0x1F;
	p3 =	por !p3, p2  }
0x46: {  	s8 =	sand.u32 @!p2 s8, s18;
	s2 =	simm.s32 @p3 $0x26A0  }
0x47: {  	s2 =	ssub.s32 @!p2 s2, s8  }
0x48: {  	s2 =	sadd.s32 @!p2 $0xFFFFD960, s2  }
0x49: {  	s8 =	sshll.u32 @!p2 s2, $0x2  }
0x4a: {  	p3 =	sgt.s32 @!p2 s2, $0x6F;
	s2 =	ssub.s32 @!p2 $0x1C0, s8  }
0x4b: {  	p3 =	por !p3, p2;
	s2 =	sshrl.u32 @!p2 s2, $0x2  }
0x4c: {  	s9 =	simm.s32 @!p2 $0x8;
	s8 =	sand.u32 @!p2 $0x1, s0;
	s2 =	simm.s32 @!p3 $0x0  }
0x4d: {  	s8 =	smul.u32 @!p2 $0x1C0, s8;
	_ =	swait.ge @!p2 [sflag:s9], s2  }
0x4e: {  	s22 =	ssub.s32 @!p2 $0x0, s2;
	[sflag:s9] =	ssyncset.done @!p2 $0x0  }
0x4f: {  	s8 =	sshrl.u32 @!p2 s8, $0x2;
	[sflag:s9] =	ssyncadd.s32 @!p2 s22;
	s9 =	sshrl.u32 @!p2 s18, $0x3  }
0x50: {  	s8 =	sor.u32 @!p2 $0x10588, s8;
	s22 =	sand.u32 @!p2 $0x7, s18;
	s9 =	sadd.s32 @!p2 s10, s9  }
0x51: {  	[tilespmem:s8], [sflag:$0x9] =	stream.linear.gather @!p2 [hbm4b:s9+s22], s2, $0x38;
	[tilespmem:$0x1E668] =	vst v63  }
0x52: {  	s22 =	ssub.s32 @!p2 $0x2710, s18  }
0x53: {  	p3 =	slt.s32 @!p2 s22, $0x1  }
0x54: {  	p3 =	por p2, p3  }
.Ltmp3:
0x55: {  	_ = 	snop;
	(pc) =	sbr.rel @p3 .LBB2_9-.Ltmp3, $1  }
0x56: {  	_ =	sdelay $0x3  }
0x57: {  	s2 =	smulhi.u32 $0xAAAAAAAB, s0;
	_ =	sdelay $0x1  }
0x58: {  	s2 =	sshrl.u32 s2, $0x1  }
0x59: {  	s2 =	smul.u32 $0x3, s2;
	_ =	sdelay $0x1  }
0x5a: {  	s29 =	ssub.s32 s0, s2  }
0x5b: {  	s8 =	simm.s32 $0x1;
	s0 =	smul.u32 $0x1C0, s29  }
.Ltmp4:
0x5c: {  	s8 =	simm.s32 @!p0 $0x0;
	(pc) =	sbr.rel .LBB2_6-.Ltmp4, $4  }
0x5d: {  	s30 =	smul.u32 $0x1C000, s8  }
0x5e: {  	p3 =	slt.s32 @!p2 s22, $0x70;
	s0 =	sshrl.u32 s0, $0x2  }
0x5f: {  	p2 =	por !p3, p2;
	s2 =	sshrl.u32 s30, $0x2;
	s31 =	sadd.s32 $0x10438, s0  }
0x60: {  	s22 =	simm.s32 @p2 $0x70;
	s23 =	sor.u32 $0x10668, s2;
	s0 =	simm.s32 $0x0;
	v1 =	vmov s31  }
.LBB2_5:
0x61: {  	p2 =	sge.s32 s0, s22  }
.Ltmp5:
0x62: {  	_ = 	snop;
	(pc) =	sbr.rel @p2 .LBB2_9-.Ltmp5, $2  }
0x63: {  	_ =	sdelay $0x2  }
0x64: {  	s23 =	sadd.s32 $0x1000, s23  }
.LBB2_6:
0x65: {  	p2 =	sle.s32 s22, s0  }
.Ltmp6:
0x66: {  	_ = 	snop;
	(pc) =	sbr.rel @p2 .LBB2_5-.Ltmp6, $2  }
0x67: {  	_ =	sdelay $0x2  }
0x68: {  	s24 =	smov.u32 s0;
	s0 =	sadd.s32 $0x10, s0  }
0x69: {  	s2 =	ssub.s32 s22, s24  }
0x6a: {  	p2 =	slt.s32 s2, $0x10  }
0x6b: {  	s2 =	simm.s32 @!p2 $0x10  }
0x6c: {  	v2 =	vmov s2  }
0x6d: {  	vm0 =	vgt.s32 v2, v0;
	_ =	sdelay $0x5  }
0x6e: {  	v2 =	vld.idx.msk [tilespmem:v1+s24+$0x0 ss:$0x1], vm0;
	_ =	sdelay $0x2  }
0x6f: {  	p2 =	slt.s32 s0, s22;
	s2 =	smov.u32 s22  }
0x70: {  	s8 =	smov.u32 s23;
	s25 =	simm.s32 $0x0;
	s2 =	smov.u32 @p2 s0  }
.LBB2_8:
0x71: {  	(v2sf) =	vpush v2, s25;
	_ =	sdelay $0xe  }
0x72: {  	s25 =	sadd.s32 $0x1, s25;
	s9 =	spop (v2sf)  }
0x73: {  	s31 =	sadd.s32 s25, s24;
	s26 =	sshll.u32 s9, $0x8;
	s9 =	sshll.u32 s9, $0x7  }
0x74: {  	p2 =	slt.s32 s31, s2;
	s26 =	sand.u32 $0xFFFFF800, s26;
	s9 =	sand.u32 $0x380, s9  }
.Ltmp7:
0x75: {  	s9 =	sor.u32 s9, s26;
	(pc) =	sbr.rel @p2 .LBB2_8-.Ltmp7, $4  }
0x76: {  	s9 =	sshrl.u32 s9, $0x3  }
0x77: {  	s9 =	sadd.s32 s4, s9  }
0x78: {  	[tilespmem:s8], [sflag:$0x7] =	stream.strided.gather [hbm4b:s9+s15], $0x100, s16, s15, $0x38;
	[tilespmem:$0x1E668] =	vst v63  }
0x79: {  	s8 =	sadd.s32 $0x100, s8  }
.Ltmp8:
0x7a: {  	_ = 	snop;
	(pc) =	sbr.rel .LBB2_5-.Ltmp8, $1  }
0x7b: {  	_ =	sdelay $0x3  }
.LBB2_9:
0x7c: {  	p2 =	slt.u32 s20, $0x2  }
.Ltmp9:
0x7d: {  	_ = 	snop;
	(pc) =	sbr.rel @p2 .LBB2_27-.Ltmp9, $1  }
0x7e: {  	_ =	sdelay $0x3  }
0x7f: {  	p2 =	sgt.s32 s21, $0x26A0;
	s0 =	smov.u32 s21  }
0x80: {  	s2 =	sshra.s32 s21, $0x1F;
	s8 =	ssub.s32 $0x2710, s21;
	s0 =	simm.s32 @!p2 $0x26A0  }
0x81: {  	s2 =	sand.u32 s2, s21;
	p2 =	slt.s32 s8, $0x70;
	s9 =	smov.u32 s8  }
0x82: {  	s0 =	ssub.s32 s0, s2;
	s9 =	simm.s32 @!p2 $0x70  }
0x83: {  	s0 =	sadd.s32 $0xFFFFD960, s0;
	s25 =	sshll.u32 s9, $0x8  }
0x84: {  	s3 =	simm.s32 $0x7;
	s26 =	sshll.u32 s0, $0x2;
	s2 =	sand.u32 $0x3FFFFF00, s25  }
0x85: {  	p2 =	sgt.s32 s0, $0x6F;
	s28 =	ssub.s32 $0x1C0, s26;
	_ =	swait.ge [sflag:s3], s2  }
0x86: {  	s2 =	ssub.s32 $0x0, s2;
	[sflag:s3] =	ssyncset.done $0x0;
	s0 =	sshrl.u32 s28, $0x2  }
0x87: {  	s30 =	simm.s32 $0x9;
	[sflag:s3] =	ssyncadd.s32 s2;
	s0 =	simm.s32 @p2 $0x0  }
0x88: {  	_ =	swait.ge [sflag:s30], s0  }
0x89: {  	s0 =	ssub.s32 $0x0, s0;
	[sflag:s30] =	ssyncset.done $0x0  }
0x8a: {  	[sflag:s30] =	ssyncadd.s32 s0  }
0x8b: {  	v1 =	vld [tilespmem:$0xE408];
	_ =	sdelay $0x4  }
0x8c: {  	(v2sf) =	vpush v1, $0x0  }
0x8d: {  	(v2sf) =	vpush v1, $0x1  }
0x8e: {  	(v2sf) =	vpush v1, $0x2;
	_ =	sdelay $0x3  }
0x8f: {  	s0 =	sadd.s32 $0x70, s21  }
0x90: {  	p2 =	slt.s32 s7, s0  }
0x91: {  	s0 =	smov.u32 @p2 s7;
	p2 =	sgt.s32 s8, $0x0  }
0x92: {  	s25 =	ssub.s32 s0, s21;
	s8 =	simm.s32 @!p2 $0x0  }
0x93: {  	p2 =	slt.s32 s8, s25  }
0x94: {  	s25 =	smov.u32 @p2 s8  }
0x95: {  	s24 =	simm.s32 $0x1;
	p2 =	slt.s32 s25, $0x1  }
.Ltmp10:
0x96: {  	s24 =	simm.s32 @!p1 $0x0;
	(pc) =	sbr.rel @p2 .LBB2_14-.Ltmp10, $4  }
0x97: {  	s31 =	smul.u32 $0x1C0, s24  }
0x98: {  	s26 =	spop (v2sf)  }
0x99: {  	s0 =	sshrl.u32 s31, $0x2;
	s29 =	spop (v2sf)  }
0x9a: {  	s22 =	sor.u32 $0x10588, s0;
	s21 =	spop (v2sf)  }
0x9b: {  	s0 =	smin.u32 s25, $0x10  }
0x9c: {  	v1 =	vmov s0  }
0x9d: {  	vm1 =	vgt.u32 v1, v0  }
0x9e: {  	p3 =	sgt.s32 s25, $0x10  }
.Ltmp11:
0x9f: {  	_ = 	snop;
	(pc) =	sbr.rel @!p3 .LBB2_13-.Ltmp11, $2  }
0xa0: {  	_ =	sdelay $0x2  }
0xa1: {  	s23 =	simm.s32 $0x10;
	s28 =	sadd.s32 $0xFFFFFFF0, s25;
	s0 =	smov.u32 s22;
	vm0 =	vmmov vm1;
	v1 =	vld.msk [tilespmem:s22+$0x0 ss:$0x1], vm1  }
.LBB2_12:
0xa2: {  	s2 =	smin.u32 s28, $0x10;
	s23 =	sadd.s32 $0x10, s23  }
0xa3: {  	v2 =	vmov s2;
	p3 =	slt.s32 s23, s25  }
0xa4: {  	vm1 =	vgt.u32 v2, v0;
	_ =	sdelay $0x1  }
0xa5: {  	v2 =	vshll.u32 v1, $0x5;
	v1 =	vshll.u32 v1, $0x4  }
.Ltmp12:
0xa6: {  	v2 =	vand.u32 $0xFFFFFF00, v2;
	v1 =	vand.u32 $0x70, v1;
	(pc) =	sbr.rel @p3 .LBB2_12-.Ltmp12, $4  }
0xa7: {  	v1 =	vor.u32 v1, v2  }
0xa8: {  	[tilespmem:s0+$0x0] =	vst.msk vm0, v1;
	s0 =	sadd.s32 $0x10, s0;
	vm0 =	vmmov vm1  }
0xa9: {  	v1 =	vld.msk [tilespmem:s0+$0x0 ss:$0x1], vm1  }
0xaa: {  	s28 =	sadd.s32 $0xFFFFFFF0, s28  }
.LBB2_13:
0xab: {  	_ =	sdelay $0x3  }
0xac: {  	v2 =	vshll.u32 v1, $0x5;
	v1 =	vshll.u32 v1, $0x4  }
0xad: {  	v2 =	vand.u32 $0xFFFFFF00, v2;
	v1 =	vand.u32 $0x70, v1  }
0xae: {  	v1 =	vor.u32 v1, v2  }
0xaf: {  	[tilespmem:s0+$0x0] =	vst.msk vm0, v1  }
.LBB2_14:
0xb0: {  	s0 =	sand.u32 $0x1, s20  }
0xb1: {  	s0 =	smul.u32 $0x70, s0  }
0xb2: {  	p3 =	sne.s32 s29, $0xFFFFFFFF  }
0xb3: {  	v1 =	vld.msk @!p3 [tilespmem:s0+$0x10588], $0x1;
	_ =	sdelay $0x4  }
0xb4: {  	(v2sf) =	vpush @!p3 v1, $0x0;
	_ =	sdelay $0xc  }
.Ltmp13:
0xb5: {  	_ = 	snop;
	(pc) =	sbr.rel @p2 .LBB2_25-.Ltmp13, $4  }
0xb6: {  	_ = 	snop  }
0xb7: {  	s28 =	spop @!p3 (v2sf)  }
0xb8: {  	s21 =	simm.s32 @!p3 $0x0;
	s23 =	smov.u32 s28  }
0xb9: {  	[sflag:s17] =	ssyncpa.u1 $0x0;
	s28 =	smov.u32 @p3 s26;
	s23 =	smov.u32 @p3 s29  }
0xba: {  	v1 =	vld.msk [tilespmem:s22+$0x0], $0x1;
	_ =	sdelay $0x4  }
0xbb: {  	(v2sf) =	vpush v1, $0x0;
	_ =	sdelay $0xd  }
0xbc: {  	s17 =	smov.u32 s6  }
0xbd: {  	s6 =	smov.u32 s14;
	s14 =	smov.u32 s5;
	s30 =	spop (v2sf)  }
0xbe: {  	s5 =	smov.u32 s10;
	s0 =	smul.u32 $0x1C000, s24;
	p2 =	seq.s32 s28, s30  }
0xbf: {  	s2 =	smov.u32 s28;
	s25 =	ssub.s32 $0x0, s25;
	p3 =	sgt.s32 @!p2 s28, $0x0  }
0xc0: {  	s26 =	simm.s32 $0x0;
	s0 =	sshrl.u32 s0, $0x2;
	p3 =	por !p3, p2  }
0xc1: {  	s29 =	sadd.s32 $0x1, s25;
	s24 =	sor.u32 $0x106E8, s0;
	s2 =	simm.s32 @p3 $0x0  }
0xc2: {  	s0 =	simm.s32 @!p2 $0x1;
	p3 =	seq.s32 s29, $0x0;
	s2 =	smin.u32 @!p2 s2, $0x770  }
.Ltmp14:
0xc3: {  	s9 =	simm.s32 @!p2 $0x7308;
	s8 =	sand.u32 @!p2 $0x7F8, s2;
	(pc) =	sbr.rel @p3 .LBB2_17-.Ltmp14, $4  }
0xc4: {  	s31 =	sadd.s32 @!p2 $0x80, s2;
	s10 =	sadd.s32 @!p2 s1, s8;
	s8 =	sand.u32 @!p2 $0x7, s2  }
0xc5: {  	[tilespmem:s9], [sflag:$0x2] =	stream.linear.gather @!p2 [hbm4b:s10+s8], $0x80, $0x38;
	[tilespmem:$0x1E668] =	vst v63  }
0xc6: {  	s0 =	smov.u32 @p2 s26;
	s9 =	sand.u32 @!p2 $0xFF8, s31  }
0xc7: {  	s2 =	simm.s32 @!p2 $0x7388;
	s31 =	sadd.s32 $0x1, s22;
	s9 =	sadd.s32 @!p2 s1, s9  }
.LBB2_16:
0xc8: {  	s10 =	smov.u32 s0  }
0xc9: {  	[tilespmem:s2], [sflag:$0x2] =	stream.linear.gather @!p2 [hbm4b:s9+s8], $0x80, $0x38;
	[tilespmem:$0x1E668] =	vst v63  }
0xca: {  	s29 =	sadd.s32 $0x1, s29;
	s8 =	smov.u32 s30;
	v1 =	vld.msk [tilespmem:s31+$0x0], $0x1  }
0xcb: {  	p3 =	seq.s32 s29, $0x0;
	_ =	sdelay $0x3  }
0xcc: {  	(v2sf) =	vpush v1, $0x0;
	_ =	sdelay $0xe  }
0xcd: {  	s30 =	spop (v2sf)  }
0xce: {  	p2 =	seq.s32 s8, s30  }
0xcf: {  	p4 =	sgt.s32 @!p2 s8, $0x0;
	s2 =	sshll.u32 @!p2 s0, $0xA;
	s0 =	sadd.s32 @!p2 $0x1, s0  }
0xd0: {  	p4 =	por !p4, p2;
	s2 =	sshra.s32 @!p2 s2, $0x2;
	s0 =	smov.u32 @p2 s10  }
0xd1: {  	s8 =	simm.s32 @p4 $0x0;
	s9 =	sadd.s32 @!p2 $0x7308, s2;
	s2 =	sadd.s32 @!p2 $0x7388, s2  }
.Ltmp15:
0xd2: {  	s8 =	smin.u32 @!p2 s8, $0x770;
	(pc) =	sbr.rel @!p3 .LBB2_16-.Ltmp15, $4  }
0xd3: {  	s10 =	sand.u32 @!p2 $0x7F8, s8;
	s3 =	sadd.s32 @!p2 $0x80, s8  }
0xd4: {  	s8 =	sand.u32 @!p2 $0x7, s8;
	s10 =	sadd.s32 @!p2 s1, s10;
	s3 =	sand.u32 @!p2 $0xFF8, s3  }
0xd5: {  	[tilespmem:s9], [sflag:$0x2] =	stream.linear.gather @!p2 [hbm4b:s10+s8], $0x80, $0x38;
	[tilespmem:$0x1E668] =	vst v63  }
0xd6: {  	s31 =	sadd.s32 $0x1, s31;
	s9 =	sadd.s32 @!p2 s1, s3  }
.LBB2_17:
0xd7: {  	[tilespmem:s2], [sflag:$0x2] =	stream.linear.gather @!p2 [hbm4b:s9+s8], $0x80, $0x38;
	[tilespmem:$0x1E668] =	vst v63  }
.Ltmp16:
0xd8: {  	s0 =	sshll.u32 s0, $0x8;
	(pc) =	sbr.rel .LBB2_18-.Ltmp16, $4  }
0xd9: {  	s31 =	simm.s32 $0x2;
	s30 =	simm.s32 $0x0;
	s0 =	sand.u32 $0x3FFFFF00, s0  }
0xda: {  	s10 =	smov.u32 s5;
	s5 =	smov.u32 s14;
	_ =	swait.ge [sflag:s31], s0  }
0xdb: {  	s14 =	smov.u32 s6;
	s0 =	ssub.s32 $0x0, s0;
	[sflag:s31] =	ssyncset.done $0x0  }
0xdc: {  	s6 =	smov.u32 s17;
	s17 =	simm.s32 $0xA;
	[sflag:s31] =	ssyncadd.s32 s0  }
.LBB2_19:
0xdd: {  	v1 =	vld [tilespmem:s24+$0xFFFFFF80];
	_ =	sdelay $0x4  }
0xde: {  	[tilespmem:s31+$0x208] =	vst.add.f32.msk $0xffff, v1  }
0xdf: {  	v1 =	vld [tilespmem:s24+$0xFFFFFF90];
	_ =	sdelay $0x4  }
0xe0: {  	[tilespmem:s31+$0x218] =	vst.add.f32.msk $0xffff, v1  }
0xe1: {  	v1 =	vld [tilespmem:s24+$0xFFFFFFA0];
	_ =	sdelay $0x4  }
0xe2: {  	[tilespmem:s31+$0x228] =	vst.add.f32.msk $0xffff, v1  }
0xe3: {  	v1 =	vld [tilespmem:s24+$0xFFFFFFB0];
	_ =	sdelay $0x4  }
0xe4: {  	[tilespmem:s31+$0x238] =	vst.add.f32.msk $0xffff, v1  }
0xe5: {  	v1 =	vld [tilespmem:s24+$0xFFFFFFC0];
	_ =	sdelay $0x4  }
0xe6: {  	[tilespmem:s31+$0x248] =	vst.add.f32.msk $0xffff, v1  }
0xe7: {  	v1 =	vld [tilespmem:s24+$0xFFFFFFD0];
	_ =	sdelay $0x4  }
0xe8: {  	[tilespmem:s31+$0x258] =	vst.add.f32.msk $0xffff, v1  }
0xe9: {  	v1 =	vld [tilespmem:s24+$0xFFFFFFE0];
	_ =	sdelay $0x4  }
0xea: {  	[tilespmem:s31+$0x268] =	vst.add.f32.msk $0xffff, v1  }
0xeb: {  	v1 =	vld [tilespmem:s24+$0xFFFFFFF0];
	_ =	sdelay $0x4  }
0xec: {  	[tilespmem:s31+$0x278] =	vst.add.f32.msk $0xffff, v1  }
0xed: {  	v1 =	vld [tilespmem:s24+$0x0];
	_ =	sdelay $0x4  }
0xee: {  	[tilespmem:s31+$0x288] =	vst.add.f32.msk $0xffff, v1  }
0xef: {  	v1 =	vld [tilespmem:s24+$0x10];
	_ =	sdelay $0x4  }
0xf0: {  	[tilespmem:s31+$0x298] =	vst.add.f32.msk $0xffff, v1  }
0xf1: {  	v1 =	vld [tilespmem:s24+$0x20];
	_ =	sdelay $0x4  }
0xf2: {  	[tilespmem:s31+$0x2A8] =	vst.add.f32.msk $0xffff, v1  }
0xf3: {  	v1 =	vld [tilespmem:s24+$0x30];
	_ =	sdelay $0x4  }
0xf4: {  	[tilespmem:s31+$0x2B8] =	vst.add.f32.msk $0xffff, v1  }
0xf5: {  	v1 =	vld [tilespmem:s24+$0x40];
	_ =	sdelay $0x4  }
0xf6: {  	[tilespmem:s31+$0x2C8] =	vst.add.f32.msk $0xffff, v1  }
0xf7: {  	v1 =	vld [tilespmem:s24+$0x50];
	_ =	sdelay $0x4  }
0xf8: {  	[tilespmem:s31+$0x2D8] =	vst.add.f32.msk $0xffff, v1  }
0xf9: {  	v1 =	vld [tilespmem:s24+$0x60];
	_ =	sdelay $0x4  }
0xfa: {  	[tilespmem:s31+$0x2E8] =	vst.add.f32.msk $0xffff, v1  }
0xfb: {  	v1 =	vld [tilespmem:s24+$0x70];
	_ =	sdelay $0x4  }
0xfc: {  	[tilespmem:s31+$0x2F8] =	vst.add.f32.msk $0xffff, v1  }
.LBB2_23:
0xfd: {  	s25 =	sadd.s32 $0x1, s25  }
0xfe: {  	p2 =	seq.s32 s25, $0x0  }
.Ltmp17:
0xff: {  	_ = 	snop;
	(pc) =	sbr.rel @p2 .LBB2_24-.Ltmp17, $2  }
0x100: {  	_ =	sdelay $0x2  }
0x101: {  	s22 =	sadd.s32 $0x1, s22;
	s24 =	sadd.s32 $0x100, s24;
	s28 =	smov.u32 s29  }
.LBB2_18:
0x102: {  	v1 =	vld.msk [tilespmem:s22+$0x0], $0x1;
	_ =	sdelay $0x4  }
0x103: {  	(v2sf) =	vpush v1, $0x0;
	_ =	sdelay $0xe  }
0x104: {  	s29 =	spop (v2sf)  }
0x105: {  	p2 =	sne.s32 s28, s29  }
.Ltmp18:
0x106: {  	_ = 	snop;
	(pc) =	sbr.rel @!p2 .LBB2_19-.Ltmp18, $3  }
0x107: {  	_ =	sdelay $0x1  }
0x108: {  	s0 =	sshll.u32 s21, $0xA  }
0x109: {  	s31 =	sshra.s32 s0, $0x2  }
0x10a: {  	p2 =	seq.s32 s28, s23  }
.Ltmp19:
0x10b: {  	_ = 	snop;
	(pc) =	sbr.rel @!p2 .LBB2_21-.Ltmp19, $1  }
0x10c: {  	_ =	sdelay $0x3  }
.Ltmp20:
0x10d: {  	s0 =	sadd.s32 $0x208, s31;
	(pc) =	sbr.rel .LBB2_22-.Ltmp20, $4  }
0x10e: {  	[spmem:s13] =	stream.linear.scatter [tilespmem:s0], [sflag:$0x1], $0x100, $0x38;
	[tilespmem:$0x1E668] =	vst v63  }
0x10f: {  	_ =	swait.ge [sflag:s11], $0x100  }
0x110: {  	[sflag:s11] =	ssyncset.done $0x0  }
0x111: {  	[sflag:s11] =	ssyncadd.s32 $0xFFFFFF00  }
.LBB2_21:
0x112: {  	s0 =	sshll.u32 s26, $0xA  }
0x113: {  	s0 =	sshra.s32 s0, $0x2  }
0x114: {  	v1 =	vld [tilespmem:s0+$0x7308];
	_ =	sdelay $0x4  }
0x115: {  	[tilespmem:s31+$0x208] =	vst.add.f32.msk $0xffff, v1  }
0x116: {  	v1 =	vld [tilespmem:s0+$0x7318];
	_ =	sdelay $0x4  }
0x117: {  	[tilespmem:s31+$0x218] =	vst.add.f32.msk $0xffff, v1  }
0x118: {  	v1 =	vld [tilespmem:s0+$0x7328];
	_ =	sdelay $0x4  }
0x119: {  	[tilespmem:s31+$0x228] =	vst.add.f32.msk $0xffff, v1  }
0x11a: {  	v1 =	vld [tilespmem:s0+$0x7338];
	_ =	sdelay $0x4  }
0x11b: {  	[tilespmem:s31+$0x238] =	vst.add.f32.msk $0xffff, v1  }
0x11c: {  	v1 =	vld [tilespmem:s0+$0x7348];
	_ =	sdelay $0x4  }
0x11d: {  	[tilespmem:s31+$0x248] =	vst.add.f32.msk $0xffff, v1  }
0x11e: {  	v1 =	vld [tilespmem:s0+$0x7358];
	_ =	sdelay $0x4  }
0x11f: {  	[tilespmem:s31+$0x258] =	vst.add.f32.msk $0xffff, v1  }
0x120: {  	v1 =	vld [tilespmem:s0+$0x7368];
	_ =	sdelay $0x4  }
0x121: {  	[tilespmem:s31+$0x268] =	vst.add.f32.msk $0xffff, v1  }
0x122: {  	v1 =	vld [tilespmem:s0+$0x7378];
	_ =	sdelay $0x4  }
0x123: {  	[tilespmem:s31+$0x278] =	vst.add.f32.msk $0xffff, v1  }
0x124: {  	v1 =	vld [tilespmem:s0+$0x7388];
	_ =	sdelay $0x4  }
0x125: {  	[tilespmem:s31+$0x288] =	vst.add.f32.msk $0xffff, v1  }
0x126: {  	v1 =	vld [tilespmem:s0+$0x7398];
	_ =	sdelay $0x4  }
0x127: {  	[tilespmem:s31+$0x298] =	vst.add.f32.msk $0xffff, v1  }
0x128: {  	v1 =	vld [tilespmem:s0+$0x73A8];
	_ =	sdelay $0x4  }
0x129: {  	[tilespmem:s31+$0x2A8] =	vst.add.f32.msk $0xffff, v1  }
0x12a: {  	v1 =	vld [tilespmem:s0+$0x73B8];
	_ =	sdelay $0x4  }
0x12b: {  	[tilespmem:s31+$0x2B8] =	vst.add.f32.msk $0xffff, v1  }
0x12c: {  	v1 =	vld [tilespmem:s0+$0x73C8];
	_ =	sdelay $0x4  }
0x12d: {  	[tilespmem:s31+$0x2C8] =	vst.add.f32.msk $0xffff, v1  }
0x12e: {  	v1 =	vld [tilespmem:s0+$0x73D8];
	_ =	sdelay $0x4  }
0x12f: {  	[tilespmem:s31+$0x2D8] =	vst.add.f32.msk $0xffff, v1  }
0x130: {  	v1 =	vld [tilespmem:s0+$0x73E8];
	_ =	sdelay $0x4  }
0x131: {  	[tilespmem:s31+$0x2E8] =	vst.add.f32.msk $0xffff, v1  }
0x132: {  	v1 =	vld [tilespmem:s0+$0x73F8];
	_ =	sdelay $0x2  }
0x133: {  	p2 =	sgt.u32 s28, $0x770  }
0x134: {  	s0 =	sand.u32 @!p2 $0x7F8, s28  }
0x135: {  	s2 =	sadd.s32 $0x208, s31;
	s3 =	sand.u32 @!p2 $0x7, s28;
	s0 =	sadd.s32 @!p2 s1, s0;
	[tilespmem:s31+$0x2F8] =	vst.add.f32.msk $0xffff, v1  }
0x136: {  	[hbm4b:s0+s3] =	stream.linear.scatter @!p2 [tilespmem:s2], [sflag:$0xA], $0x80, $0x38;
	[tilespmem:$0x1E668] =	vst v63  }
0x137: {  	s0 =	sadd.s32 @!p2 $0x80, s28  }
0x138: {  	s0 =	sand.u32 @!p2 $0xFF8, s0  }
0x139: {  	s2 =	sadd.s32 $0x288, s31;
	s0 =	sadd.s32 @!p2 s1, s0  }
0x13a: {  	[hbm4b:s0+s3] =	stream.linear.scatter @!p2 [tilespmem:s2], [sflag:$0xA], $0x80, $0x38;
	[tilespmem:$0x1E668] =	vst v63  }
0x13b: {  	s0 =	simm.s32 $0x0  }
0x13c: {  	s0 =	simm.s32 @!p2 $0x400  }
0x13d: {  	s30 =	sadd.s32 s0, s30  }
.LBB2_22:
0x13e: {  	s0 =	sadd.s32 $0x1, s21  }
0x13f: {  	s2 =	sshrl.u32 s0, $0x4  }
0x140: {  	s2 =	smulhi.u32 $0x24924925, s2  }
0x141: {  	v1 =	vld [tilespmem:s24+$0xFFFFFF80]  }
0x142: {  	s2 =	smul.u32 $0x70, s2;
	_ =	sdelay $0x1  }
0x143: {  	s21 =	ssub.s32 s0, s2  }
0x144: {  	s0 =	sshll.u32 s21, $0x8  }
0x145: {  	[tilespmem:s0+$0x208] =	vst v1  }
0x146: {  	v1 =	vld [tilespmem:s24+$0xFFFFFF90];
	_ =	sdelay $0x4  }
0x147: {  	[tilespmem:s0+$0x218] =	vst v1  }
0x148: {  	v1 =	vld [tilespmem:s24+$0xFFFFFFA0];
	_ =	sdelay $0x4  }
0x149: {  	[tilespmem:s0+$0x228] =	vst v1  }
0x14a: {  	v1 =	vld [tilespmem:s24+$0xFFFFFFB0];
	_ =	sdelay $0x4  }
0x14b: {  	[tilespmem:s0+$0x238] =	vst v1  }
0x14c: {  	v1 =	vld [tilespmem:s24+$0xFFFFFFC0];
	_ =	sdelay $0x4  }
0x14d: {  	[tilespmem:s0+$0x248] =	vst v1  }
0x14e: {  	v1 =	vld [tilespmem:s24+$0xFFFFFFD0];
	_ =	sdelay $0x4  }
0x14f: {  	[tilespmem:s0+$0x258] =	vst v1  }
0x150: {  	v1 =	vld [tilespmem:s24+$0xFFFFFFE0];
	_ =	sdelay $0x4  }
0x151: {  	[tilespmem:s0+$0x268] =	vst v1  }
0x152: {  	v1 =	vld [tilespmem:s24+$0xFFFFFFF0];
	_ =	sdelay $0x4  }
0x153: {  	[tilespmem:s0+$0x278] =	vst v1  }
0x154: {  	v1 =	vld [tilespmem:s24+$0x0];
	_ =	sdelay $0x4  }
0x155: {  	[tilespmem:s0+$0x288] =	vst v1  }
0x156: {  	v1 =	vld [tilespmem:s24+$0x10];
	_ =	sdelay $0x4  }
0x157: {  	[tilespmem:s0+$0x298] =	vst v1  }
0x158: {  	v1 =	vld [tilespmem:s24+$0x20];
	_ =	sdelay $0x4  }
0x159: {  	[tilespmem:s0+$0x2A8] =	vst v1  }
0x15a: {  	v1 =	vld [tilespmem:s24+$0x30];
	_ =	sdelay $0x4  }
0x15b: {  	[tilespmem:s0+$0x2B8] =	vst v1  }
0x15c: {  	v1 =	vld [tilespmem:s24+$0x40];
	_ =	sdelay $0x4  }
0x15d: {  	[tilespmem:s0+$0x2C8] =	vst v1  }
0x15e: {  	v1 =	vld [tilespmem:s24+$0x50];
	_ =	sdelay $0x4  }
0x15f: {  	[tilespmem:s0+$0x2D8] =	vst v1  }
0x160: {  	v1 =	vld [tilespmem:s24+$0x60];
	_ =	sdelay $0x4  }
0x161: {  	[tilespmem:s0+$0x2E8] =	vst v1  }
0x162: {  	v1 =	vld [tilespmem:s24+$0x70]  }
.Ltmp21:
0x163: {  	_ = 	snop;
	(pc) =	sbr.rel .LBB2_23-.Ltmp21, $2  }
0x164: {  	_ =	sdelay $0x2  }
0x165: {  	s26 =	sadd.s32 $0x1, s26;
	[tilespmem:s0+$0x2F8] =	vst v1  }
.LBB2_25:
.Ltmp22:
0x166: {  	(pc) =	sbr.rel .LBB2_26-.Ltmp22, $4  }
0x167: {  	_ = 	snop  }
0x168: {  	s0 =	simm.s32 $0x2  }
0x169: {  	_ =	swait.ge [sflag:s0], $0x0  }
0x16a: {  	s29 =	smov.u32 s28;
	[sflag:s0] =	ssyncset.done $0x0;
	s0 =	simm.s32 $0x0  }
.LBB2_28:
0x16b: {  	_ =	sfence.sel $0x180000  }
0x16c: {  	s0 =	simm.s32 $0x7;
	[bflag:$0x0] =	sbarrier.arrive $0xFFFF  }
0x16d: {  	s25 =	simm.s32 $0x8;
	[sflag:s0] =	ssyncpa.u1 $0x1  }
0x16e: {  	s26 =	simm.s32 $0x9;
	[sflag:s25] =	ssyncpa.u1 $0x1  }
0x16f: {  	s28 =	simm.s32 $0x2;
	[sflag:s26] =	ssyncpa.u1 $0x1  }
0x170: {  	[sflag:s28] =	ssyncpa.u1 $0x1  }
0x171: {  	v0 =	vld [tilespmem:$0xE408];
	_ =	sdelay $0x4  }
0x172: {  	(v2sf) =	vpush v0, $0x0  }
0x173: {  	(v2sf) =	vpush v0, $0x1;
	_ =	sdelay $0x1  }
0x174: {  	(v2sf) =	vpush v0, $0x2;
	_ =	sdelay $0xb  }
0x175: {  	s0 =	spop (v2sf)  }
0x176: {  	s2 =	spop (v2sf)  }
0x177: {  	s3 =	smov.u32 s0;
	p0 =	sne.s32 s0, s2  }
0x178: {  	s4 =	spop (v2sf);
	s3 =	simm.s32 @!p0 $0xFFFFFFFF  }
0x179: {  	v2 =	vimm.s32 $0x1;
	v3 =	vlaneseq.u32;
	p0 =	seq.s32 s4, $0xFFFFFFFF;
	v1 =	vmov s3  }
0x17a: {  	s7 =	stileid.u32;
	v0 =	vperm.xlane v0, v2;
	p1 =	sne.s32 @!p0 s0, s2;
	v1 =	vperm.xlane v1, v3  }
0x17b: {  	vm0 =	vcmask $0x3F04;
	s6 =	simm.s32 $0xE408;
	s0 =	simm.s32 @!p0 $0x1;
	p1 =	por !p1, p0  }
0x17c: {  	s3 =	sshll.u32 s7, $0x1;
	s2 =	sshll.u32 @!p0 s4, $0xA;
	s0 =	simm.s32 @p1 $0x0;
	v0 =	vsel vm0, v1, v0  }
0x17d: {  	s5 =	sor.u32 $0x2000, s3;
	s2 =	sshra.s32 @!p0 s2, $0x2;
	s0 =	sor.u32 @!p0 s0, s3;
	[tilespmem:$0xE408] =	vst v0  }
0x17e: {  	[spmem:s5] =	stream.linear.scatter [tilespmem:s6], [sflag:$0x1], $0x2, $0x38;
	[tilespmem:$0x1E668] =	vst v63  }
0x17f: {  	s2 =	sadd.s32 @!p0 $0x208, s2;
	s0 =	sshll.u32 @!p0 s0, $0x8  }
0x180: {  	[spmem:s0] =	stream.linear.scatter @!p0 [tilespmem:s2], [sflag:$0x1], $0x100, $0x38;
	[tilespmem:$0x1E668] =	vst v63  }
0x181: {  	s2 =	simm.s32 @!p0 $0x102  }
0x182: {  	s0 =	simm.s32 $0x1;
	s2 =	simm.s32 @p0 $0x2  }
0x183: {  	_ =	swait.ge [sflag:s0], s2  }
0x184: {  	s2 =	ssub.s32 $0x0, s2;
	[sflag:s0] =	ssyncset.done $0x0  }
0x185: {  	[sflag:s0] =	ssyncadd.s32 s2  }
0x186: {  	_ =	sfence.stream.spmem  }
0x187: {  	s29 =	simm.s32 $0x3;
	[bflag:$0x0] =	sbarrier.arrive $0xFFFF  }
0x188: {  	s30 =	simm.s32 $0x4;
	[sflag:s29] =	ssyncpa.u1 $0x1  }
0x189: {  	s31 =	simm.s32 $0x3C;
	[sflag:s30] =	ssyncpa.u1 $0x1  }
0x18a: {  	p0 =	sne.s32 s7, $0x0;
	[sflag:s31] =	ssyncpa.u1 $0x1  }
0x18b: {  	_ =	sfence @p0  }
0x18c: {  	[sflag:s0] =	ssyncpa.u1 @p0 $0x1  }
0x18d: {  	_ =	strace @p0 $0x90000050  }
0x18e: {  	[bflag:$0x2] =	sbarrier.arrive @p0 $0xFFFF  }
0x18f: {  	_ =	shalt @p0  }
.LBB2_29:
0x190: {  	_ =	sfence.stream.spmem;
	s0 =	simm.s32 $0x5  }
0x191: {  	s2 =	simm.s32 $0x2000;
	s3 =	simm.s32 $0xE418;
	[sflag:s0] =	ssyncpa.u1 $0x0  }
0x192: {  	[tilespmem:s3], [sflag:$0x5] =	stream.linear.gather [spmem:s2], $0x20, $0x38;
	[tilespmem:$0x1E668] =	vst v63  }
0x193: {  	s30 =	simm.s32 $0xE438;
	s2 =	simm.s32 $0x0  }
0x194: {  	[tilespmem:s30], [sflag:$0x5] =	stream.linear.gather [spmem:s2], $0x2000, $0x38;
	[tilespmem:$0x1E668] =	vst v63  }
.Ltmp23:
0x195: {  	_ = 	snop;
	(pc) =	sbr.rel .LBB2_30-.Ltmp23, $4  }
0x196: {  	_ =	swait.ge [sflag:s0], $0x2020  }
0x197: {  	[sflag:s0] =	ssyncset.done $0x0  }
0x198: {  	s31 =	simm.s32 $0x6;
	[sflag:s0] =	ssyncadd.s32 $0xFFFFDFE0  }
0x199: {  	s3 =	simm.s32 $0x0;
	[sflag:s31] =	ssyncpa.u1 $0x0  }
.LBB2_36:
0x19a: {  	p0 =	slt.u32 s4, $0x771  }
0x19b: {  	s0 =	sand.u32 @p0 $0x7F8, s4  }
0x19c: {  	s5 =	sand.u32 @p0 $0x7, s4;
	s6 =	simm.s32 @p0 $0xE308;
	s0 =	sadd.s32 @p0 s1, s0  }
0x19d: {  	[tilespmem:s6], [sflag:$0x6] =	stream.linear.gather @p0 [hbm4b:s0+s5], $0x80, $0x38;
	[tilespmem:$0x1E668] =	vst v63  }
0x19e: {  	s0 =	sadd.s32 @p0 $0x80, s4  }
0x19f: {  	s0 =	sand.u32 @p0 $0xFF8, s0  }
0x1a0: {  	s4 =	simm.s32 @p0 $0xE388;
	s0 =	sadd.s32 @p0 s1, s0  }
0x1a1: {  	[tilespmem:s4], [sflag:$0x6] =	stream.linear.gather @p0 [hbm4b:s0+s5], $0x80, $0x38;
	[tilespmem:$0x1E668] =	vst v63  }
0x1a2: {  	s0 =	simm.s32 @p0 $0x6  }
0x1a3: {  	_ =	swait.ge @p0 [sflag:s0], $0x100  }
0x1a4: {  	[sflag:s0] =	ssyncset.done @p0 $0x0  }
0x1a5: {  	[sflag:s0] =	ssyncadd.s32 @p0 $0xFFFFFF00  }
0x1a6: {  	v1 =	vld @p0 [tilespmem:$0xE308];
	_ =	sdelay $0x2  }
0x1a7: {  	s0 =	sshll.u32 @p0 s3, $0xA  }
0x1a8: {  	s4 =	sshrl.u32 @p0 s0, $0x2  }
0x1a9: {  	[tilespmem:s4+$0xE438] =	vst.add.f32.msk @p0 $0xffff, v1  }
0x1aa: {  	v1 =	vld @p0 [tilespmem:$0xE318];
	_ =	sdelay $0x4  }
0x1ab: {  	[tilespmem:s4+$0xE448] =	vst.add.f32.msk @p0 $0xffff, v1  }
0x1ac: {  	v1 =	vld @p0 [tilespmem:$0xE328];
	_ =	sdelay $0x4  }
0x1ad: {  	[tilespmem:s4+$0xE458] =	vst.add.f32.msk @p0 $0xffff, v1  }
0x1ae: {  	v1 =	vld @p0 [tilespmem:$0xE338];
	_ =	sdelay $0x4  }
0x1af: {  	[tilespmem:s4+$0xE468] =	vst.add.f32.msk @p0 $0xffff, v1  }
0x1b0: {  	v1 =	vld @p0 [tilespmem:$0xE348];
	_ =	sdelay $0x4  }
0x1b1: {  	[tilespmem:s4+$0xE478] =	vst.add.f32.msk @p0 $0xffff, v1  }
0x1b2: {  	v1 =	vld @p0 [tilespmem:$0xE358];
	_ =	sdelay $0x4  }
0x1b3: {  	[tilespmem:s4+$0xE488] =	vst.add.f32.msk @p0 $0xffff, v1  }
0x1b4: {  	v1 =	vld @p0 [tilespmem:$0xE368];
	_ =	sdelay $0x4  }
0x1b5: {  	[tilespmem:s4+$0xE498] =	vst.add.f32.msk @p0 $0xffff, v1  }
0x1b6: {  	v1 =	vld @p0 [tilespmem:$0xE378];
	_ =	sdelay $0x4  }
0x1b7: {  	[tilespmem:s4+$0xE4A8] =	vst.add.f32.msk @p0 $0xffff, v1  }
0x1b8: {  	v1 =	vld @p0 [tilespmem:$0xE388];
	_ =	sdelay $0x4  }
0x1b9: {  	[tilespmem:s4+$0xE4B8] =	vst.add.f32.msk @p0 $0xffff, v1  }
0x1ba: {  	v1 =	vld @p0 [tilespmem:$0xE398];
	_ =	sdelay $0x4  }
0x1bb: {  	[tilespmem:s4+$0xE4C8] =	vst.add.f32.msk @p0 $0xffff, v1  }
0x1bc: {  	v1 =	vld @p0 [tilespmem:$0xE3A8];
	_ =	sdelay $0x4  }
0x1bd: {  	[tilespmem:s4+$0xE4D8] =	vst.add.f32.msk @p0 $0xffff, v1  }
0x1be: {  	v1 =	vld @p0 [tilespmem:$0xE3B8];
	_ =	sdelay $0x4  }
0x1bf: {  	[tilespmem:s4+$0xE4E8] =	vst.add.f32.msk @p0 $0xffff, v1  }
0x1c0: {  	v1 =	vld @p0 [tilespmem:$0xE3C8];
	_ =	sdelay $0x4  }
0x1c1: {  	[tilespmem:s4+$0xE4F8] =	vst.add.f32.msk @p0 $0xffff, v1  }
0x1c2: {  	v1 =	vld @p0 [tilespmem:$0xE3D8];
	_ =	sdelay $0x4  }
0x1c3: {  	[tilespmem:s4+$0xE508] =	vst.add.f32.msk @p0 $0xffff, v1  }
0x1c4: {  	v1 =	vld @p0 [tilespmem:$0xE3E8];
	_ =	sdelay $0x4  }
0x1c5: {  	[tilespmem:s4+$0xE518] =	vst.add.f32.msk @p0 $0xffff, v1  }
0x1c6: {  	v1 =	vld @p0 [tilespmem:$0xE3F8];
	_ =	sdelay $0x3  }
0x1c7: {  	s5 =	sshll.u32 @!p0 s3, $0xA  }
0x1c8: {  	s5 =	smov.u32 @p0 s0;
	[tilespmem:s4+$0xE528] =	vst.add.f32.msk @p0 $0xffff, v1  }
0x1c9: {  	s0 =	sshrl.u32 s5, $0x2;
	[tilespmem:s2+$0xE418] =	vst.msk $0x1, v0  }
0x1ca: {  	v0 =	vld [tilespmem:s0+$0xE438];
	_ =	sdelay $0x2  }
0x1cb: {  	s31 =	sshll.u32 s2, $0xA  }
0x1cc: {  	s4 =	sshra.s32 s31, $0x2  }
0x1cd: {  	[tilespmem:s4+$0xE438] =	vst v0  }
0x1ce: {  	v0 =	vld [tilespmem:s0+$0xE448];
	_ =	sdelay $0x4  }
0x1cf: {  	[tilespmem:s4+$0xE448] =	vst v0  }
0x1d0: {  	v0 =	vld [tilespmem:s0+$0xE458];
	_ =	sdelay $0x4  }
0x1d1: {  	[tilespmem:s4+$0xE458] =	vst v0  }
0x1d2: {  	v0 =	vld [tilespmem:s0+$0xE468];
	_ =	sdelay $0x4  }
0x1d3: {  	[tilespmem:s4+$0xE468] =	vst v0  }
0x1d4: {  	v0 =	vld [tilespmem:s0+$0xE478];
	_ =	sdelay $0x4  }
0x1d5: {  	[tilespmem:s4+$0xE478] =	vst v0  }
0x1d6: {  	v0 =	vld [tilespmem:s0+$0xE488];
	_ =	sdelay $0x4  }
0x1d7: {  	[tilespmem:s4+$0xE488] =	vst v0  }
0x1d8: {  	v0 =	vld [tilespmem:s0+$0xE498];
	_ =	sdelay $0x4  }
0x1d9: {  	[tilespmem:s4+$0xE498] =	vst v0  }
0x1da: {  	v0 =	vld [tilespmem:s0+$0xE4A8];
	_ =	sdelay $0x4  }
0x1db: {  	[tilespmem:s4+$0xE4A8] =	vst v0  }
0x1dc: {  	v0 =	vld [tilespmem:s0+$0xE4B8];
	_ =	sdelay $0x4  }
0x1dd: {  	[tilespmem:s4+$0xE4B8] =	vst v0  }
0x1de: {  	v0 =	vld [tilespmem:s0+$0xE4C8];
	_ =	sdelay $0x4  }
0x1df: {  	[tilespmem:s4+$0xE4C8] =	vst v0  }
0x1e0: {  	v0 =	vld [tilespmem:s0+$0xE4D8];
	_ =	sdelay $0x4  }
0x1e1: {  	[tilespmem:s4+$0xE4D8] =	vst v0  }
0x1e2: {  	v0 =	vld [tilespmem:s0+$0xE4E8];
	_ =	sdelay $0x4  }
0x1e3: {  	[tilespmem:s4+$0xE4E8] =	vst v0  }
0x1e4: {  	v0 =	vld [tilespmem:s0+$0xE4F8];
	_ =	sdelay $0x4  }
0x1e5: {  	[tilespmem:s4+$0xE4F8] =	vst v0  }
0x1e6: {  	v0 =	vld [tilespmem:s0+$0xE508];
	_ =	sdelay $0x4  }
0x1e7: {  	[tilespmem:s4+$0xE508] =	vst v0  }
0x1e8: {  	v0 =	vld [tilespmem:s0+$0xE518];
	_ =	sdelay $0x4  }
0x1e9: {  	[tilespmem:s4+$0xE518] =	vst v0  }
0x1ea: {  	v0 =	vld [tilespmem:s0+$0xE528];
	_ =	sdelay $0x4  }
0x1eb: {  	s2 =	sadd.s32 $0x1, s2;
	[tilespmem:s4+$0xE528] =	vst v0  }
.LBB2_37:
0x1ec: {  	s3 =	sadd.s32 $0x1, s3  }
0x1ed: {  	p0 =	sne.s32 s3, $0x20  }
.Ltmp24:
0x1ee: {  	_ = 	snop;
	(pc) =	sbr.rel @!p0 .LBB2_38-.Ltmp24, $1  }
0x1ef: {  	_ =	sdelay $0x3  }
.LBB2_30:
0x1f0: {  	v0 =	vld.msk [tilespmem:s3+$0xE418], $0x1;
	_ =	sdelay $0x4  }
0x1f1: {  	(v2sf) =	vpush v0, $0x0;
	_ =	sdelay $0xe  }
0x1f2: {  	s4 =	spop (v2sf)  }
0x1f3: {  	p0 =	seq.s32 s4, $0xFFFFFFFF  }
.Ltmp25:
0x1f4: {  	_ = 	snop;
	(pc) =	sbr.rel @p0 .LBB2_37-.Ltmp25, $1  }
0x1f5: {  	_ =	sdelay $0x3  }
0x1f6: {  	p0 =	slt.s32 s2, $0x1  }
.Ltmp26:
0x1f7: {  	_ = 	snop;
	(pc) =	sbr.rel @p0 .LBB2_36-.Ltmp26, $1  }
0x1f8: {  	_ =	sdelay $0x3  }
0x1f9: {  	s5 =	simm.s32 $0xE418;
	p0 =	por $0x0, $0x0  }
0x1fa: {  	v1 =	vld.msk @!p0 [tilespmem:s5+$0x0], $0x1;
	_ =	sdelay $0x4  }
0x1fb: {  	(v2sf) =	vpush @!p0 v1, $0x0;
	_ =	sdelay $0xd  }
0x1fc: {  	p2 =	sne.s32 s2, $0x1  }
.Ltmp27:
0x1fd: {  	s0 =	spop @!p0 (v2sf);
	(pc) =	sbr.rel @!p2 .LBB2_34-.Ltmp27, $4  }
0x1fe: {  	p1 =	seq.s32 @!p0 s4, s0  }
0x1ff: {  	s6 =	simm.s32 $0x0;
	p1 =	por !p1, p0  }
0x200: {  	s0 =	simm.s32 $0xFFFFFFFF;
	s6 =	simm.s32 @p1 $0xFFFFFFFF  }
0x201: {  	s7 =	simm.s32 $0x1;
	s6 =	smov.u32 @p0 s0  }
.LBB2_33:
0x202: {  	s0 =	smov.u32 s6;
	p0 =	sne.s32 s6, $0xFFFFFFFF  }
0x203: {  	s5 =	sadd.s32 $0x1, s5;
	s6 =	smov.u32 s7;
	s7 =	sadd.s32 $0x1, s7  }
0x204: {  	p1 =	sne.s32 s2, s7;
	v1 =	vld.msk @!p0 [tilespmem:s5+$0x0], $0x1;
	_ =	sdelay $0x4  }
0x205: {  	(v2sf) =	vpush @!p0 v1, $0x0;
	_ =	sdelay $0xe  }
.Ltmp28:
0x206: {  	s8 =	spop @!p0 (v2sf);
	(pc) =	sbr.rel @p1 .LBB2_33-.Ltmp28, $4  }
0x207: {  	p2 =	seq.s32 @!p0 s4, s8  }
0x208: {  	p2 =	por !p2, p0  }
0x209: {  	s6 =	simm.s32 @p2 $0xFFFFFFFF  }
0x20a: {  	s6 =	smov.u32 @p0 s0  }
.LBB2_34:
0x20b: {  	p0 =	seq.s32 s6, $0xFFFFFFFF  }
.Ltmp29:
0x20c: {  	_ = 	snop;
	(pc) =	sbr.rel @p0 .LBB2_36-.Ltmp29, $1  }
0x20d: {  	_ =	sdelay $0x3  }
0x20e: {  	s0 =	sshll.u32 s3, $0x8  }
0x20f: {  	s0 =	sand.u32 $0x3FFFFF00, s0  }
0x210: {  	v0 =	vld [tilespmem:s0+$0xE438];
	_ =	sdelay $0x2  }
0x211: {  	s4 =	sshll.u32 s6, $0xA  }
0x212: {  	s4 =	sshra.s32 s4, $0x2  }
0x213: {  	[tilespmem:s4+$0xE438] =	vst.add.f32.msk $0xffff, v0  }
0x214: {  	v0 =	vld [tilespmem:s0+$0xE448];
	_ =	sdelay $0x4  }
0x215: {  	[tilespmem:s4+$0xE448] =	vst.add.f32.msk $0xffff, v0  }
0x216: {  	v0 =	vld [tilespmem:s0+$0xE458];
	_ =	sdelay $0x4  }
0x217: {  	[tilespmem:s4+$0xE458] =	vst.add.f32.msk $0xffff, v0  }
0x218: {  	v0 =	vld [tilespmem:s0+$0xE468];
	_ =	sdelay $0x4  }
0x219: {  	[tilespmem:s4+$0xE468] =	vst.add.f32.msk $0xffff, v0  }
0x21a: {  	v0 =	vld [tilespmem:s0+$0xE478];
	_ =	sdelay $0x4  }
0x21b: {  	[tilespmem:s4+$0xE478] =	vst.add.f32.msk $0xffff, v0  }
0x21c: {  	v0 =	vld [tilespmem:s0+$0xE488];
	_ =	sdelay $0x4  }
0x21d: {  	[tilespmem:s4+$0xE488] =	vst.add.f32.msk $0xffff, v0  }
0x21e: {  	v0 =	vld [tilespmem:s0+$0xE498];
	_ =	sdelay $0x4  }
0x21f: {  	[tilespmem:s4+$0xE498] =	vst.add.f32.msk $0xffff, v0  }
0x220: {  	v0 =	vld [tilespmem:s0+$0xE4A8];
	_ =	sdelay $0x4  }
0x221: {  	[tilespmem:s4+$0xE4A8] =	vst.add.f32.msk $0xffff, v0  }
0x222: {  	v0 =	vld [tilespmem:s0+$0xE4B8];
	_ =	sdelay $0x4  }
0x223: {  	[tilespmem:s4+$0xE4B8] =	vst.add.f32.msk $0xffff, v0  }
0x224: {  	v0 =	vld [tilespmem:s0+$0xE4C8];
	_ =	sdelay $0x4  }
0x225: {  	[tilespmem:s4+$0xE4C8] =	vst.add.f32.msk $0xffff, v0  }
0x226: {  	v0 =	vld [tilespmem:s0+$0xE4D8];
	_ =	sdelay $0x4  }
0x227: {  	[tilespmem:s4+$0xE4D8] =	vst.add.f32.msk $0xffff, v0  }
0x228: {  	v0 =	vld [tilespmem:s0+$0xE4E8];
	_ =	sdelay $0x4  }
0x229: {  	[tilespmem:s4+$0xE4E8] =	vst.add.f32.msk $0xffff, v0  }
0x22a: {  	v0 =	vld [tilespmem:s0+$0xE4F8];
	_ =	sdelay $0x4  }
0x22b: {  	[tilespmem:s4+$0xE4F8] =	vst.add.f32.msk $0xffff, v0  }
0x22c: {  	v0 =	vld [tilespmem:s0+$0xE508];
	_ =	sdelay $0x4  }
0x22d: {  	[tilespmem:s4+$0xE508] =	vst.add.f32.msk $0xffff, v0  }
0x22e: {  	v0 =	vld [tilespmem:s0+$0xE518];
	_ =	sdelay $0x4  }
0x22f: {  	[tilespmem:s4+$0xE518] =	vst.add.f32.msk $0xffff, v0  }
0x230: {  	v0 =	vld [tilespmem:s0+$0xE528]  }
.Ltmp30:
0x231: {  	_ = 	snop;
	(pc) =	sbr.rel .LBB2_37-.Ltmp30, $2  }
0x232: {  	_ =	sdelay $0x2  }
0x233: {  	[tilespmem:s4+$0xE528] =	vst.add.f32.msk $0xffff, v0  }
.LBB2_38:
0x234: {  	p0 =	slt.s32 s2, $0x1  }
.Ltmp31:
0x235: {  	_ = 	snop;
	(pc) =	sbr.rel @p0 .LBB2_42-.Ltmp31, $3  }
0x236: {  	_ =	sdelay $0x1  }
0x237: {  	s0 =	simm.s32 $0x6  }
0x238: {  	[sflag:s0] =	ssyncpa.u1 $0x1;
	s0 =	simm.s32 $0x0  }
0x239: {  	s3 =	simm.s32 $0xE418  }
0x23a: {  	v0 =	vld.msk [tilespmem:s3+$0x0], $0x1;
	_ =	sdelay $0x4  }
0x23b: {  	(v2sf) =	vpush v0, $0x0;
	_ =	sdelay $0xe  }
0x23c: {  	s2 =	sadd.s32 $0xFFFFFFFF, s2;
	s4 =	spop (v2sf)  }
0x23d: {  	s5 =	simm.s32 $0xE438;
	p0 =	sne.s32 s2, $0x0;
	p1 =	sgt.u32 s4, $0x770  }
.Ltmp32:
0x23e: {  	s3 =	simm.s32 $0xE538;
	s6 =	sand.u32 @!p1 $0x7F8, s4;
	(pc) =	sbr.rel @!p0 .LBB2_41-.Ltmp32, $4  }
0x23f: {  	s7 =	sadd.s32 @!p1 $0x80, s4;
	s8 =	sadd.s32 @!p1 s1, s6;
	s6 =	sand.u32 @!p1 $0x7, s4  }
0x240: {  	[hbm4b:s8+s6] =	stream.linear.scatter @!p1 [tilespmem:s5], [sflag:$0x5], $0x80, $0x38;
	[tilespmem:$0x1E668] =	vst v63  }
0x241: {  	s0 =	simm.s32 @!p1 $0x400;
	s4 =	simm.s32 $0xE419;
	s5 =	sand.u32 @!p1 $0xFF8, s7  }
0x242: {  	s7 =	simm.s32 @!p1 $0xE4B8;
	s8 =	sadd.s32 @!p1 s1, s5;
	s5 =	sadd.s32 $0x0, s0  }
.LBB2_40:
0x243: {  	[hbm4b:s8+s6] =	stream.linear.scatter @!p1 [tilespmem:s7], [sflag:$0x5], $0x80, $0x38;
	[tilespmem:$0x1E668] =	vst v63  }
0x244: {  	s2 =	sadd.s32 $0xFFFFFFFF, s2;
	s0 =	smov.u32 s3;
	v0 =	vld.msk [tilespmem:s4+$0x0], $0x1  }
0x245: {  	p0 =	sne.s32 s2, $0x0;
	_ =	sdelay $0x3  }
0x246: {  	(v2sf) =	vpush v0, $0x0;
	_ =	sdelay $0xe  }
0x247: {  	s3 =	sadd.s32 $0x100, s3;
	s9 =	simm.s32 $0x0;
	s6 =	spop (v2sf)  }
.Ltmp33:
0x248: {  	s4 =	sadd.s32 $0x1, s4;
	p1 =	sgt.u32 s6, $0x770;
	(pc) =	sbr.rel @p0 .LBB2_40-.Ltmp33, $4  }
0x249: {  	s9 =	simm.s32 @!p1 $0x400;
	s7 =	sand.u32 @!p1 $0x7F8, s6;
	s8 =	sadd.s32 @!p1 $0x80, s6  }
0x24a: {  	s6 =	sand.u32 @!p1 $0x7, s6;
	s7 =	sadd.s32 @!p1 s1, s7;
	s8 =	sand.u32 @!p1 $0xFF8, s8  }
0x24b: {  	[hbm4b:s7+s6] =	stream.linear.scatter @!p1 [tilespmem:s0], [sflag:$0x5], $0x80, $0x38;
	[tilespmem:$0x1E668] =	vst v63  }
0x24c: {  	s5 =	sadd.s32 s5, s9;
	s7 =	sadd.s32 @!p1 $0x80, s0;
	s8 =	sadd.s32 @!p1 s1, s8  }
.LBB2_41:
0x24d: {  	[hbm4b:s8+s6] =	stream.linear.scatter @!p1 [tilespmem:s7], [sflag:$0x5], $0x80, $0x38;
	[tilespmem:$0x1E668] =	vst v63  }
0x24e: {  	s0 =	sshrl.u32 s5, $0x2  }
.LBB2_42:
0x24f: {  	s1 =	simm.s32 $0x5  }
0x250: {  	_ =	swait.ge [sflag:s1], s0  }
0x251: {  	s29 =	ssub.s32 $0x0, s0;
	[sflag:s1] =	ssyncset.done $0x0  }
0x252: {  	[sflag:s1] =	ssyncadd.s32 s29  }
0x253: {  	[sflag:s1] =	ssyncpa.u1 $0x1  }
0x254: {  	s30 =	simm.s32 $0x1;
	_ =	sfence  }
0x255: {  	[sflag:s30] =	ssyncpa.u1 $0x1  }
0x256: {  	_ =	strace $0x90000050  }
0x257: {  	[bflag:$0x2] =	sbarrier.arrive $0xFFFF  }
0x258: {  	s31 =	rddreg [dreg:$0x1]  }
0x259: {  	s0 =	sadd.s32 $0x100000, s31  }
0x25a: {  	[sflag:s0] =	ssyncadd.tile.s32 $0x1;
	_ =	shalt  }
.Lfunc_end2:
_tile_overlayer_lowered:
.L_overlay_start_2:
0x25b: {  	(tag) =	ssettag $0x2  }
0x25c: {  	s0 =	rddreg [dreg:$0x0];
	s2 =	stileid.u32  }
0x25d: {  	s1 =	rddreg [dreg:$0x1];
	p0 =	sne.s32 s2, $0x0  }
0x25e: {  	s3 =	rddreg [dreg:$0x2];
	[bflag:$0x3] =	sbarrier.arrive $0xFFFF;
	s2 =	simm.s32 @!p0 $0x1C01  }
0x25f: {  	[timem:s3], [sflag:s2] =	dma.local @!p0 [hbm:s0], s1  }
0x260: {  	s0 =	simm.s32 @!p0 $0x1  }
0x261: {  	_ =	swait.ge @!p0 [sflag:s0], s1  }
0x262: {  	s1 =	ssub.s32 @!p0 $0x0, s1;
	[sflag:s0] =	ssyncset.done @!p0 $0x0  }
0x263: {  	[sflag:s0] =	ssyncadd.s32 @!p0 s1  }
0x264: {  	[bflag:$0x3] =	sbarrier.arrive $0xFFFF  }
0x265: {  	_ =	shalt  }

// kernel: scatter_offload_async_start.3
scs
__scs_entry_jumppad:
0x0: {  	(pc) =	sbr.rel $0x88, $3  }
0x1: {  	(tag) =	ssettag $0x0;
	lr =	simm.s32 $0x1  }
0x2: {  	[smem:$0x3F83] =	sst lr;
	_ =	strace $0xD0000000  }
0x3: {  	_ = 	snop  }
0x4: {  	_ = 	snop  }
0x5: {  	_ = 	snop  }
0x6: {  	_ = 	snop  }
0x7: {  	_ = 	snop  }
__scs_overlays_trampoline_lowered:
0x8: {  	[smem:$0x3F92] =	sst s0  }
0x9: {  	[smem:$0x3F93] =	sst s1  }
0xa: {  	[smem:$0x3F94] =	sst s2  }
0xb: {  	[smem:$0x3F95] =	sst s3  }
0xc: {  	[smem:$0x3F96] =	sst s4  }
0xd: {  	[smem:$0x3F97] =	sst s5  }
0xe: {  	[smem:$0x3F98] =	sst s6  }
0xf: {  	[smem:$0x3F99] =	sst s7  }
0x10: {  	[smem:$0x3F9A] =	sst s8  }
0x11: {  	[smem:$0x3F9B] =	sst s9;
	s0 =	simm.s32 @!p0 $0x0  }
0x12: {  	s1 =	sld [smem:$0x3F81];
	s0 =	simm.s32 @p0 $0x1  }
0x13: {  	[smem:$0x3F9C] =	sst s0;
	s0 =	simm.s32 @!p1 $0x0  }
0x14: {  	s2 =	sld [smem:$0x3F80];
	s0 =	simm.s32 @p1 $0x1  }
0x15: {  	[smem:$0x3F9D] =	sst s0;
	s0 =	simm.s32 @!p2 $0x0  }
0x16: {  	s3 =	sld [smem:$0x3FDB];
	s0 =	simm.s32 @p2 $0x1  }
0x17: {  	s4 =	simm.s32 $0x1BF5;
	[smem:$0x3F9F] =	sst s0  }
0x18: {  	s0 =	sld [smem:$0x3F82];
	_ =	swait.ge [sflag:s4], $0x0  }
0x19: {  	s7 =	sld [smem:$0x3F83]  }
0x1a: {  	s8 =	sadd.s32 $0xFFFFE003, lr  }
0x1b: {  	s9 =	sadd.s32 $0xFFFFFEF7, lr;
	s5 =	simm.s32 $0xFFFFFFFF;
	p2 =	slt.u32 s8, $0xFFFFF086  }
0x1c: {  	p1 =	slt.u32 s9, $0xF7A;
	s5 =	simm.s32 @!p2 $0x0  }
0x1d: {  	s5 =	simm.s32 @p1 $0x1;
	p0 =	seq.s32 s7, s2  }
0x1e: {  	s7 =	smul.u32 @!p0 $0xF7A, s2;
	p2 =	seq.s32 @!p0 s5, $0x0  }
0x1f: {  	s9 =	smul.u32 $0xF7A, s1;
	s8 =	simm.s32 @!p0 $0x1BF5;
	p2 =	por !p2, p0  }
0x20: {  	[sflag:s8] =	ssyncset.s32 @!p0 $0xFFFFF086;
	s6 =	sadd.s32 @!p0 s3, s7;
	s7 =	simm.s32 @!p0 $0x108  }
0x21: {  	s3 =	sadd.s32 s3, s9;
	s6 =	sadd.s32 @!p0 $0x88, s6;
	s7 =	simm.s32 @p2 $0x1082  }
0x22: {  	[simem:s7], [sflag:s8] =	dma.local @!p0 [hbm:s6], $0xF7A  }
0x23: {  	s9 =	sor.u32 $0xD0000000, s2;
	s6 =	simm.s32 $0x108;
	_ =	swait.ge @!p0 [sflag:s8], $0x0  }
0x24: {  	s3 =	sadd.s32 $0x88, s3;
	s6 =	simm.s32 @!p1 $0x1082;
	[sflag:s4] =	ssyncset.s32 $0xFFFFF086  }
0x25: {  	[simem:s6], [sflag:s4] =	dma.local [hbm:s3], $0xF7A  }
0x26: {  	[smem:$0x3F83] =	sst s1;
	(tag) =	ssettag s2;
	_ =	strace s9  }
0x27: {  	s1 =	sld [smem:$0x3F93]  }
0x28: {  	s2 =	sld [smem:$0x3F94]  }
0x29: {  	s4 =	sld [smem:$0x3F96]  }
0x2a: {  	p0 =	seq.s32 s5, $0x0;
	s5 =	sld [smem:$0x3F97]  }
0x2b: {  	s6 =	sld [smem:$0x3F98]  }
0x2c: {  	s7 =	sld [smem:$0x3F99]  }
0x2d: {  	s3 =	simm.s32 $0x108;
	s8 =	sld [smem:$0x3F9A]  }
0x2e: {  	s3 =	simm.s32 @!p0 $0x1082;
	s9 =	sld [smem:$0x3F9B]  }
0x2f: {  	lr =	sadd.s32 s0, s3;
	s0 =	sld [smem:$0x3F92]  }
0x30: {  	s3 =	sld [smem:$0x3F95]  }
0x31: {  	[smem:$0x3F9E] =	sst s10  }
0x32: {  	s10 =	sld [smem:$0x3F9C];
	_ =	sdelay $0x3  }
0x33: {  	p0 =	seq.s32 s10, $0x1;
	s10 =	sld [smem:$0x3F9E];
	_ =	sdelay $0x3  }
0x34: {  	[smem:$0x3F9E] =	sst s10  }
0x35: {  	s10 =	sld [smem:$0x3F9D];
	_ =	sdelay $0x3  }
0x36: {  	p1 =	seq.s32 s10, $0x1;
	s10 =	sld [smem:$0x3F9E];
	_ =	sdelay $0x3  }
0x37: {  	[smem:$0x3F9E] =	sst s10  }
0x38: {  	s10 =	sld [smem:$0x3F9F]  }
0x39: {  	_ = 	snop;
	(pc) =	sbr.ind lr, $3  }
0x3a: {  	_ = 	snop  }
0x3b: {  	_ = 	snop  }
0x3c: {  	p2 =	seq.s32 s10, $0x1;
	s10 =	sld [smem:$0x3F9E]  }
0x3d: {  	_ =	shalt  }
0x3e: {  	_ =	shalt  }
0x3f: {  	_ =	shalt  }
0x40: {  	_ =	shalt  }
0x41: {  	_ =	shalt  }
0x42: {  	_ =	shalt  }
0x43: {  	_ =	shalt  }
0x44: {  	_ =	shalt  }
0x45: {  	_ =	shalt  }
0x46: {  	_ =	shalt  }
0x47: {  	_ =	shalt  }
0x48: {  	_ =	shalt  }
0x49: {  	_ =	shalt  }
0x4a: {  	_ =	shalt  }
0x4b: {  	_ =	shalt  }
0x4c: {  	_ =	shalt  }
0x4d: {  	_ =	shalt  }
0x4e: {  	_ =	shalt  }
0x4f: {  	_ =	shalt  }
0x50: {  	_ =	shalt  }
0x51: {  	_ =	shalt  }
0x52: {  	_ =	shalt  }
0x53: {  	_ =	shalt  }
0x54: {  	_ =	shalt  }
0x55: {  	_ =	shalt  }
0x56: {  	_ =	shalt  }
0x57: {  	_ =	shalt  }
0x58: {  	_ =	shalt  }
0x59: {  	_ =	shalt  }
0x5a: {  	_ =	shalt  }
0x5b: {  	_ =	shalt  }
0x5c: {  	_ =	shalt  }
0x5d: {  	_ =	shalt  }
0x5e: {  	_ =	shalt  }
0x5f: {  	_ =	shalt  }
0x60: {  	_ =	shalt  }
0x61: {  	_ =	shalt  }
0x62: {  	_ =	shalt  }
0x63: {  	_ =	shalt  }
0x64: {  	_ =	shalt  }
0x65: {  	_ =	shalt  }
0x66: {  	_ =	shalt  }
0x67: {  	_ =	shalt  }
0x68: {  	_ =	shalt  }
0x69: {  	_ =	shalt  }
0x6a: {  	_ =	shalt  }
0x6b: {  	_ =	shalt  }
0x6c: {  	_ =	shalt  }
0x6d: {  	_ =	shalt  }
0x6e: {  	_ =	shalt  }
0x6f: {  	_ =	shalt  }
0x70: {  	_ =	shalt  }
0x71: {  	_ =	shalt  }
0x72: {  	_ =	shalt  }
0x73: {  	_ =	shalt  }
0x74: {  	_ =	shalt  }
0x75: {  	_ =	shalt  }
0x76: {  	_ =	shalt  }
0x77: {  	_ =	shalt  }
0x78: {  	_ =	shalt  }
0x79: {  	_ =	shalt  }
0x7a: {  	_ =	shalt  }
0x7b: {  	_ =	shalt  }
0x7c: {  	_ =	shalt  }
0x7d: {  	_ =	shalt  }
0x7e: {  	_ =	shalt  }
0x7f: {  	_ =	shalt  }
0x80: {  	_ =	shalt  }
0x81: {  	_ =	shalt  }
0x82: {  	_ =	shalt  }
0x83: {  	_ =	shalt  }
0x84: {  	_ =	shalt  }
0x85: {  	_ =	shalt  }
0x86: {  	_ =	shalt  }
0x87: {  	_ =	shalt  }
.Lfunc_end0:
.L_simem_size_0:
called_computation.3_lowered:
.L_overlay_start_0:
0x88: {  	s0 =	sld [smem:$0x3FD9]  }
0x89: {  	s1 =	sld [smem:$0x3FFE];
	_ =	sdelay $0x3  }
0x8a: {  	s0 =	sadd.s32 s1, s0  }
0x8b: {  	[smem:$0x3FAA] =	sst s0  }
0x8c: {  	_ = 	snop  }
0x8d: {  	s0 =	sld [smem:$0x3FD0];
	_ =	sdelay $0x2  }
0x8e: {  	s13 =	simm.s32 $0xB;
	s2 =	simm.s32 $0x10  }
0x8f: {  	[smem:s2], [sflag:s13] =	dma.local [hbm:s0], $0x1  }
0x90: {  	_ =	swait.eq [sflag:s13], $0x1  }
0x91: {  	[sflag:s13] =	ssyncset.done $0x0  }
0x92: {  	[sflag:s13] =	ssyncadd.s32 $0xFFFFFFFF  }
0x93: {  	s14 =	sld [smem:$0x10];
	(tm) =	ssettm $0x1  }
0x94: {  	s15 =	sld [smem:$0x3FFB];
	_ =	sdelay $0x3  }
0x95: {  	_ =	strace s15  }
0x96: {  	s1 =	sld [smem:$0x3FFC];
	_ =	sdelay $0x3  }
0x97: {  	_ =	strace s1  }
0x98: {  	s1 =	sld [smem:$0x3FFD];
	_ =	sdelay $0x3  }
0x99: {  	_ =	strace s1  }
0x9a: {  	_ =	strace $0x8FFFFFFF  }
0x9b: {  	s16 =	sld [smem:$0x3FDB];
	_ =	sdelay $0x1  }
0x9c: {  	s17 =	simm.s32 $_scs_section_size  }
0x9d: {  	s3 =	simm.s32 $_size__tile_overlayer_lowered;
	s4 =	simm.s32 $_tile_overlayer_lowered  }
0x9e: {  	s20 =	simm.s32 $0x1BFF;
	s19 =	sshll.u32 s4, $0x1;
	s1 =	sadd.s32 s17, s16  }
0x9f: {  	s5 =	simm.s32 $0x0;
	s18 =	sshll.u32 s3, $0x1;
	s3 =	sadd.s32 s19, s1  }
0xa0: {  	[timem:s5], [sflag:s20] =	dma.local [hbm:s3], s18  }
0xa1: {  	_ =	swait.ge [sflag:s20], s18  }
0xa2: {  	s2 =	ssub.s32 $0x0, s18;
	[sflag:s20] =	ssyncset.done $0x0  }
0xa3: {  	[sflag:s20] =	ssyncadd.s32 s2;
	_ =	sdelay $0x1  }
0xa4: {  	s21 =	simm.s32 $0x1B8B  }
0xa5: {  	_ =	swait.ge [sflag:s21], $0x1  }
0xa6: {  	[sflag:s21] =	ssyncset.done $0x0  }
0xa7: {  	s23 =	simm.s32 $0x1B8E;
	s22 =	sld [smem:$0x3FFE];
	[sflag:s21] =	ssyncadd.s32 $0xFFFFFFFF  }
0xa8: {  	s24 =	simm.s32 $execute0_lowered;
	[smem:$0x3FD2] =	sst s23  }
0xa9: {  	s3 =	sshll.u32 s24, $0x1;
	_ =	strace $0x8000004C;
	[dreg:$0x1] =	wrdreg $0xFFFFFFFF  }
0xaa: {  	s25 =	simm.s32 $_size_execute0_lowered;
	s1 =	sadd.s32 s1, s3;
	[dreg:$0x0] =	wrdreg $0x0  }
0xab: {  	s3 =	sshll.u32 s25, $0x1;
	[dreg:$0x2] =	wrdreg s1  }
0xac: {  	[dreg:$0x3] =	wrdreg s3  }
0xad: {  	[dreg:$0x4] =	wrdreg $0xC0  }
0xae: {  	_ =	task [dreg:s5], $0x5FFFF  }
0xaf: {  	[dreg:$0x1] =	wrdreg $0xFFFFFFFF  }
0xb0: {  	[dreg:$0x0] =	wrdreg $0x60  }
0xb1: {  	[dreg:$0x2] =	wrdreg s14  }
0xb2: {  	[dreg:$0x3] =	wrdreg s22  }
0xb3: {  	[dreg:$0x4] =	wrdreg $0xA  }
0xb4: {  	_ =	task.clear_ibuf [dreg:s5], $0x5FFFF;
	_ =	strace $0x9000004C  }
0xb5: {  	s26 =	simm.s32 $0xA;
	_ =	strace $0x8000004E  }
0xb6: {  	_ =	swait.ge [sflag:s26], $0x1  }
0xb7: {  	[sflag:s26] =	ssyncadd.s32 $0xFFFFFFFF  }
0xb8: {  	_ =	strace $0x9000004E  }
0xb9: {  	_ =	sfence  }
0xba: {  	s28 =	sld [smem:$0x0];
	_ =	sdelay $0x1  }
0xbb: {  	s29 =	srdreg.scid  }
0xbc: {  	s30 =	sshll.u32 s29, $0xD;
	s31 =	sshrl.u32 s29, $0x2  }
0xbd: {  	s2 =	sand.u32 $0x4000, s30;
	s1 =	sand.u32 $0x1, s29;
	s0 =	sadd.s32 s31, s28  }
0xbe: {  	s1 =	sor.u32 s2, s1;
	s0 =	sshll.u32 s0, $0x11  }
0xbf: {  	s0 =	sor.u32 s0, s1  }
0xc0: {  	s0 =	sadd.s32 $0x8F2B, s0  }
0xc1: {  	[sflag:s0] =	ssyncadd.remote.s32 $0x1  }
0xc2: {  	_ =	sfence.sel $0xFFFF  }
0xc3: {  	[dreg:$0x0] =	wrdreg $0xFFFFFFFF;
	(pc) =	sbr.abs _section_cstart, $3  }
0xc4: {  	[dreg:$0x1] =	wrdreg $0xFFFFFFFF  }
0xc5: {  	_ =	task.clear_ibuf [dreg:s5], $0x2FFFF;
	_ =	strace $0x9FFFFFFF  }
0xc6: {  	(tm) =	ssettm $0x7FFFFFFF  }
0xc7: {  	_ =	shalt  }
tec
execute0_lowered:
.L_overlay_start_1:
0x0: {  	(tag) =	ssettag $0x1  }
0x1: {  	s1 =	rddreg [dreg:$0x0];
	s6 =	stileid.u32  }
0x2: {  	s0 =	rddreg [dreg:$0x1];
	_ =	strace $0x8000004D;
	s2 =	smin.u32 s6, $0x9  }
0x3: {  	s9 =	simm.s32 $0x1;
	p0 =	slt.u32 s6, $0x9;
	s2 =	sadd.s32 s6, s2  }
0x4: {  	v1 =	vimm.s32 $0xFFFFFFFF;
	[sflag:s9] =	ssyncpa.u1 $0x0;
	s3 =	smul.u32 $0x190, s2;
	s2 =	simm.s32 $0x320  }
0x5: {  	[tilespmem:$0x10] =	vst v1;
	s2 =	simm.s32 @!p0 $0x190  }
0x6: {  	v0 =	vimm.f32 $0.0e+00;
	[tilespmem:$0x20] =	vst v1;
	s2 =	sadd.s32 s2, s3  }
0x7: {  	[tilespmem:$0x30] =	vst v0;
	s4 =	smin.u32 s2, $0x2710  }
0x8: {  	[tilespmem:$0x40] =	vst v0;
	s2 =	ssub.s32 s4, s3  }
0x9: {  	[tilespmem:$0x50] =	vst v0;
	p0 =	sgt.s32 s2, $0x0  }
0xa: {  	[tilespmem:$0x60] =	vst v1;
	s2 =	simm.s32 @!p0 $0x0  }
0xb: {  	s7 =	simm.s32 $0x2;
	s8 =	simm.s32 $0x8;
	[tilespmem:$0x70] =	vst v1;
	s5 =	sand.u32 $0xFFF0, s2  }
0xc: {  	s31 =	simm.s32 $0x9;
	s16 =	simm.s32 $0x0;
	[tilespmem:$0x80] =	vst v1;
	s5 =	sshrl.u32 s5, $0x4  }
0xd: {  	s17 =	simm.s32 $0xF0;
	s18 =	simm.s32 $0xFFFFFFFF;
	v1 =	vimm.s32 $0x0;
	[tilespmem:$0xB0] =	vst v0;
	s5 =	smul.u32 $0xA3E, s5  }
0xe: {  	s19 =	simm.s32 $0xFFFFFDE0;
	s20 =	simm.s32 $0xFFFFFFFE;
	s21 =	simm.s32 $0xF;
	[tilespmem:$0x90] =	vst v1  }
0xf: {  	[tilespmem:$0xA0] =	vst v1;
	[sflag:s7] =	ssyncpa.u1 $0x0;
	s7 =	simm.s32 $0x7;
	s10 =	sshrl.u32 s5, $0x10  }
0x10: {  	s25 =	simm.s32 $0x0;
	[sflag:s7] =	ssyncpa.u1 $0x0;
	s11 =	smul.u32 $0x190, s10  }
0x11: {  	s24 =	simm.s32 $0x0;
	s14 =	sshllo.u32 s6, $0x1;
	[sflag:s8] =	ssyncpa.u1 $0x0  }
.Ltmp0:
0x12: {  	s23 =	smov.u32 s3;
	p0 =	sne.s32 s2, s11;
	(pc) =	sbr.rel .LBB2_1-.Ltmp0, $4  }
0x13: {  	s5 =	sadd.s32 $0xB200, s0;
	s0 =	sadd.s32 $0xB800, s0;
	s9 =	simm.s32 @!p0 $0x0  }
0x14: {  	[sflag:s31] =	ssyncpa.u1 $0x0;
	[dreg:$0x3] =	wrdreg s0;
	s9 =	sadd.s32 s10, s9  }
0x15: {  	vm0 =	vmmov $0xffff;
	v2 =	vlaneseq.u32;
	p0 =	por $0x0, $0x0;
	s10 =	sshll.u32 s6, $0x1;
	s11 =	sadd.s32 $0x1, s9  }
0x16: {  	vm1 =	vmxor vm1, vm1;
	vm2 =	vmmov $0x1;
	vm3 =	vcmask $0x3F3C;
	s12 =	sadd.s32 $0x2, s9;
	s13 =	sor.u32 $0x81, s10;
	s15 =	sor.u32 $0x80, s10  }
.LBB2_9:
0x17: {  	p1 =	slt.u32 s24, $0x3  }
0x18: {  	s0 =	simm.s32 @!p1 $0x2  }
0x19: {  	_ =	swait.ge @!p1 [sflag:s0], $0x190  }
0x1a: {  	[sflag:s0] =	ssyncset.done @!p1 $0x0  }
0x1b: {  	[sflag:s0] =	ssyncadd.s32 @!p1 $0xFFFFFE70;
	s0 =	simm.s32 @!p1 $0x9  }
0x1c: {  	_ =	swait.ge @!p1 [sflag:s0], $0x10  }
0x1d: {  	[sflag:s0] =	ssyncset.done @!p1 $0x0  }
0x1e: {  	[sflag:s0] =	ssyncadd.s32 @!p1 $0xFFFFFFF0;
	p1 =	sne.s32 s24, s12  }
.Ltmp1:
0x1f: {  	s2 =	sadd.s32 $0x190, s23;
	(pc) =	sbr.rel @!p1 .LBB2_10-.Ltmp1, $4  }
0x20: {  	s6 =	smov.u32 s3;
	s31 =	sadd.s32 $0x1, s24;
	s17 =	sadd.s32 $0x190, s17  }
0x21: {  	s18 =	sadd.s32 $0x1, s18;
	s25 =	smov.u32 s23;
	p2 =	slt.s32 s2, s4  }
0x22: {  	p0 =	por !p0, !p0;
	s19 =	sadd.s32 $0x190, s19;
	s6 =	smov.u32 @p2 s2  }
0x23: {  	s20 =	sadd.s32 $0x1, s20;
	s23 =	smov.u32 s6;
	s24 =	smov.u32 s31  }
.LBB2_1:
0x24: {  	p1 =	sge.u32 s24, s9  }
0x25: {  	s0 =	smulhi.u32 @!p1 $0xAAAAAAAB, s24;
	_ =	sdelay $0x1  }
0x26: {  	s0 =	sshrl.u32 @!p1 s0, $0x1  }
0x27: {  	s0 =	smul.u32 @!p1 $0x3, s0;
	_ =	sdelay $0x1  }
0x28: {  	s0 =	ssub.s32 @!p1 s24, s0  }
0x29: {  	s0 =	smul.u32 @!p1 $0x640, s0;
	_ =	sdelay $0x1  }
0x2a: {  	s2 =	sshrl.u32 @!p1 s23, $0x3;
	s0 =	sshrl.u32 @!p1 s0, $0x2  }
0x2b: {  	s22 =	sand.u32 @!p1 $0x7, s23;
	s2 =	sadd.s32 @!p1 s5, s2;
	s0 =	sadd.s32 @!p1 $0x100, s0  }
0x2c: {  	[tilespmem:s0], [sflag:$0x7] =	stream.linear.gather @!p1 [hbm4b:s2+s22], $0x190, $0x38;
	[tilespmem:$0xF30] =	vst v63  }
0x2d: {  	s0 =	sadd.s32 $0xFFFFFFFF, s24  }
0x2e: {  	p1 =	sge.u32 s0, s9  }
.Ltmp2:
0x2f: {  	_ = 	snop;
	(pc) =	sbr.rel @p1 .LBB2_5-.Ltmp2, $1  }
0x30: {  	_ =	sdelay $0x3  }
0x31: {  	s2 =	smulhi.u32 $0xAAAAAAAB, s0;
	_ =	sdelay $0x1  }
0x32: {  	s2 =	sshrl.u32 s2, $0x1  }
0x33: {  	s2 =	smul.u32 $0x3, s2;
	_ =	sdelay $0x1  }
0x34: {  	s2 =	ssub.s32 s0, s2  }
0x35: {  	s2 =	smul.u32 $0x640, s2  }
0x36: {  	_ =	swait.ge [sflag:s7], $0x190  }
0x37: {  	[sflag:s7] =	ssyncset.done $0x0;
	s2 =	sshrl.u32 s2, $0x2  }
0x38: {  	[sflag:s7] =	ssyncadd.s32 $0xFFFFFE70;
	(ifvalue) =	ssetifvalue $0xFFFFFFFF;
	v3 =	vld.msk [tilespmem:s2+$0x100 ss:$0x1], $0xffff;
	_ =	sdelay $0x2  }
0x39: {  	s30 =	smulhi.u32 $0xAAAAAAAB, s18;
	p1 =	sne.s32 s24, $0x1  }
0x3a: {  	v4 =	vimm.s32 @!p1 $0x0  }
0x3b: {  	s2 =	sshrl.u32 s30, $0x1;
	v4 =	vperm.xlane @!p1 v3, v4  }
0x3c: {  	s22 =	sshll.u32 s24, $0x4;
	s2 =	smul.u32 $0xFFFFED40, s2;
	vm4 =	vlt.u32 v3, $0x80  }
0x3d: {  	s22 =	sand.u32 $0x10, s22;
	v3 =	vnsel vm4, $0xFFFFFFFE, v3;
	vm4 =	vlt.u32 @!p1 v4, $0x80  }
0x3e: {  	s2 =	sshra.s32 s2, $0x2;
	[tilespmem:s22+$0x60] =	vst v3;
	v3 =	vnsel @!p1 vm4, $0xFFFFFFFE, v4  }
0x3f: {  	s28 =	sadd.s32 s2, s17;
	[tilespmem:$0x80] =	vst @!p1 v3  }
0x40: {  	v3 =	vld.msk [tilespmem:s28+$0x0 ss:$0x1], $0xffff;
	_ =	sdelay $0x4  }
0x41: {  	(xrf1) =	vunique.msk.u32 $0xffff, v3;
	_ =	sdelay $0xd  }
0x42: {  	v4 =	vimm.s32 $0xFFFFFFFF;
	v5, _, _ =	vpop (xrf1)  }
0x43: {  	vm5 =	vne.s32 v3, v4;
	vm4 =	veq.s32 v5, v2  }
0x44: {  	vm6 =	vlt.u32 v3, $0x80;
	vm4 =	vmand vm5, vm4  }
0x45: {  	vm4 =	vmand vm6, vm4  }
0x46: {  	v4 =	vnsel vm4, $0xFFFFFFFF, v3  }
0x47: {  	s31 =	sand.u32 $0x1, s0  }
0x48: {  	s0 =	simm.s32 $0x190;
	p1 =	seq.s32 s31, $0x1  }
0x49: {  	s0 =	simm.s32 @!p1 $0x0  }
0x4a: {  	s26 =	sadd.s32 $0x730, s0;
	(ifvalue) =	ssetifvalue $0xFFFFFFFF  }
0x4b: {  	v3 =	vperm.xlane v3, v1;
	[tilespmem:s26], [sflag:$0x8] =	stream.indirect_vreg.gather [hbm4b:s1+s16], $0x1, v4, vm0, $0x4038;
	v4 =	vnsel vm6, $0xFFFFFFFE, v4;
	[tilespmem:$0xF30] =	vst v63  }
0x4c: {  	s2 =	simm.s32 $0x0;
	s22 =	sadd.s32 $0xFFFFFFF0, s28;
	[tilespmem:s28+$0x0] =	vst v4  }
.LBB2_3:
0x4d: {  	v4 =	vld.msk [tilespmem:s22+$0x0 ss:$0x1], $0xffff;
	s2 =	sadd.s32 $0x10, s2;
	v5 =	vmov v3;
	s28 =	smov.u32 s22  }
0x4e: {  	p1 =	slt.u32 s2, $0x180;
	_ =	sdelay $0x4  }
0x4f: {  	v3 =	vperm.xlane v4, v1;
	(xrf1) =	vunique.msk.u32 $0xffff, v4;
	_ =	sdelay $0xd  }
0x50: {  	v6, _, _ =	vpop (xrf1)  }
0x51: {  	vm5 =	vne.s32 v4, v5;
	vm4 =	veq.s32 v6, v2  }
0x52: {  	vm6 =	vlt.u32 v4, $0x80;
	vm4 =	vmand vm5, vm4  }
0x53: {  	vm4 =	vmand vm6, vm4  }
0x54: {  	v4 =	vnsel vm4, $0xFFFFFFFF, v4  }
.Ltmp3:
0x55: {  	v5 =	vnsel vm6, $0xFFFFFFFE, v4;
	(pc) =	sbr.rel @p1 .LBB2_3-.Ltmp3, $3  }
0x56: {  	_ =	sdelay $0x1  }
0x57: {  	s22 =	sadd.s32 $0xFFFFFFF0, s22;
	s26 =	sadd.s32 $0xFFFFFFF0, s26;
	(ifvalue) =	ssetifvalue $0xFFFFFFFF  }
0x58: {  	[tilespmem:s26], [sflag:$0x8] =	stream.indirect_vreg.gather [hbm4b:s1+s16], $0x1, v4, vm0, $0x4038;
	[tilespmem:s28+$0x0] =	vst v5  }
0x59: {  	s2 =	sshrl.u32 s25, $0x3;
	s6 =	rddreg [dreg:$0x3]  }
0x5a: {  	s0 =	sadd.s32 $0x8D0, s0;
	s2 =	sadd.s32 s6, s2  }
0x5b: {  	[tilespmem:s0], [sflag:$0x8] =	stream.linear.gather [hbm:s2], $0x190, $0x38;
	[tilespmem:$0xF30] =	vst v63  }
.LBB2_5:
0x5c: {  	p1 =	slt.u32 s24, $0x2  }
0x5d: {  	p2 =	sge.u32 @!p1 s24, s12  }
0x5e: {  	p1 =	por p1, p2  }
.Ltmp4:
0x5f: {  	_ = 	snop;
	(pc) =	sbr.rel @p1 .LBB2_9-.Ltmp4, $1  }
0x60: {  	_ =	sdelay $0x3  }
0x61: {  	s0 =	sadd.s32 $0xFFFFFFFE, s24  }
0x62: {  	s2 =	smulhi.u32 $0xAAAAAAAB, s0;
	_ =	sdelay $0x1  }
0x63: {  	s2 =	sshrl.u32 s2, $0x1  }
0x64: {  	s2 =	smul.u32 $0x3, s2;
	_ =	sdelay $0x1  }
0x65: {  	s0 =	ssub.s32 s0, s2  }
0x66: {  	_ =	swait.ge [sflag:s8], $0x320;
	s0 =	smul.u32 $0x190, s0  }
0x67: {  	p1 =	sne.s32 s24, s11;
	[sflag:s8] =	ssyncset.done $0x0  }
0x68: {  	[sflag:s8] =	ssyncadd.s32 $0xFFFFFCE0;
	s2 =	sadd.s32 @!p1 $0x28F, s0  }
0x69: {  	[spmem:s13] =	stream.linear.scatter @!p1 [tilespmem:s2], [sflag:$0x1], $0x1, $0x38;
	[tilespmem:$0xF30] =	vst v63  }
0x6a: {  	s2 =	simm.s32 @!p1 $0x1  }
0x6b: {  	_ =	swait.ge @!p1 [sflag:s2], $0x1  }
0x6c: {  	s22 =	sshll.u32 s24, $0x4;
	[sflag:s2] =	ssyncset.done @!p1 $0x0  }
0x6d: {  	s25 =	sand.u32 $0x10, s22;
	[sflag:s2] =	ssyncadd.s32 @!p1 $0xFFFFFFFF  }
0x6e: {  	s2 =	sxor.u32 $0x10, s25;
	v4 =	vld [tilespmem:s25+$0x10]  }
0x6f: {  	v5 =	vld [tilespmem:s2+$0x60]  }
0x70: {  	v3 =	vld [tilespmem:$0x80];
	_ =	sdelay $0x2  }
0x71: {  	(v2sf) =	vpush v4, $0x0  }
0x72: {  	(v2sf) =	vpush v5, $0x0  }
0x73: {  	(v2sf) =	vpush v3, $0x0;
	_ =	sdelay $0xc  }
0x74: {  	s6 =	spop (v2sf)  }
0x75: {  	s28 =	spop (v2sf)  }
0x76: {  	s26 =	spop (v2sf)  }
0x77: {  	p2 =	seq.s32 s6, s28;
	p3 =	seq.s32 s26, s6  }
0x78: {  	p3 =	por p2, p3  }
0x79: {  	s6 =	sand.u32 $0x1, s24;
	v4 =	vpsel p3, $0xFFFFFFFF, v4  }
0x7a: {  	s28 =	smul.u32 $0x190, s6;
	[tilespmem:s25+$0x10] =	vst.msk $0x1, v4  }
0x7b: {  	v4 =	vld [tilespmem:$0x30]  }
0x7c: {  	v5 =	vld [tilespmem:s28+$0x8D0]  }
0x7d: {  	v6 =	vld [tilespmem:s25+$0x40];
	_ =	sdelay $0x3  }
0x7e: {  	vm4 =	vmmov vm1;
	v5 =	vadd.f32 v5, v4  }
0x7f: {  	vm5 =	vmmov vm2;
	vm4 =	vmmov @p2 vm2;
	v4 =	vadd.f32 v6, v4  }
0x80: {  	s22 =	sshll.u32 s6, $0x4;
	vm5 =	vmmov @p3 vm1;
	[tilespmem:s28+$0x8D0] =	vst.msk vm4, v5  }
0x81: {  	[tilespmem:s22+$0xF10] =	vst.msk vm5, v4  }
0x82: {  	v4 =	vld [tilespmem:s28+$0x730];
	_ =	sdelay $0x3  }
0x83: {  	v5 =	vimm.f32 $0.0e+00  }
0x84: {  	v4 =	vshift.insert v4, v5, s21  }
0x85: {  	s29 =	sor.u32 $0x40, s2  }
0x86: {  	[tilespmem:s29+$0x0] =	vst.msk $0x1, v4  }
0x87: {  	[tilespmem:s28+$0x73F] =	vst.msk $0x1, v5  }
0x88: {  	v4 =	vld [tilespmem:s0+$0x280];
	_ =	sdelay $0x1  }
0x89: {  	s29 =	smulhi.u32 $0xAAAAAAAB, s20;
	s0 =	simm.s32 $0x1  }
0x8a: {  	s0 =	simm.s32 @!p0 $0x0  }
0x8b: {  	s29 =	sshrl.u32 s29, $0x1;
	s0 =	smul.u32 $0x640, s0  }
0x8c: {  	s29 =	smul.u32 $0xFFFFED40, s29;
	v4 =	vshift.insert v4, v1, s21  }
0x8d: {  	s0 =	sshrl.u32 s0, $0x2  }
0x8e: {  	s29 =	sshra.s32 s29, $0x2;
	s30 =	sadd.s32 $0x8D0, s0;
	[tilespmem:s2+$0x10] =	vst.msk $0x1, v4  }
0x8f: {  	s6 =	sadd.s32 s29, s19;
	v6 =	vld [tilespmem:s30+$0x0]  }
0x90: {  	v7 =	vld [tilespmem:s6+$0x0];
	_ =	sdelay $0x3  }
0x91: {  	v5 =	vadd.f32 v6, v5  }
0x92: {  	vm4 =	vne.s32 v7, $0xFFFFFFFF  }
0x93: {  	(xrf2) =	vadd.seg.scan.f32 vm4, v5;
	_ =	sdelay $0x3  }
0x94: {  	s31 =	sadd.s32 $0x5B0, s0;
	v5 =	vperm.xlane v4, v1  }
0x95: {  	v6 =	vld [tilespmem:s31+$0x0]  }
0x96: {  	vm5 =	veq.s32 v7, v3;
	vm6 =	veq.s32 v7, v5  }
0x97: {  	vm7 =	vgt.u32 v7, $0xFFFFFFFD;
	vm6 =	vmor vm6, vm5  }
0x98: {  	vm6 =	vmor vm6, vm7  }
0x99: {  	v9 =	vld [tilespmem:$0xA0];
	v7 =	vsel vm6, $0xFFFFFFFF, v7  }
0x9a: {  	v10 =	vld [tilespmem:$0x90];
	v6 =	vsel vm5, $0x0, v6;
	v8, _, _ =	vpop (xrf2)  }
0x9b: {  	v6 =	vadd.f32 v8, v6  }
0x9c: {  	s0 =	sadd.s32 $0xBF0, s0  }
0x9d: {  	vm4 =	vmand vm4, vm3;
	[tilespmem:s0+$0x0] =	vst v6;
	(ifvalue) =	ssetifvalue $0xFFFFFFFF  }
0x9e: {  	vm6 =	veq.s32 v9, $0x1;
	[hbm4b:s1+s16] =	stream.indirect_vreg.scatter [tilespmem:s0], [sflag:$0x2], $0x1, v7, vm0, $0x4038;
	v7 =	vsel vm4, $0x0, v8;
	[tilespmem:$0xF30] =	vst v63  }
0x9f: {  	s29 =	sadd.s32 $0xF10, s22;
	s22 =	sadd.s32 $0x10, s6;
	s2 =	simm.s32 $0x0;
	vm4 =	vmor vm6, vm5;
	v6 =	vsel vm5, v8, v10;
	v7 =	vshift.insert v7, v0, s21  }
.LBB2_7:
0xa0: {  	v8 =	vld [tilespmem:s22+$0x0];
	s30 =	sadd.s32 $0x10, s30  }
0xa1: {  	s31 =	sadd.s32 $0x10, s31;
	v9 =	vld [tilespmem:s30+$0x0]  }
0xa2: {  	s2 =	sadd.s32 $0x10, s2;
	v10 =	vld [tilespmem:s31+$0x0]  }
0xa3: {  	p2 =	slt.u32 s2, $0x180;
	_ =	sdelay $0x2  }
0xa4: {  	v7 =	vadd.f32 v9, v7  }
0xa5: {  	vm5 =	vne.s32 v8, $0xFFFFFFFF  }
0xa6: {  	vm6 =	vmand vm5, vm3;
	(xrf2) =	vadd.seg.scan.f32 vm5, v7;
	_ =	sdelay $0x5  }
0xa7: {  	vm7 =	veq.s32 v8, v5;
	vm5 =	veq.s32 v8, v3  }
0xa8: {  	vm8 =	vgt.u32 v8, $0xFFFFFFFD;
	vm4 =	vmor vm4, vm5;
	vm7 =	vmor vm7, vm5  }
0xa9: {  	vm7 =	vmor vm7, vm8  }
0xaa: {  	v8 =	vsel vm7, $0xFFFFFFFF, v8  }
.Ltmp5:
0xab: {  	v7 =	vsel vm5, $0x0, v10;
	v9, _, _ =	vpop (xrf2);
	(pc) =	sbr.rel @p2 .LBB2_7-.Ltmp5, $4  }
0xac: {  	v6 =	vsel vm5, v9, v6;
	v10 =	vadd.f32 v9, v7;
	v7 =	vsel vm6, $0x0, v9  }
0xad: {  	s0 =	sadd.s32 $0x10, s0;
	v7 =	vshift.insert v7, v0, s21  }
0xae: {  	s22 =	sadd.s32 $0x10, s22;
	[tilespmem:s0+$0x0] =	vst v10;
	(ifvalue) =	ssetifvalue $0xFFFFFFFF  }
0xaf: {  	[hbm4b:s1+s16] =	stream.indirect_vreg.scatter [tilespmem:s0], [sflag:$0x2], $0x1, v8, vm0, $0x4038;
	[tilespmem:$0xF30] =	vst v63  }
0xb0: {  	v3 =	vld [tilespmem:s28+$0xD70];
	_ =	sdelay $0x4  }
0xb1: {  	v3 =	vshift.insert v3, v0, s21  }
0xb2: {  	s0 =	simm.s32 $0x30  }
0xb3: {  	[tilespmem:s0+$0x0] =	vst.msk $0x1, v3  }
0xb4: {  	v3 =	vsel vm4, $0x1, v1;
	[tilespmem:$0x90] =	vst v6  }
0xb5: {  	s0 =	sadd.s32 @!p1 $0xD7F, s28;
	[tilespmem:$0xA0] =	vst v3  }
0xb6: {  	[spmem:s14] =	stream.linear.scatter @!p1 [tilespmem:s0], [sflag:$0x1], $0x1, $0x38;
	[tilespmem:$0xF30] =	vst v63  }
0xb7: {  	s0 =	simm.s32 @!p1 $0x1  }
0xb8: {  	v3 =	vmctz.xlane @!p1 vm4;
	_ =	swait.ge @!p1 [sflag:s0], $0x1  }
0xb9: {  	(v2sf) =	vpush @!p1 v4, $0x0  }
0xba: {  	(v2sf) =	vpush @!p1 v3, $0x0;
	_ =	sdelay $0xd  }
0xbb: {  	s2 =	spop @!p1 (v2sf)  }
0xbc: {  	s6 =	spop @!p1 (v2sf)  }
0xbd: {  	p2 =	sne.s32 @!p1 s26, s2;
	p3 =	slt.s32 @!p1 s6, $0xF  }
0xbe: {  	[sflag:s0] =	ssyncset.done @!p1 $0x0;
	p2 =	por p2, p1;
	p3 =	por !p3, p1  }
0xbf: {  	[sflag:s0] =	ssyncadd.s32 @!p1 $0xFFFFFFFF;
	v3 =	vimm.s32 @!p2 $0xFFFFFFFF;
	s6 =	simm.s32 @p3 $0xF  }
0xc0: {  	[tilespmem:$0x80] =	vst @!p2 v3;
	s2 =	sadd.s32 @!p1 $0x90, s6  }
0xc1: {  	[spmem:s10] =	stream.linear.scatter @!p1 [tilespmem:s2], [sflag:$0x1], $0x1, $0x38;
	[tilespmem:$0xF30] =	vst v63  }
0xc2: {  	_ =	swait.ge @!p1 [sflag:s0], $0x1  }
0xc3: {  	[sflag:s0] =	ssyncset.done @!p1 $0x0  }
0xc4: {  	s2 =	simm.s32 @!p1 $0x80;
	[sflag:s0] =	ssyncadd.s32 @!p1 $0xFFFFFFFF  }
0xc5: {  	[spmem:s15] =	stream.linear.scatter @!p1 [tilespmem:s2], [sflag:$0x1], $0x1, $0x38;
	[tilespmem:$0xF30] =	vst v63  }
0xc6: {  	_ =	swait.ge @!p1 [sflag:s0], $0x1  }
0xc7: {  	[sflag:s0] =	ssyncset.done @!p1 $0x0  }
0xc8: {  	[sflag:s0] =	ssyncadd.s32 @!p1 $0xFFFFFFFF;
	(ifvalue) =	ssetifvalue $0xFFFFFFFF;
	v3 =	vld [tilespmem:s25+$0x10];
	_ =	sdelay $0x3  }
.Ltmp6:
0xc9: {  	_ = 	snop;
	(pc) =	sbr.rel .LBB2_9-.Ltmp6, $3  }
0xca: {  	_ =	sdelay $0x1  }
0xcb: {  	(ifvalue) =	ssetifvalue $0xFFFFFFFF  }
0xcc: {  	[hbm4b:s1+s16] =	stream.indirect_vreg.scatter [tilespmem:s29], [sflag:$0x9], $0x1, v3, vm0, $0x4038;
	[tilespmem:$0xF30] =	vst v63  }
.LBB2_10:
0xcd: {  	_ =	sfence.sel $0x180000  }
0xce: {  	s0 =	simm.s32 $0x7;
	[bflag:$0x0] =	sbarrier.arrive $0xFFFF  }
0xcf: {  	s26 =	simm.s32 $0x8;
	[sflag:s0] =	ssyncpa.u1 $0x1  }
0xd0: {  	s28 =	simm.s32 $0x9;
	[sflag:s26] =	ssyncpa.u1 $0x1  }
0xd1: {  	[sflag:s28] =	ssyncpa.u1 $0x1  }
0xd2: {  	_ =	sfence.stream.spmem  }
0xd3: {  	s29 =	simm.s32 $0x3;
	[bflag:$0x0] =	sbarrier.arrive $0xFFFF  }
0xd4: {  	s30 =	simm.s32 $0x4;
	[sflag:s29] =	ssyncpa.u1 $0x1  }
0xd5: {  	s31 =	simm.s32 $0x3C;
	s2 =	stileid.u32;
	[sflag:s30] =	ssyncpa.u1 $0x1  }
0xd6: {  	p0 =	sne.s32 s2, $0x0;
	[sflag:s31] =	ssyncpa.u1 $0x1  }
0xd7: {  	s0 =	simm.s32 @p0 $0x1;
	_ =	sfence @p0  }
0xd8: {  	[sflag:s0] =	ssyncpa.u1 @p0 $0x1;
	s0 =	simm.s32 @p0 $0x2  }
0xd9: {  	[sflag:s0] =	ssyncpa.u1 @p0 $0x1  }
0xda: {  	_ =	strace @p0 $0x9000004D  }
0xdb: {  	[bflag:$0x2] =	sbarrier.arrive @p0 $0xFFFF  }
0xdc: {  	_ =	shalt @p0  }
.LBB2_11:
0xdd: {  	_ =	sfence.stream.spmem;
	s0 =	simm.s32 $0x5  }
0xde: {  	s2 =	simm.s32 $0x80;
	s3 =	simm.s32 $0xC0;
	[sflag:s0] =	ssyncpa.u1 $0x0  }
0xdf: {  	[tilespmem:s3], [sflag:$0x5] =	stream.linear.gather [spmem:s2], $0x20, $0x38;
	[tilespmem:$0xF30] =	vst v63  }
0xe0: {  	s2 =	simm.s32 $0x0;
	s3 =	simm.s32 $0xE0  }
0xe1: {  	[tilespmem:s3], [sflag:$0x5] =	stream.linear.gather [spmem:s2], $0x20, $0x38;
	[tilespmem:$0xF30] =	vst v63  }
.Ltmp7:
0xe2: {  	_ = 	snop;
	(pc) =	sbr.rel .LBB2_12-.Ltmp7, $4  }
0xe3: {  	_ =	swait.ge [sflag:s0], $0x40  }
0xe4: {  	[sflag:s0] =	ssyncset.done $0x0  }
0xe5: {  	s31 =	simm.s32 $0x6;
	[sflag:s0] =	ssyncadd.s32 $0xFFFFFFC0  }
0xe6: {  	s4 =	simm.s32 $0x0;
	[sflag:s31] =	ssyncpa.u1 $0x0  }
.LBB2_17:
0xe7: {  	p0 =	sgt.u32 s5, $0x7F  }
0xe8: {  	s0 =	sshrl.u32 @!p0 s5, $0x3  }
0xe9: {  	s5 =	sand.u32 @!p0 $0x7, s5;
	s6 =	simm.s32 @!p0 $0xB0;
	s0 =	sadd.s32 @!p0 s1, s0  }
0xea: {  	[tilespmem:s6], [sflag:$0x6] =	stream.linear.gather @!p0 [hbm4b:s0+s5], $0x1, $0x38;
	[tilespmem:$0xF30] =	vst v63  }
0xeb: {  	s0 =	simm.s32 @!p0 $0x6  }
0xec: {  	_ =	swait.ge @!p0 [sflag:s0], $0x1  }
0xed: {  	[sflag:s0] =	ssyncset.done @!p0 $0x0  }
0xee: {  	[sflag:s0] =	ssyncadd.s32 @!p0 $0xFFFFFFFF  }
0xef: {  	v2 =	vmov @!p0 s4;
	v1 =	vld.msk @!p0 [tilespmem:$0xB0], $0x1;
	_ =	sdelay $0x3  }
0xf0: {  	s0 =	simm.s32 @!p0 $0xE0  }
0xf1: {  	[tilespmem:v2+s0+$0x0], v1 =	vst.idx.ret.add.f32.msk @!p0 $0x1, v1  }
0xf2: {  	[tilespmem:s2+$0xC0] =	vst.msk $0x1, v0  }
0xf3: {  	v0 =	vld.msk [tilespmem:s4+$0xE0], $0x1;
	_ =	sdelay $0x4  }
0xf4: {  	[tilespmem:s2+$0xE0] =	vst.msk $0x1, v0;
	s2 =	sadd.s32 $0x1, s2  }
.LBB2_19:
0xf5: {  	s4 =	sadd.s32 $0x1, s4  }
0xf6: {  	p0 =	sne.s32 s4, $0x20  }
.Ltmp8:
0xf7: {  	_ = 	snop;
	(pc) =	sbr.rel @!p0 .LBB2_20-.Ltmp8, $1  }
0xf8: {  	_ =	sdelay $0x3  }
.LBB2_12:
0xf9: {  	v0 =	vld.msk [tilespmem:s4+$0xC0], $0x1;
	_ =	sdelay $0x4  }
0xfa: {  	(v2sf) =	vpush v0, $0x0;
	_ =	sdelay $0xe  }
0xfb: {  	s5 =	spop (v2sf)  }
0xfc: {  	p0 =	seq.s32 s5, $0xFFFFFFFF  }
.Ltmp9:
0xfd: {  	_ = 	snop;
	(pc) =	sbr.rel @p0 .LBB2_19-.Ltmp9, $1  }
0xfe: {  	_ =	sdelay $0x3  }
0xff: {  	p0 =	slt.s32 s2, $0x1  }
.Ltmp10:
0x100: {  	_ = 	snop;
	(pc) =	sbr.rel @p0 .LBB2_17-.Ltmp10, $1  }
0x101: {  	_ =	sdelay $0x3  }
0x102: {  	s0 =	simm.s32 $0xC0;
	p0 =	por $0x0, $0x0  }
0x103: {  	v1 =	vld.msk @!p0 [tilespmem:s0+$0x0], $0x1;
	_ =	sdelay $0x4  }
0x104: {  	(v2sf) =	vpush @!p0 v1, $0x0;
	_ =	sdelay $0xd  }
0x105: {  	p2 =	sne.s32 s2, $0x1  }
.Ltmp11:
0x106: {  	s6 =	spop @!p0 (v2sf);
	(pc) =	sbr.rel @!p2 .LBB2_16-.Ltmp11, $4  }
0x107: {  	p1 =	seq.s32 @!p0 s5, s6  }
0x108: {  	s6 =	simm.s32 $0x0;
	p1 =	por !p1, p0  }
0x109: {  	s8 =	simm.s32 $0xFFFFFFFF;
	s6 =	simm.s32 @p1 $0xFFFFFFFF  }
0x10a: {  	s7 =	simm.s32 $0x1;
	s6 =	smov.u32 @p0 s8  }
.LBB2_15:
0x10b: {  	s8 =	smov.u32 s6;
	p0 =	sne.s32 s6, $0xFFFFFFFF  }
0x10c: {  	s0 =	sadd.s32 $0x1, s0;
	s6 =	smov.u32 s7;
	s7 =	sadd.s32 $0x1, s7  }
0x10d: {  	p1 =	sne.s32 s2, s7;
	v1 =	vld.msk @!p0 [tilespmem:s0+$0x0], $0x1;
	_ =	sdelay $0x4  }
0x10e: {  	(v2sf) =	vpush @!p0 v1, $0x0;
	_ =	sdelay $0xe  }
.Ltmp12:
0x10f: {  	s9 =	spop @!p0 (v2sf);
	(pc) =	sbr.rel @p1 .LBB2_15-.Ltmp12, $4  }
0x110: {  	p2 =	seq.s32 @!p0 s5, s9  }
0x111: {  	p2 =	por !p2, p0  }
0x112: {  	s6 =	simm.s32 @p2 $0xFFFFFFFF  }
0x113: {  	s6 =	smov.u32 @p0 s8  }
.LBB2_16:
0x114: {  	p0 =	sne.s32 s6, $0xFFFFFFFF  }
.Ltmp13:
0x115: {  	_ = 	snop;
	(pc) =	sbr.rel @!p0 .LBB2_17-.Ltmp13, $1  }
0x116: {  	_ =	sdelay $0x3  }
0x117: {  	v0 =	vld.msk [tilespmem:s4+$0xE0], $0x1;
	v1 =	vmov s6  }
.Ltmp14:
0x118: {  	_ = 	snop;
	(pc) =	sbr.rel .LBB2_19-.Ltmp14, $2  }
0x119: {  	_ =	sdelay $0x2  }
0x11a: {  	[tilespmem:v1+s3+$0x0], v0 =	vst.idx.ret.add.f32.msk $0x1, v0  }
.LBB2_20:
0x11b: {  	p0 =	slt.s32 s2, $0x1  }
.Ltmp15:
0x11c: {  	_ = 	snop;
	(pc) =	sbr.rel @p0 .LBB2_24-.Ltmp15, $3  }
0x11d: {  	_ =	sdelay $0x1  }
0x11e: {  	s0 =	simm.s32 $0x6  }
0x11f: {  	s3 =	simm.s32 $0x0;
	[sflag:s0] =	ssyncpa.u1 $0x1  }
0x120: {  	s0 =	simm.s32 $0xC0  }
0x121: {  	v0 =	vld.msk [tilespmem:s0+$0x0], $0x1;
	_ =	sdelay $0x4  }
0x122: {  	(v2sf) =	vpush v0, $0x0;
	_ =	sdelay $0xe  }
0x123: {  	s2 =	sadd.s32 $0xFFFFFFFF, s2;
	s4 =	spop (v2sf)  }
0x124: {  	p1 =	sne.s32 s2, $0x0;
	p0 =	sgt.u32 s4, $0x7F  }
.Ltmp16:
0x125: {  	s5 =	sshrl.u32 @!p0 s4, $0x3;
	(pc) =	sbr.rel @!p1 .LBB2_23-.Ltmp16, $4  }
0x126: {  	s0 =	simm.s32 $0xE0;
	s4 =	sand.u32 @!p0 $0x7, s4;
	s5 =	sadd.s32 @!p0 s1, s5  }
0x127: {  	[hbm4b:s5+s4] =	stream.linear.scatter @!p0 [tilespmem:s0], [sflag:$0x5], $0x1, $0x38;
	[tilespmem:$0xF30] =	vst v63  }
0x128: {  	s5 =	simm.s32 $0x0  }
0x129: {  	s4 =	simm.s32 $0xC1;
	s5 =	simm.s32 @!p0 $0x4  }
.LBB2_22:
0x12a: {  	v0 =	vld.msk [tilespmem:s4+$0x0], $0x1;
	s2 =	sadd.s32 $0xFFFFFFFF, s2;
	s3 =	sadd.s32 s3, s5  }
0x12b: {  	p0 =	sne.s32 s2, $0x0;
	_ =	sdelay $0x3  }
0x12c: {  	(v2sf) =	vpush v0, $0x0;
	_ =	sdelay $0xe  }
.Ltmp17:
0x12d: {  	s6 =	spop (v2sf);
	(pc) =	sbr.rel @p0 .LBB2_22-.Ltmp17, $4  }
0x12e: {  	s5 =	simm.s32 $0x0;
	p1 =	sgt.u32 s6, $0x7F  }
0x12f: {  	s0 =	sadd.s32 $0x1, s0;
	s5 =	simm.s32 @!p1 $0x4;
	s7 =	sshrl.u32 @!p1 s6, $0x3  }
0x130: {  	s4 =	sadd.s32 $0x1, s4;
	s6 =	sand.u32 @!p1 $0x7, s6;
	s7 =	sadd.s32 @!p1 s1, s7  }
0x131: {  	[hbm4b:s7+s6] =	stream.linear.scatter @!p1 [tilespmem:s0], [sflag:$0x5], $0x1, $0x38;
	[tilespmem:$0xF30] =	vst v63  }
.LBB2_23:
0x132: {  	s0 =	sadd.s32 s3, s5  }
0x133: {  	s3 =	sshrl.u32 s0, $0x2  }
.LBB2_24:
0x134: {  	s0 =	simm.s32 $0x5  }
0x135: {  	_ =	swait.ge [sflag:s0], s3  }
0x136: {  	s1 =	ssub.s32 $0x0, s3;
	[sflag:s0] =	ssyncset.done $0x0  }
0x137: {  	[sflag:s0] =	ssyncadd.s32 s1  }
0x138: {  	[sflag:s0] =	ssyncpa.u1 $0x1  }
0x139: {  	s29 =	simm.s32 $0x1;
	_ =	sfence  }
0x13a: {  	s30 =	simm.s32 $0x2;
	[sflag:s29] =	ssyncpa.u1 $0x1  }
0x13b: {  	[sflag:s30] =	ssyncpa.u1 $0x1  }
0x13c: {  	_ =	strace $0x9000004D  }
0x13d: {  	[bflag:$0x2] =	sbarrier.arrive $0xFFFF  }
0x13e: {  	s31 =	rddreg [dreg:$0x2]  }
0x13f: {  	s0 =	sadd.s32 $0x100000, s31  }
0x140: {  	[sflag:s0] =	ssyncadd.tile.s32 $0x1;
	_ =	shalt  }
.Lfunc_end2:
_tile_overlayer_lowered:
.L_overlay_start_2:
0x141: {  	(tag) =	ssettag $0x2  }
0x142: {  	s0 =	rddreg [dreg:$0x0];
	s2 =	stileid.u32  }
0x143: {  	s1 =	rddreg [dreg:$0x1];
	p0 =	sne.s32 s2, $0x0  }
0x144: {  	s3 =	rddreg [dreg:$0x2];
	[bflag:$0x3] =	sbarrier.arrive $0xFFFF;
	s2 =	simm.s32 @!p0 $0x1C01  }
0x145: {  	[timem:s3], [sflag:s2] =	dma.local @!p0 [hbm:s0], s1  }
0x146: {  	s0 =	simm.s32 @!p0 $0x1  }
0x147: {  	_ =	swait.ge @!p0 [sflag:s0], s1  }
0x148: {  	s1 =	ssub.s32 @!p0 $0x0, s1;
	[sflag:s0] =	ssyncset.done @!p0 $0x0  }
0x149: {  	[sflag:s0] =	ssyncadd.s32 @!p0 s1  }
0x14a: {  	[bflag:$0x3] =	sbarrier.arrive $0xFFFF  }
0x14b: {  	_ =	shalt  }

// kernel: scatter_offload_async_start
scs
__scs_entry_jumppad:
0x0: {  	(pc) =	sbr.rel $0x88, $3  }
0x1: {  	(tag) =	ssettag $0x0;
	lr =	simm.s32 $0x1  }
0x2: {  	[smem:$0x3F83] =	sst lr;
	_ =	strace $0xD0000000  }
0x3: {  	_ = 	snop  }
0x4: {  	_ = 	snop  }
0x5: {  	_ = 	snop  }
0x6: {  	_ = 	snop  }
0x7: {  	_ = 	snop  }
__scs_overlays_trampoline_lowered:
0x8: {  	[smem:$0x3F92] =	sst s0  }
0x9: {  	[smem:$0x3F93] =	sst s1  }
0xa: {  	[smem:$0x3F94] =	sst s2  }
0xb: {  	[smem:$0x3F95] =	sst s3  }
0xc: {  	[smem:$0x3F96] =	sst s4  }
0xd: {  	[smem:$0x3F97] =	sst s5  }
0xe: {  	[smem:$0x3F98] =	sst s6  }
0xf: {  	[smem:$0x3F99] =	sst s7  }
0x10: {  	[smem:$0x3F9A] =	sst s8  }
0x11: {  	[smem:$0x3F9B] =	sst s9;
	s0 =	simm.s32 @!p0 $0x0  }
0x12: {  	s1 =	sld [smem:$0x3F81];
	s0 =	simm.s32 @p0 $0x1  }
0x13: {  	[smem:$0x3F9C] =	sst s0;
	s0 =	simm.s32 @!p1 $0x0  }
0x14: {  	s2 =	sld [smem:$0x3F80];
	s0 =	simm.s32 @p1 $0x1  }
0x15: {  	[smem:$0x3F9D] =	sst s0;
	s0 =	simm.s32 @!p2 $0x0  }
0x16: {  	s3 =	sld [smem:$0x3FDB];
	s0 =	simm.s32 @p2 $0x1  }
0x17: {  	s4 =	simm.s32 $0x1BF5;
	[smem:$0x3F9F] =	sst s0  }
0x18: {  	s0 =	sld [smem:$0x3F82];
	_ =	swait.ge [sflag:s4], $0x0  }
0x19: {  	s7 =	sld [smem:$0x3F83]  }
0x1a: {  	s8 =	sadd.s32 $0xFFFFE003, lr  }
0x1b: {  	s9 =	sadd.s32 $0xFFFFFEF7, lr;
	s5 =	simm.s32 $0xFFFFFFFF;
	p2 =	slt.u32 s8, $0xFFFFF086  }
0x1c: {  	p1 =	slt.u32 s9, $0xF7A;
	s5 =	simm.s32 @!p2 $0x0  }
0x1d: {  	s5 =	simm.s32 @p1 $0x1;
	p0 =	seq.s32 s7, s2  }
0x1e: {  	s7 =	smul.u32 @!p0 $0xF7A, s2;
	p2 =	seq.s32 @!p0 s5, $0x0  }
0x1f: {  	s9 =	smul.u32 $0xF7A, s1;
	s8 =	simm.s32 @!p0 $0x1BF5;
	p2 =	por !p2, p0  }
0x20: {  	[sflag:s8] =	ssyncset.s32 @!p0 $0xFFFFF086;
	s6 =	sadd.s32 @!p0 s3, s7;
	s7 =	simm.s32 @!p0 $0x108  }
0x21: {  	s3 =	sadd.s32 s3, s9;
	s6 =	sadd.s32 @!p0 $0x88, s6;
	s7 =	simm.s32 @p2 $0x1082  }
0x22: {  	[simem:s7], [sflag:s8] =	dma.local @!p0 [hbm:s6], $0xF7A  }
0x23: {  	s9 =	sor.u32 $0xD0000000, s2;
	s6 =	simm.s32 $0x108;
	_ =	swait.ge @!p0 [sflag:s8], $0x0  }
0x24: {  	s3 =	sadd.s32 $0x88, s3;
	s6 =	simm.s32 @!p1 $0x1082;
	[sflag:s4] =	ssyncset.s32 $0xFFFFF086  }
0x25: {  	[simem:s6], [sflag:s4] =	dma.local [hbm:s3], $0xF7A  }
0x26: {  	[smem:$0x3F83] =	sst s1;
	(tag) =	ssettag s2;
	_ =	strace s9  }
0x27: {  	s1 =	sld [smem:$0x3F93]  }
0x28: {  	s2 =	sld [smem:$0x3F94]  }
0x29: {  	s4 =	sld [smem:$0x3F96]  }
0x2a: {  	p0 =	seq.s32 s5, $0x0;
	s5 =	sld [smem:$0x3F97]  }
0x2b: {  	s6 =	sld [smem:$0x3F98]  }
0x2c: {  	s7 =	sld [smem:$0x3F99]  }
0x2d: {  	s3 =	simm.s32 $0x108;
	s8 =	sld [smem:$0x3F9A]  }
0x2e: {  	s3 =	simm.s32 @!p0 $0x1082;
	s9 =	sld [smem:$0x3F9B]  }
0x2f: {  	lr =	sadd.s32 s0, s3;
	s0 =	sld [smem:$0x3F92]  }
0x30: {  	s3 =	sld [smem:$0x3F95]  }
0x31: {  	[smem:$0x3F9E] =	sst s10  }
0x32: {  	s10 =	sld [smem:$0x3F9C];
	_ =	sdelay $0x3  }
0x33: {  	p0 =	seq.s32 s10, $0x1;
	s10 =	sld [smem:$0x3F9E];
	_ =	sdelay $0x3  }
0x34: {  	[smem:$0x3F9E] =	sst s10  }
0x35: {  	s10 =	sld [smem:$0x3F9D];
	_ =	sdelay $0x3  }
0x36: {  	p1 =	seq.s32 s10, $0x1;
	s10 =	sld [smem:$0x3F9E];
	_ =	sdelay $0x3  }
0x37: {  	[smem:$0x3F9E] =	sst s10  }
0x38: {  	s10 =	sld [smem:$0x3F9F]  }
0x39: {  	_ = 	snop;
	(pc) =	sbr.ind lr, $3  }
0x3a: {  	_ = 	snop  }
0x3b: {  	_ = 	snop  }
0x3c: {  	p2 =	seq.s32 s10, $0x1;
	s10 =	sld [smem:$0x3F9E]  }
0x3d: {  	_ =	shalt  }
0x3e: {  	_ =	shalt  }
0x3f: {  	_ =	shalt  }
0x40: {  	_ =	shalt  }
0x41: {  	_ =	shalt  }
0x42: {  	_ =	shalt  }
0x43: {  	_ =	shalt  }
0x44: {  	_ =	shalt  }
0x45: {  	_ =	shalt  }
0x46: {  	_ =	shalt  }
0x47: {  	_ =	shalt  }
0x48: {  	_ =	shalt  }
0x49: {  	_ =	shalt  }
0x4a: {  	_ =	shalt  }
0x4b: {  	_ =	shalt  }
0x4c: {  	_ =	shalt  }
0x4d: {  	_ =	shalt  }
0x4e: {  	_ =	shalt  }
0x4f: {  	_ =	shalt  }
0x50: {  	_ =	shalt  }
0x51: {  	_ =	shalt  }
0x52: {  	_ =	shalt  }
0x53: {  	_ =	shalt  }
0x54: {  	_ =	shalt  }
0x55: {  	_ =	shalt  }
0x56: {  	_ =	shalt  }
0x57: {  	_ =	shalt  }
0x58: {  	_ =	shalt  }
0x59: {  	_ =	shalt  }
0x5a: {  	_ =	shalt  }
0x5b: {  	_ =	shalt  }
0x5c: {  	_ =	shalt  }
0x5d: {  	_ =	shalt  }
0x5e: {  	_ =	shalt  }
0x5f: {  	_ =	shalt  }
0x60: {  	_ =	shalt  }
0x61: {  	_ =	shalt  }
0x62: {  	_ =	shalt  }
0x63: {  	_ =	shalt  }
0x64: {  	_ =	shalt  }
0x65: {  	_ =	shalt  }
0x66: {  	_ =	shalt  }
0x67: {  	_ =	shalt  }
0x68: {  	_ =	shalt  }
0x69: {  	_ =	shalt  }
0x6a: {  	_ =	shalt  }
0x6b: {  	_ =	shalt  }
0x6c: {  	_ =	shalt  }
0x6d: {  	_ =	shalt  }
0x6e: {  	_ =	shalt  }
0x6f: {  	_ =	shalt  }
0x70: {  	_ =	shalt  }
0x71: {  	_ =	shalt  }
0x72: {  	_ =	shalt  }
0x73: {  	_ =	shalt  }
0x74: {  	_ =	shalt  }
0x75: {  	_ =	shalt  }
0x76: {  	_ =	shalt  }
0x77: {  	_ =	shalt  }
0x78: {  	_ =	shalt  }
0x79: {  	_ =	shalt  }
0x7a: {  	_ =	shalt  }
0x7b: {  	_ =	shalt  }
0x7c: {  	_ =	shalt  }
0x7d: {  	_ =	shalt  }
0x7e: {  	_ =	shalt  }
0x7f: {  	_ =	shalt  }
0x80: {  	_ =	shalt  }
0x81: {  	_ =	shalt  }
0x82: {  	_ =	shalt  }
0x83: {  	_ =	shalt  }
0x84: {  	_ =	shalt  }
0x85: {  	_ =	shalt  }
0x86: {  	_ =	shalt  }
0x87: {  	_ =	shalt  }
.Lfunc_end0:
.L_simem_size_0:
called_computation_lowered:
.L_overlay_start_0:
0x88: {  	s2 =	sld [smem:$0x3FD9]  }
0x89: {  	s3 =	sld [smem:$0x3FFE];
	_ =	sdelay $0x1  }
0x8a: {  	s1 =	srdreg.scid  }
0x8b: {  	s0 =	sand.u32 $0x1, s1  }
0x8c: {  	s15 =	sshll.u32 s0, $0xA;
	s2 =	sadd.s32 s3, s2  }
0x8d: {  	s2 =	sadd.s32 s2, s15  }
0x8e: {  	[smem:$0x3FAA] =	sst s2  }
0x8f: {  	_ = 	snop  }
0x90: {  	(tm) =	ssettm $0x1  }
0x91: {  	s16 =	sld [smem:$0x3FFB];
	_ =	sdelay $0x3  }
0x92: {  	_ =	strace s16  }
0x93: {  	s2 =	sld [smem:$0x3FFC];
	_ =	sdelay $0x3  }
0x94: {  	_ =	strace s2  }
0x95: {  	s2 =	sld [smem:$0x3FFD];
	_ =	sdelay $0x3  }
0x96: {  	_ =	strace s2  }
0x97: {  	_ =	strace $0x8FFFFFFF  }
0x98: {  	s17 =	sld [smem:$0x3FDB];
	_ =	sdelay $0x1  }
0x99: {  	s18 =	simm.s32 $_scs_section_size  }
0x9a: {  	s4 =	simm.s32 $_size__tile_overlayer_lowered;
	s5 =	simm.s32 $_tile_overlayer_lowered  }
0x9b: {  	s21 =	simm.s32 $0x1BFF;
	s20 =	sshll.u32 s5, $0x1;
	s2 =	sadd.s32 s18, s17  }
0x9c: {  	s6 =	simm.s32 $0x0;
	s19 =	sshll.u32 s4, $0x1;
	s4 =	sadd.s32 s20, s2  }
0x9d: {  	[timem:s6], [sflag:s21] =	dma.local [hbm:s4], s19  }
0x9e: {  	_ =	swait.ge [sflag:s21], s19  }
0x9f: {  	s3 =	ssub.s32 $0x0, s19;
	[sflag:s21] =	ssyncset.done $0x0  }
0xa0: {  	[sflag:s21] =	ssyncadd.s32 s3;
	_ =	sdelay $0x1  }
0xa1: {  	s22 =	simm.s32 $0x1B8B  }
0xa2: {  	_ =	swait.ge [sflag:s22], $0x1  }
0xa3: {  	[sflag:s22] =	ssyncset.done $0x0  }
0xa4: {  	s23 =	sld [smem:$0x3FFE];
	[sflag:s22] =	ssyncadd.s32 $0xFFFFFFFF  }
0xa5: {  	s25 =	simm.s32 $0x1B8E;
	s24 =	sld [smem:$0x0]  }
0xa6: {  	s26 =	simm.s32 $execute0_lowered;
	[smem:$0x3FD2] =	sst s25  }
0xa7: {  	s5 =	sshll.u32 s26, $0x1;
	_ =	strace $0x80000046;
	[dreg:$0x1] =	wrdreg $0xFFFFFFFF  }
0xa8: {  	s28 =	simm.s32 $_size_execute0_lowered;
	s2 =	sadd.s32 s2, s5;
	[dreg:$0x0] =	wrdreg $0x0  }
0xa9: {  	s5 =	sshll.u32 s28, $0x1;
	[dreg:$0x2] =	wrdreg s2  }
0xaa: {  	[dreg:$0x3] =	wrdreg s5  }
0xab: {  	[dreg:$0x4] =	wrdreg $0xC0  }
0xac: {  	_ =	task [dreg:s6], $0x5FFFF  }
0xad: {  	[dreg:$0x1] =	wrdreg $0xFFFFFFFF  }
0xae: {  	[dreg:$0x0] =	wrdreg $0x60  }
0xaf: {  	[dreg:$0x2] =	wrdreg s23  }
0xb0: {  	[dreg:$0x3] =	wrdreg s1  }
0xb1: {  	[dreg:$0x4] =	wrdreg s24  }
0xb2: {  	[dreg:$0x5] =	wrdreg $0x9  }
0xb3: {  	_ =	task.clear_ibuf [dreg:s6], $0x6FFFF;
	_ =	strace $0x90000046  }
0xb4: {  	s29 =	simm.s32 $0x9;
	_ =	strace $0x80000048  }
0xb5: {  	_ =	swait.ge [sflag:s29], $0x1  }
0xb6: {  	[sflag:s29] =	ssyncadd.s32 $0xFFFFFFFF  }
0xb7: {  	_ =	strace $0x90000048  }
0xb8: {  	_ =	sfence  }
0xb9: {  	s30 =	sld [smem:$0x0];
	_ =	sdelay $0x2  }
0xba: {  	s31 =	sshll.u32 s1, $0xD;
	s1 =	sshrl.u32 s1, $0x2  }
0xbb: {  	s3 =	sand.u32 $0x4000, s31;
	s1 =	sadd.s32 s1, s30  }
0xbc: {  	s0 =	sor.u32 s3, s0;
	s1 =	sshll.u32 s1, $0x11  }
0xbd: {  	s0 =	sor.u32 s1, s0  }
0xbe: {  	s0 =	sadd.s32 $0x8F2B, s0  }
0xbf: {  	[sflag:s0] =	ssyncadd.remote.s32 $0x1  }
0xc0: {  	_ =	sfence.sel $0xFFFF  }
0xc1: {  	[dreg:$0x0] =	wrdreg $0xFFFFFFFF;
	(pc) =	sbr.abs _section_cstart, $3  }
0xc2: {  	[dreg:$0x1] =	wrdreg $0xFFFFFFFF  }
0xc3: {  	_ =	task.clear_ibuf [dreg:s6], $0x2FFFF;
	_ =	strace $0x9FFFFFFF  }
0xc4: {  	(tm) =	ssettm $0x7FFFFFFF  }
0xc5: {  	_ =	shalt  }
tec
execute0_lowered:
.L_overlay_start_1:
0x0: {  	(tag) =	ssettag $0x1  }
0x1: {  	s2 =	rddreg [dreg:$0x0]  }
0x2: {  	s3 =	rddreg [dreg:$0x1];
	_ =	strace $0x80000047;
	s0 =	simm.s32 $0x1  }
0x3: {  	v0 =	vimm.s32 $0x0;
	[sflag:s0] =	ssyncpa.u1 $0x0;
	s0 =	simm.s32 $0x108  }
0x4: {  	[tilespmem:s0+$0x70] =	vst v0  }
0x5: {  	[tilespmem:s0+$0x60] =	vst v0  }
0x6: {  	[tilespmem:s0+$0x50] =	vst v0  }
0x7: {  	[tilespmem:s0+$0x40] =	vst v0  }
0x8: {  	[tilespmem:s0+$0x30] =	vst v0  }
0x9: {  	s1 =	sadd.s32 $0x1E200, s2;
	s15 =	sadd.s32 $0x800, s2;
	s6 =	sadd.s32 $0x4F6400, s2;
	[tilespmem:s0+$0x20] =	vst v0  }
0xa: {  	s14 =	sadd.s32 $0x14400, s2;
	s5 =	sand.u32 $0x1, s3;
	s3 =	simm.s32 $0x40;
	[tilespmem:s0+$0x10] =	vst v0  }
.LBB2_1:
0xb: {  	s3 =	sadd.s32 $0x40, s3;
	[tilespmem:s0+$0x0] =	vst v0;
	s0 =	sadd.s32 $0x80, s0  }
0xc: {  	p0 =	slt.u32 s3, $0x3C40;
	[tilespmem:s0+$0x70] =	vst v0  }
0xd: {  	[tilespmem:s0+$0x60] =	vst v0  }
.Ltmp0:
0xe: {  	[tilespmem:s0+$0x50] =	vst v0;
	(pc) =	sbr.rel @p0 .LBB2_1-.Ltmp0, $4  }
0xf: {  	[tilespmem:s0+$0x40] =	vst v0  }
0x10: {  	[tilespmem:s0+$0x30] =	vst v0  }
0x11: {  	[tilespmem:s0+$0x20] =	vst v0  }
0x12: {  	[tilespmem:s0+$0x10] =	vst v0  }
0x13: {  	s9 =	stileid.u32  }
0x14: {  	s2 =	smul.u32 $0x29, s9  }
0x15: {  	s3 =	smin.u32 s9, $0xB  }
0x16: {  	s2 =	sadd.s32 s3, s2  }
0x17: {  	p0 =	slt.u32 s9, $0xB;
	s7 =	smul.u32 $0xF0, s2;
	s2 =	simm.s32 $0x2760  }
0x18: {  	s2 =	simm.s32 @!p0 $0x2670  }
0x19: {  	s2 =	sadd.s32 s2, s7  }
0x1a: {  	s8 =	smin.u32 s2, $0x27100  }
0x1b: {  	s2 =	ssub.s32 s8, s7  }
0x1c: {  	p0 =	sgt.s32 s2, $0x0  }
0x1d: {  	s29 =	simm.s32 $0x2;
	s10 =	simm.s32 $0x9;
	s2 =	simm.s32 @!p0 $0x0  }
0x1e: {  	s4 =	simm.s32 $0xA;
	s11 =	simm.s32 $0xB;
	s28 =	smulhi.u32 $0x88888889, s2  }
0x1f: {  	[dreg:$0x4] =	wrdreg s5;
	s31 =	smul.u32 $0x4E20, s5;
	s12 =	simm.s32 $0x1  }
0x20: {  	s22 =	simm.s32 $0x0;
	s18 =	simm.s32 $0xC;
	s30 =	sshrl.u32 s28, $0x7  }
0x21: {  	s20 =	simm.s32 $0x0;
	s21 =	simm.s32 $0x0;
	s3 =	smul.u32 $0xF0, s30  }
.Ltmp1:
0x22: {  	[tilespmem:s0+$0x0] =	vst v0;
	v0 =	vimm.s32 $0xFFFFFFFF;
	[sflag:s29] =	ssyncpa.u1 $0x0;
	s16 =	sshll.u32 s9, $0x8;
	(pc) =	sbr.rel .LBB2_3-.Ltmp1, $4  }
0x23: {  	[tilespmem:$0xF208] =	vst v0;
	[sflag:s10] =	ssyncpa.u1 $0x0;
	p0 =	sne.s32 s2, s3;
	s2 =	simm.s32 $0x1  }
0x24: {  	s14 =	sadd.s32 s31, s14;
	[sflag:s4] =	ssyncpa.u1 $0x0;
	s2 =	simm.s32 @!p0 $0x0  }
0x25: {  	s15 =	sadd.s32 s31, s15;
	[sflag:s11] =	ssyncpa.u1 $0x0;
	s13 =	sadd.s32 s2, s30  }
0x26: {  	v0 =	vlaneseq.u32;
	s19 =	smov.u32 s7;
	p0 =	por $0x0, $0x0;
	s17 =	sadd.s32 $0x1, s13  }
.LBB2_18:
0x27: {  	s0 =	sshrl.u32 s31, $0x2  }
.LBB2_20:
0x28: {  	_ =	swait.ge [sflag:s18], s0  }
0x29: {  	s31 =	ssub.s32 $0x0, s0;
	v1 =	vmov s24;
	vm0 =	veq.s32 v0, $0x0;
	[sflag:s18] =	ssyncset.done $0x0  }
0x2a: {  	vm15 =	veq.s32 v0, $0x2;
	v1 =	vsel vm0, s30, v1;
	[sflag:s18] =	ssyncadd.s32 s31  }
0x2b: {  	v1 =	vsel vm15, s22, v1;
	[sflag:s18] =	ssyncpa.u1 $0x1  }
0x2c: {  	[tilespmem:$0xF208] =	vst v1  }
.LBB2_21:
0x2d: {  	s0 =	sadd.s32 $0xF0, s19  }
0x2e: {  	s2 =	smov.u32 s7;
	p1 =	slt.s32 s0, s8  }
0x2f: {  	s2 =	smov.u32 @p1 s0;
	p1 =	sne.s32 s21, s17  }
.Ltmp2:
0x30: {  	_ = 	snop;
	(pc) =	sbr.rel @!p1 .LBB2_22-.Ltmp2, $3  }
0x31: {  	_ =	sdelay $0x1  }
0x32: {  	s22 =	smov.u32 s20;
	s31 =	sadd.s32 $0x1, s21;
	s20 =	smov.u32 s19  }
0x33: {  	p0 =	por !p0, !p0;
	s21 =	smov.u32 s31;
	s19 =	smov.u32 s2  }
.LBB2_3:
0x34: {  	p1 =	sge.u32 s21, s13  }
0x35: {  	s0 =	smulhi.u32 @!p1 $0xAAAAAAAB, s21  }
0x36: {  	s2 =	smov.u32 s19;
	p2 =	sgt.s32 @!p1 s19, $0x27010  }
0x37: {  	s3 =	sshra.s32 @!p1 s19, $0x1F;
	p2 =	por !p2, p1;
	s0 =	sshrl.u32 @!p1 s0, $0x1  }
0x38: {  	s3 =	sand.u32 @!p1 s3, s19;
	s2 =	simm.s32 @p2 $0x27010;
	s0 =	smul.u32 @!p1 $0x3, s0  }
0x39: {  	s2 =	ssub.s32 @!p1 s2, s3  }
0x3a: {  	s2 =	sadd.s32 @!p1 $0xFFFD8FF0, s2;
	s0 =	ssub.s32 @!p1 s21, s0  }
0x3b: {  	s3 =	sshll.u32 @!p1 s2, $0x2;
	p2 =	sgt.s32 @!p1 s2, $0xEF;
	s0 =	smul.u32 @!p1 $0x3C0, s0  }
0x3c: {  	s4 =	sand.u32 @!p1 $0x7, s19;
	s2 =	ssub.s32 @!p1 $0x3C0, s3;
	p2 =	por !p2, p1  }
0x3d: {  	s3 =	sshrl.u32 @!p1 s19, $0x3;
	s2 =	sshrl.u32 @!p1 s2, $0x2;
	s0 =	sshrl.u32 @!p1 s0, $0x2  }
0x3e: {  	s3 =	sadd.s32 @!p1 s3, s14;
	s2 =	simm.s32 @!p2 $0x0;
	s0 =	sadd.s32 @!p1 $0x10248, s0  }
0x3f: {  	[tilespmem:s0], [sflag:$0xA] =	stream.linear.gather @!p1 [hbm4b:s3+s4], s2, $0x38;
	[tilespmem:$0x1F6F8] =	vst v63  }
0x40: {  	s0 =	sadd.s32 $0xFFFFFFFF, s21  }
0x41: {  	p1 =	sge.u32 s0, s13  }
0x42: {  	p2 =	sgt.s32 @!p1 s20, $0x27010  }
0x43: {  	s2 =	smov.u32 s20;
	s3 =	sshra.s32 @!p1 s20, $0x1F;
	p2 =	por !p2, p1  }
0x44: {  	s3 =	sand.u32 @!p1 s3, s20;
	s2 =	simm.s32 @p2 $0x27010  }
0x45: {  	s2 =	ssub.s32 @!p1 s2, s3  }
0x46: {  	s2 =	sadd.s32 @!p1 $0xFFFD8FF0, s2  }
0x47: {  	s4 =	sand.u32 @!p1 $0x1, s0;
	s3 =	sshll.u32 @!p1 s2, $0x2  }
0x48: {  	p2 =	sgt.s32 @!p1 s2, $0xEF;
	s2 =	ssub.s32 @!p1 $0x3C0, s3;
	s3 =	smulhi.u32 @!p1 $0xAAAAAAAB, s0  }
0x49: {  	s23 =	smul.u32 @!p1 $0x3C0, s4;
	p2 =	por !p2, p1;
	s2 =	sshrl.u32 @!p1 s2, $0x2  }
0x4a: {  	s5 =	simm.s32 @!p1 $0xA;
	s2 =	simm.s32 @!p2 $0x0;
	s3 =	sshrl.u32 @!p1 s3, $0x1  }
0x4b: {  	s23 =	sshrl.u32 @!p1 s23, $0x2;
	_ =	swait.ge @!p1 [sflag:s5], s2;
	s3 =	smul.u32 @!p1 $0x3, s3  }
0x4c: {  	s23 =	sadd.s32 @!p1 $0x10518, s23;
	s24 =	ssub.s32 @!p1 $0x0, s2;
	[sflag:s5] =	ssyncset.done @!p1 $0x0  }
0x4d: {  	[sflag:s5] =	ssyncadd.s32 @!p1 s24;
	s5 =	sshrl.u32 @!p1 s20, $0x3;
	s0 =	ssub.s32 @!p1 s0, s3  }
0x4e: {  	s24 =	sand.u32 @!p1 $0x7, s20;
	s5 =	sadd.s32 @!p1 s5, s15;
	s0 =	smul.u32 @!p1 $0x3C0, s0  }
0x4f: {  	[tilespmem:s23], [sflag:$0xB] =	stream.linear.gather @!p1 [hbm4b:s5+s24], s2, $0x38;
	[tilespmem:$0x1F6F8] =	vst v63  }
0x50: {  	s3 =	ssub.s32 @!p1 $0x27100, s20;
	s2 =	smul.u32 @!p1 $0x1E000, s4  }
0x51: {  	p2 =	slt.s32 @!p1 s3, $0xF0  }
0x52: {  	p2 =	por !p2, p1;
	s0 =	sshrl.u32 @!p1 s0, $0x2;
	s2 =	sshrl.u32 @!p1 s2, $0x2  }
0x53: {  	s3 =	simm.s32 @p2 $0xF0;
	s0 =	sadd.s32 @!p1 $0x10248, s0;
	s2 =	sor.u32 @!p1 $0x106F8, s2  }
0x54: {  	[tilespmem:s2], [sflag:$0x9] =	stream.indirect.gather @!p1 [hbm4b:s6+s3], $0x80, s0, s3, $0xb8;
	[tilespmem:$0x1F6F8] =	vst v63  }
0x55: {  	p1 =	slt.u32 s21, $0x2  }
.Ltmp3:
0x56: {  	_ = 	snop;
	(pc) =	sbr.rel @p1 .LBB2_21-.Ltmp3, $1  }
0x57: {  	_ =	sdelay $0x3  }
0x58: {  	p1 =	sgt.s32 s22, $0x27010  }
0x59: {  	s0 =	smov.u32 s22;
	s2 =	sshra.s32 s22, $0x1F;
	s3 =	ssub.s32 $0x27100, s22  }
0x5a: {  	s0 =	simm.s32 @!p1 $0x27010;
	s2 =	sand.u32 s2, s22;
	p1 =	slt.s32 s3, $0xF0  }
0x5b: {  	s0 =	ssub.s32 s0, s2;
	s3 =	simm.s32 @!p1 $0xF0  }
0x5c: {  	s0 =	sadd.s32 $0xFFFD8FF0, s0;
	s25 =	sshll.u32 s3, $0x7  }
0x5d: {  	s26 =	sshll.u32 s0, $0x2;
	s2 =	sand.u32 $0x3FFFFF80, s25  }
0x5e: {  	p1 =	sgt.s32 s0, $0xEF;
	s29 =	ssub.s32 $0x3C0, s26;
	_ =	swait.ge [sflag:s10], s2  }
0x5f: {  	s2 =	ssub.s32 $0x0, s2;
	[sflag:s10] =	ssyncset.done $0x0;
	s0 =	sshrl.u32 s29, $0x2  }
0x60: {  	[sflag:s10] =	ssyncadd.s32 s2;
	s0 =	simm.s32 @p1 $0x0  }
0x61: {  	_ =	swait.ge [sflag:s11], s0  }
0x62: {  	s0 =	ssub.s32 $0x0, s0;
	[sflag:s11] =	ssyncset.done $0x0  }
0x63: {  	[sflag:s11] =	ssyncadd.s32 s0  }
0x64: {  	v1 =	vld [tilespmem:$0xF208];
	_ =	sdelay $0x4  }
0x65: {  	(v2sf) =	vpush v1, $0x0  }
0x66: {  	(v2sf) =	vpush v1, $0x1  }
0x67: {  	(v2sf) =	vpush v1, $0x2;
	_ =	sdelay $0x3  }
0x68: {  	s0 =	sadd.s32 $0xF0, s22  }
0x69: {  	s2 =	ssub.s32 $0x4E200, s22;
	p1 =	slt.s32 s8, s0  }
0x6a: {  	s0 =	smov.u32 @p1 s8;
	p1 =	sgt.s32 s2, $0x0  }
0x6b: {  	s26 =	ssub.s32 s0, s22;
	s2 =	simm.s32 @!p1 $0x0  }
0x6c: {  	p1 =	slt.s32 s2, s26  }
0x6d: {  	s26 =	smov.u32 @p1 s2  }
0x6e: {  	s25 =	simm.s32 $0x1;
	p1 =	slt.s32 s26, $0x1  }
.Ltmp4:
0x6f: {  	s25 =	simm.s32 @!p0 $0x0;
	(pc) =	sbr.rel @p1 .LBB2_8-.Ltmp4, $4  }
0x70: {  	s31 =	smul.u32 $0x3C0, s25  }
0x71: {  	s28 =	spop (v2sf)  }
0x72: {  	s0 =	sshrl.u32 s31, $0x2;
	s30 =	spop (v2sf)  }
0x73: {  	s23 =	sadd.s32 $0x10518, s0;
	s22 =	spop (v2sf)  }
0x74: {  	s0 =	smin.u32 s26, $0x10  }
0x75: {  	v1 =	vmov s0  }
0x76: {  	p2 =	sgt.s32 s26, $0x10;
	vm1 =	vgt.u32 v1, v0  }
.Ltmp5:
0x77: {  	_ = 	snop;
	(pc) =	sbr.rel @!p2 .LBB2_7-.Ltmp5, $2  }
0x78: {  	_ =	sdelay $0x2  }
0x79: {  	s4 =	simm.s32 $0x10;
	s24 =	sadd.s32 $0xFFFFFFF0, s26;
	s0 =	smov.u32 s23;
	vm0 =	vmmov vm1  }
.LBB2_6:
0x7a: {  	s2 =	smin.u32 s24, $0x10;
	s4 =	sadd.s32 $0x10, s4;
	v1 =	vld.msk [tilespmem:s0+$0x0 ss:$0x1], vm1  }
0x7b: {  	v2 =	vmov s2;
	p2 =	slt.s32 s4, s26  }
0x7c: {  	vm1 =	vgt.u32 v2, v0  }
.Ltmp6:
0x7d: {  	(pc) =	sbr.rel @p2 .LBB2_6-.Ltmp6, $3  }
0x7e: {  	_ =	sdelay $0x1  }
0x7f: {  	v1 =	vshll.u32 v1, $0x4  }
0x80: {  	s24 =	sadd.s32 $0xFFFFFFF0, s24;
	[tilespmem:s0+$0x0] =	vst.msk vm0, v1;
	s0 =	sadd.s32 $0x10, s0;
	vm0 =	vmmov vm1  }
.LBB2_7:
0x81: {  	_ =	sdelay $0x4  }
0x82: {  	v1 =	vld.msk [tilespmem:s0+$0x0 ss:$0x1], vm1;
	_ =	sdelay $0x4  }
0x83: {  	v1 =	vshll.u32 v1, $0x4  }
0x84: {  	[tilespmem:s0+$0x0] =	vst.msk vm0, v1  }
.LBB2_8:
0x85: {  	s0 =	sand.u32 $0x1, s21  }
0x86: {  	s0 =	smul.u32 $0xF0, s0  }
0x87: {  	p2 =	sne.s32 s30, $0xFFFFFFFF  }
0x88: {  	v1 =	vld.msk @!p2 [tilespmem:s0+$0x10518], $0x1;
	_ =	sdelay $0x4  }
0x89: {  	(v2sf) =	vpush @!p2 v1, $0x0;
	_ =	sdelay $0xc  }
.Ltmp7:
0x8a: {  	_ = 	snop;
	(pc) =	sbr.rel @p1 .LBB2_19-.Ltmp7, $4  }
0x8b: {  	_ = 	snop  }
0x8c: {  	s29 =	spop @!p2 (v2sf)  }
0x8d: {  	s22 =	simm.s32 @!p2 $0x0;
	s24 =	smov.u32 s29  }
0x8e: {  	[sflag:s18] =	ssyncpa.u1 $0x0;
	s29 =	smov.u32 @p2 s28;
	s24 =	smov.u32 @p2 s30  }
0x8f: {  	v1 =	vld.msk [tilespmem:s23+$0x0], $0x1;
	_ =	sdelay $0x4  }
0x90: {  	(v2sf) =	vpush v1, $0x0;
	_ =	sdelay $0xe  }
0x91: {  	s2 =	smul.u32 $0x1E000, s25;
	s0 =	spop (v2sf)  }
0x92: {  	s26 =	ssub.s32 $0x0, s26;
	p1 =	seq.s32 s29, s0  }
0x93: {  	s30 =	sadd.s32 $0x1, s26;
	s2 =	sshrl.u32 s2, $0x2;
	p2 =	sgt.s32 @!p1 s29, $0x0  }
0x94: {  	s25 =	sor.u32 $0x10738, s2;
	s2 =	smov.u32 s29;
	p2 =	por !p2, p1  }
0x95: {  	s2 =	simm.s32 @p2 $0x0;
	p2 =	seq.s32 s30, $0x0  }
.Ltmp8:
0x96: {  	_ = 	snop;
	(pc) =	sbr.rel @p2 .LBB2_11-.Ltmp8, $4  }
0x97: {  	_ = 	snop  }
0x98: {  	s28 =	simm.s32 $0x0;
	s31 =	sadd.s32 $0x1, s23;
	s2 =	smin.u32 @!p1 s2, $0x270F0  }
0x99: {  	s4 =	simm.s32 @!p1 $0x1;
	s5 =	simm.s32 @!p1 $0x7988;
	s3 =	sand.u32 @!p1 $0x3FFF8, s2  }
0x9a: {  	s4 =	smov.u32 @p1 s28;
	s2 =	sand.u32 @!p1 $0x7, s2;
	s3 =	sadd.s32 @!p1 s1, s3  }
.LBB2_10:
0x9b: {  	s9 =	smov.u32 s4  }
0x9c: {  	[tilespmem:s5], [sflag:$0x2] =	stream.linear.gather @!p1 [hbm4b:s3+s2], $0x80, $0x38;
	[tilespmem:$0x1F6F8] =	vst v63  }
0x9d: {  	s30 =	sadd.s32 $0x1, s30;
	s2 =	smov.u32 s0;
	v1 =	vld.msk [tilespmem:s31+$0x0], $0x1  }
0x9e: {  	p2 =	seq.s32 s30, $0x0;
	_ =	sdelay $0x3  }
0x9f: {  	(v2sf) =	vpush v1, $0x0;
	_ =	sdelay $0xe  }
0xa0: {  	s0 =	spop (v2sf)  }
0xa1: {  	p1 =	seq.s32 s2, s0  }
0xa2: {  	p3 =	sgt.s32 @!p1 s2, $0x0;
	s3 =	sshll.u32 @!p1 s4, $0x9;
	s4 =	sadd.s32 @!p1 $0x1, s4  }
.Ltmp9:
0xa3: {  	p3 =	por !p3, p1;
	s3 =	sshra.s32 @!p1 s3, $0x2;
	(pc) =	sbr.rel @!p2 .LBB2_10-.Ltmp9, $4  }
0xa4: {  	s4 =	smov.u32 @p1 s9;
	s2 =	simm.s32 @p3 $0x0;
	s5 =	sadd.s32 @!p1 $0x7988, s3  }
0xa5: {  	s2 =	smin.u32 @!p1 s2, $0x270F0  }
0xa6: {  	s3 =	sand.u32 @!p1 $0x3FFF8, s2;
	s2 =	sand.u32 @!p1 $0x7, s2  }
0xa7: {  	s31 =	sadd.s32 $0x1, s31;
	s3 =	sadd.s32 @!p1 s1, s3  }
.LBB2_11:
0xa8: {  	[tilespmem:s5], [sflag:$0x2] =	stream.linear.gather @!p1 [hbm4b:s3+s2], $0x80, $0x38;
	[tilespmem:$0x1F6F8] =	vst v63  }
.Ltmp10:
0xa9: {  	s0 =	sshll.u32 s4, $0x7;
	(pc) =	sbr.rel .LBB2_12-.Ltmp10, $4  }
0xaa: {  	s30 =	simm.s32 $0x2;
	s0 =	sand.u32 $0x3FFFFF80, s0  }
0xab: {  	_ =	swait.ge [sflag:s30], s0  }
0xac: {  	s0 =	ssub.s32 $0x0, s0;
	[sflag:s30] =	ssyncset.done $0x0  }
0xad: {  	s31 =	simm.s32 $0x0;
	[sflag:s30] =	ssyncadd.s32 s0  }
.LBB2_13:
0xae: {  	v1 =	vld [tilespmem:s25+$0xFFFFFFC0];
	_ =	sdelay $0x3  }
0xaf: {  	s0 =	sshra.s32 s0, $0x2  }
0xb0: {  	[tilespmem:s0+$0x108] =	vst.add.f32.msk $0xffff, v1  }
0xb1: {  	v1 =	vld [tilespmem:s25+$0xFFFFFFD0];
	_ =	sdelay $0x4  }
0xb2: {  	[tilespmem:s0+$0x118] =	vst.add.f32.msk $0xffff, v1  }
0xb3: {  	v1 =	vld [tilespmem:s25+$0xFFFFFFE0];
	_ =	sdelay $0x4  }
0xb4: {  	[tilespmem:s0+$0x128] =	vst.add.f32.msk $0xffff, v1  }
0xb5: {  	v1 =	vld [tilespmem:s25+$0xFFFFFFF0];
	_ =	sdelay $0x4  }
0xb6: {  	[tilespmem:s0+$0x138] =	vst.add.f32.msk $0xffff, v1  }
0xb7: {  	v1 =	vld [tilespmem:s25+$0x0];
	_ =	sdelay $0x4  }
0xb8: {  	[tilespmem:s0+$0x148] =	vst.add.f32.msk $0xffff, v1  }
0xb9: {  	v1 =	vld [tilespmem:s25+$0x10];
	_ =	sdelay $0x4  }
0xba: {  	[tilespmem:s0+$0x158] =	vst.add.f32.msk $0xffff, v1  }
0xbb: {  	v1 =	vld [tilespmem:s25+$0x20];
	_ =	sdelay $0x4  }
0xbc: {  	[tilespmem:s0+$0x168] =	vst.add.f32.msk $0xffff, v1  }
0xbd: {  	v1 =	vld [tilespmem:s25+$0x30];
	_ =	sdelay $0x4  }
0xbe: {  	[tilespmem:s0+$0x178] =	vst.add.f32.msk $0xffff, v1  }
.LBB2_17:
0xbf: {  	s26 =	sadd.s32 $0x1, s26  }
0xc0: {  	p1 =	seq.s32 s26, $0x0  }
.Ltmp11:
0xc1: {  	_ = 	snop;
	(pc) =	sbr.rel @p1 .LBB2_18-.Ltmp11, $2  }
0xc2: {  	_ =	sdelay $0x2  }
0xc3: {  	s23 =	sadd.s32 $0x1, s23;
	s25 =	sadd.s32 $0x80, s25;
	s29 =	smov.u32 s30  }
.LBB2_12:
0xc4: {  	v1 =	vld.msk [tilespmem:s23+$0x0], $0x1;
	_ =	sdelay $0x4  }
0xc5: {  	(v2sf) =	vpush v1, $0x0;
	_ =	sdelay $0xe  }
0xc6: {  	s30 =	spop (v2sf)  }
0xc7: {  	p1 =	sne.s32 s29, s30  }
.Ltmp12:
0xc8: {  	_ = 	snop;
	(pc) =	sbr.rel @!p1 .LBB2_13-.Ltmp12, $2  }
0xc9: {  	_ =	sdelay $0x2  }
0xca: {  	s0 =	sshll.u32 s22, $0x9  }
0xcb: {  	p1 =	seq.s32 s29, s24  }
.Ltmp13:
0xcc: {  	_ = 	snop;
	(pc) =	sbr.rel @!p1 .LBB2_15-.Ltmp13, $1  }
0xcd: {  	_ =	sdelay $0x3  }
0xce: {  	s0 =	sshra.s32 s0, $0x2  }
.Ltmp14:
0xcf: {  	s0 =	sadd.s32 $0x108, s0;
	(pc) =	sbr.rel .LBB2_16-.Ltmp14, $4  }
0xd0: {  	[spmem:s16] =	stream.linear.scatter [tilespmem:s0], [sflag:$0x1], $0x80, $0x38;
	[tilespmem:$0x1F6F8] =	vst v63  }
0xd1: {  	_ =	swait.ge [sflag:s12], $0x80  }
0xd2: {  	[sflag:s12] =	ssyncset.done $0x0  }
0xd3: {  	[sflag:s12] =	ssyncadd.s32 $0xFFFFFF80  }
.LBB2_15:
0xd4: {  	s2 =	sshll.u32 s28, $0x9  }
0xd5: {  	s2 =	sshra.s32 s2, $0x2  }
0xd6: {  	v1 =	vld [tilespmem:s2+$0x7988];
	_ =	sdelay $0x3  }
0xd7: {  	s0 =	sshra.s32 s0, $0x2  }
0xd8: {  	[tilespmem:s0+$0x108] =	vst.add.f32.msk $0xffff, v1  }
0xd9: {  	v1 =	vld [tilespmem:s2+$0x7998];
	_ =	sdelay $0x4  }
0xda: {  	[tilespmem:s0+$0x118] =	vst.add.f32.msk $0xffff, v1  }
0xdb: {  	v1 =	vld [tilespmem:s2+$0x79A8];
	_ =	sdelay $0x4  }
0xdc: {  	[tilespmem:s0+$0x128] =	vst.add.f32.msk $0xffff, v1  }
0xdd: {  	v1 =	vld [tilespmem:s2+$0x79B8];
	_ =	sdelay $0x4  }
0xde: {  	[tilespmem:s0+$0x138] =	vst.add.f32.msk $0xffff, v1  }
0xdf: {  	v1 =	vld [tilespmem:s2+$0x79C8];
	_ =	sdelay $0x4  }
0xe0: {  	[tilespmem:s0+$0x148] =	vst.add.f32.msk $0xffff, v1  }
0xe1: {  	v1 =	vld [tilespmem:s2+$0x79D8];
	_ =	sdelay $0x4  }
0xe2: {  	[tilespmem:s0+$0x158] =	vst.add.f32.msk $0xffff, v1  }
0xe3: {  	v1 =	vld [tilespmem:s2+$0x79E8];
	_ =	sdelay $0x4  }
0xe4: {  	[tilespmem:s0+$0x168] =	vst.add.f32.msk $0xffff, v1  }
0xe5: {  	v1 =	vld [tilespmem:s2+$0x79F8];
	_ =	sdelay $0x2  }
0xe6: {  	p1 =	sgt.u32 s29, $0x270F0  }
0xe7: {  	s2 =	sand.u32 @!p1 $0x3FFF8, s29  }
0xe8: {  	s3 =	sadd.s32 $0x108, s0;
	[tilespmem:s0+$0x178] =	vst.add.f32.msk $0xffff, v1;
	s0 =	sadd.s32 @!p1 s1, s2;
	s2 =	sand.u32 @!p1 $0x7, s29  }
0xe9: {  	[hbm4b:s0+s2] =	stream.linear.scatter @!p1 [tilespmem:s3], [sflag:$0xC], $0x80, $0x38;
	[tilespmem:$0x1F6F8] =	vst v63  }
0xea: {  	s0 =	simm.s32 $0x0  }
0xeb: {  	s0 =	simm.s32 @!p1 $0x200  }
0xec: {  	s31 =	sadd.s32 s0, s31  }
.LBB2_16:
0xed: {  	s0 =	sadd.s32 $0x1, s22  }
0xee: {  	s2 =	smulhi.u32 $0x88888889, s0;
	_ =	sdelay $0x1  }
0xef: {  	v1 =	vld [tilespmem:s25+$0xFFFFFFC0];
	s2 =	sshrl.u32 s2, $0x7  }
0xf0: {  	s2 =	smul.u32 $0xF0, s2;
	_ =	sdelay $0x1  }
0xf1: {  	s22 =	ssub.s32 s0, s2  }
0xf2: {  	s0 =	sshll.u32 s22, $0x7  }
0xf3: {  	[tilespmem:s0+$0x108] =	vst v1  }
0xf4: {  	v1 =	vld [tilespmem:s25+$0xFFFFFFD0];
	_ =	sdelay $0x4  }
0xf5: {  	[tilespmem:s0+$0x118] =	vst v1  }
0xf6: {  	v1 =	vld [tilespmem:s25+$0xFFFFFFE0];
	_ =	sdelay $0x4  }
0xf7: {  	[tilespmem:s0+$0x128] =	vst v1  }
0xf8: {  	v1 =	vld [tilespmem:s25+$0xFFFFFFF0];
	_ =	sdelay $0x4  }
0xf9: {  	[tilespmem:s0+$0x138] =	vst v1  }
0xfa: {  	v1 =	vld [tilespmem:s25+$0x0];
	_ =	sdelay $0x4  }
0xfb: {  	[tilespmem:s0+$0x148] =	vst v1  }
0xfc: {  	v1 =	vld [tilespmem:s25+$0x10];
	_ =	sdelay $0x4  }
0xfd: {  	[tilespmem:s0+$0x158] =	vst v1  }
0xfe: {  	v1 =	vld [tilespmem:s25+$0x20];
	_ =	sdelay $0x4  }
0xff: {  	[tilespmem:s0+$0x168] =	vst v1  }
0x100: {  	v1 =	vld [tilespmem:s25+$0x30]  }
.Ltmp15:
0x101: {  	_ = 	snop;
	(pc) =	sbr.rel .LBB2_17-.Ltmp15, $2  }
0x102: {  	_ =	sdelay $0x2  }
0x103: {  	s28 =	sadd.s32 $0x1, s28;
	[tilespmem:s0+$0x178] =	vst v1  }
.LBB2_19:
.Ltmp16:
0x104: {  	(pc) =	sbr.rel .LBB2_20-.Ltmp16, $4  }
0x105: {  	_ = 	snop  }
0x106: {  	s0 =	simm.s32 $0x2  }
0x107: {  	_ =	swait.ge [sflag:s0], $0x0  }
0x108: {  	s30 =	smov.u32 s29;
	[sflag:s0] =	ssyncset.done $0x0;
	s0 =	simm.s32 $0x0  }
.LBB2_22:
0x109: {  	_ =	sfence.sel $0x180000  }
0x10a: {  	s0 =	simm.s32 $0x9;
	[bflag:$0x0] =	sbarrier.arrive $0xFFFF  }
0x10b: {  	s24 =	simm.s32 $0xA;
	[sflag:s0] =	ssyncpa.u1 $0x1  }
0x10c: {  	s25 =	simm.s32 $0xB;
	[sflag:s24] =	ssyncpa.u1 $0x1  }
0x10d: {  	s26 =	simm.s32 $0x2;
	[sflag:s25] =	ssyncpa.u1 $0x1  }
0x10e: {  	[sflag:s26] =	ssyncpa.u1 $0x1  }
0x10f: {  	v0 =	vld [tilespmem:$0xF208];
	_ =	sdelay $0x4  }
0x110: {  	(v2sf) =	vpush v0, $0x0  }
0x111: {  	(v2sf) =	vpush v0, $0x1;
	_ =	sdelay $0x1  }
0x112: {  	(v2sf) =	vpush v0, $0x2;
	_ =	sdelay $0xb  }
0x113: {  	s0 =	spop (v2sf)  }
0x114: {  	s2 =	spop (v2sf)  }
0x115: {  	s3 =	smov.u32 s0;
	p0 =	sne.s32 s0, s2  }
0x116: {  	s4 =	spop (v2sf);
	s3 =	simm.s32 @!p0 $0xFFFFFFFF  }
0x117: {  	v2 =	vimm.s32 $0x1;
	v3 =	vlaneseq.u32;
	p0 =	seq.s32 s4, $0xFFFFFFFF;
	v1 =	vmov s3  }
0x118: {  	s16 =	stileid.u32;
	v0 =	vperm.xlane v0, v2;
	p1 =	sne.s32 @!p0 s0, s2;
	v1 =	vperm.xlane v1, v3  }
0x119: {  	vm0 =	vcmask $0x3F04;
	s6 =	simm.s32 $0xF208;
	s0 =	simm.s32 @!p0 $0x1;
	p1 =	por !p1, p0  }
0x11a: {  	s3 =	sshll.u32 s16, $0x1;
	s2 =	sshll.u32 @!p0 s4, $0x9;
	s0 =	simm.s32 @p1 $0x0;
	v0 =	vsel vm0, v1, v0  }
0x11b: {  	s5 =	sor.u32 $0x1000, s3;
	s2 =	sshra.s32 @!p0 s2, $0x2;
	s0 =	sor.u32 @!p0 s0, s3;
	[tilespmem:$0xF208] =	vst v0  }
0x11c: {  	[spmem:s5] =	stream.linear.scatter [tilespmem:s6], [sflag:$0x1], $0x2, $0x38;
	[tilespmem:$0x1F6F8] =	vst v63  }
0x11d: {  	s2 =	sadd.s32 @!p0 $0x108, s2;
	s0 =	sshll.u32 @!p0 s0, $0x7  }
0x11e: {  	[spmem:s0] =	stream.linear.scatter @!p0 [tilespmem:s2], [sflag:$0x1], $0x80, $0x38;
	[tilespmem:$0x1F6F8] =	vst v63  }
0x11f: {  	s0 =	simm.s32 @!p0 $0x82  }
0x120: {  	s28 =	simm.s32 $0x1;
	s0 =	simm.s32 @p0 $0x2  }
0x121: {  	_ =	swait.ge [sflag:s28], s0  }
0x122: {  	s0 =	ssub.s32 $0x0, s0;
	[sflag:s28] =	ssyncset.done $0x0  }
0x123: {  	p0 =	sne.s32 s16, $0x0;
	[sflag:s28] =	ssyncadd.s32 s0  }
.Ltmp17:
0x124: {  	_ =	sfence.stream.spmem;
	(pc) =	sbr.rel @p0 .LBB2_39-.Ltmp17, $4  }
0x125: {  	s29 =	simm.s32 $0x3;
	[bflag:$0x0] =	sbarrier.arrive $0xFFFF  }
0x126: {  	s30 =	simm.s32 $0x4;
	[sflag:s29] =	ssyncpa.u1 $0x1  }
0x127: {  	s31 =	simm.s32 $0x3C;
	[sflag:s30] =	ssyncpa.u1 $0x1  }
0x128: {  	s15 =	rddreg [dreg:$0x4];
	[sflag:s31] =	ssyncpa.u1 $0x1  }
0x129: {  	_ =	sfence.stream.spmem;
	s0 =	simm.s32 $0x5  }
0x12a: {  	s2 =	simm.s32 $0x1000;
	s3 =	simm.s32 $0xF218;
	[sflag:s0] =	ssyncpa.u1 $0x0  }
0x12b: {  	[tilespmem:s3], [sflag:$0x5] =	stream.linear.gather [spmem:s2], $0x20, $0x38;
	[tilespmem:$0x1F6F8] =	vst v63  }
0x12c: {  	s26 =	simm.s32 $0x0;
	s28 =	simm.s32 $0xF238  }
0x12d: {  	[tilespmem:s28], [sflag:$0x5] =	stream.linear.gather [spmem:s26], $0x1000, $0x38;
	[tilespmem:$0x1F6F8] =	vst v63  }
0x12e: {  	_ =	swait.ge [sflag:s0], $0x1020  }
0x12f: {  	[sflag:s0] =	ssyncset.done $0x0  }
0x130: {  	s29 =	simm.s32 $0x0;
	[sflag:s0] =	ssyncadd.s32 $0xFFFFEFE0  }
0x131: {  	v0 =	vld.msk [tilespmem:s29+$0xF218], $0x1;
	_ =	sdelay $0x1  }
0x132: {  	s30 =	simm.s32 $0x1  }
0x133: {  	v1 =	vld.msk [tilespmem:s30+$0xF218], $0x1;
	_ =	sdelay $0x1  }
0x134: {  	(v2sf) =	vpush v0, $0x0;
	_ =	sdelay $0x2  }
0x135: {  	(v2sf) =	vpush v1, $0x0;
	_ =	sdelay $0x2  }
0x136: {  	s31 =	simm.s32 $0x2  }
0x137: {  	v0 =	vld.msk [tilespmem:s31+$0xF218], $0x1;
	_ =	sdelay $0x2  }
0x138: {  	s4 =	simm.s32 $0xFFFFFFFF;
	s5 =	simm.s32 $0xFFFFFFFF;
	s0 =	simm.s32 $0xC  }
.LBB2_24:
0x139: {  	s2 =	smov.u32 s5;
	s3 =	smov.u32 s4  }
0x13a: {  	s4 =	sshra.s32 s0, $0x2;
	p1 =	sne.s32 s0, $0x7C;
	s0 =	sadd.s32 $0x4, s0;
	(v2sf) =	vpush v0, $0x0  }
0x13b: {  	v0 =	vld.msk [tilespmem:s4+$0xF218], $0x1  }
.Ltmp18:
0x13c: {  	(pc) =	sbr.rel @p1 .LBB2_24-.Ltmp18, $4  }
0x13d: {  	s5 =	spop (v2sf)  }
0x13e: {  	p2 =	sne.s32 s3, $0xFFFFFFFF;
	s4 =	smov.u32 s5  }
0x13f: {  	p3 =	seq.s32 s5, $0xFFFFFFFF;
	s4 =	smov.u32 @p2 s3  }
0x140: {  	s5 =	smov.u32 @p3 s2;
	s4 =	smov.u32 @p3 s3  }
0x141: {  	(v2sf) =	vpush v0, $0x0;
	_ =	sdelay $0x8  }
0x142: {  	s0 =	spop (v2sf)  }
0x143: {  	p1 =	sne.s32 s4, $0xFFFFFFFF;
	s2 =	smov.u32 s0  }
0x144: {  	s9 =	simm.s32 $0x6;
	p2 =	seq.s32 s0, $0xFFFFFFFF;
	s2 =	smov.u32 @p1 s4  }
0x145: {  	s6 =	simm.s32 $0x0;
	s2 =	smov.u32 @p2 s4;
	s3 =	spop (v2sf)  }
0x146: {  	s0 =	smov.u32 @p2 s5;
	p1 =	sne.s32 s2, $0xFFFFFFFF;
	s4 =	smov.u32 s3  }
.Ltmp19:
0x147: {  	p2 =	seq.s32 s3, $0xFFFFFFFF;
	s4 =	smov.u32 @p1 s2;
	(pc) =	sbr.rel .LBB2_26-.Ltmp19, $4  }
0x148: {  	s10 =	simm.s32 $0xF188;
	s4 =	smov.u32 @p2 s2;
	s7 =	spop (v2sf)  }
0x149: {  	s11 =	simm.s32 $0x0;
	p1 =	sne.s32 s4, $0xFFFFFFFF;
	s8 =	smov.u32 s7  }
0x14a: {  	s3 =	smov.u32 @p2 s0;
	p2 =	seq.s32 s7, $0xFFFFFFFF;
	s8 =	smov.u32 @p1 s4  }
0x14b: {  	[sflag:s9] =	ssyncpa.u1 $0x0;
	s7 =	smov.u32 @p2 s3;
	s8 =	smov.u32 @p2 s4  }
.LBB2_32:
0x14c: {  	p1 =	sgt.u32 s12, $0x270F0  }
0x14d: {  	p2 =	seq.s32 @!p1 s12, s8  }
0x14e: {  	p1 =	por p1, p2  }
0x14f: {  	p2 =	sne.s32 @!p1 s12, s7  }
0x150: {  	p1 =	por p1, !p2  }
0x151: {  	s0 =	sshll.u32 @p1 s11, $0x9  }
0x152: {  	s0 =	sand.u32 @!p1 $0x3FFF8, s12  }
0x153: {  	s2 =	sand.u32 @!p1 $0x7, s12;
	s0 =	sadd.s32 @!p1 s1, s0  }
0x154: {  	[tilespmem:s10], [sflag:$0x6] =	stream.linear.gather @!p1 [hbm4b:s0+s2], $0x80, $0x38;
	[tilespmem:$0x1F6F8] =	vst v63  }
0x155: {  	_ =	swait.ge @!p1 [sflag:s9], $0x80  }
0x156: {  	[sflag:s9] =	ssyncset.done @!p1 $0x0  }
0x157: {  	[sflag:s9] =	ssyncadd.s32 @!p1 $0xFFFFFF80  }
0x158: {  	v1 =	vld @!p1 [tilespmem:$0xF188];
	_ =	sdelay $0x2  }
0x159: {  	s0 =	sshll.u32 @!p1 s11, $0x9  }
0x15a: {  	s2 =	sshrl.u32 @!p1 s0, $0x2  }
0x15b: {  	[tilespmem:s2+$0xF238] =	vst.add.f32.msk @!p1 $0xffff, v1  }
0x15c: {  	v1 =	vld @!p1 [tilespmem:$0xF198];
	_ =	sdelay $0x4  }
0x15d: {  	[tilespmem:s2+$0xF248] =	vst.add.f32.msk @!p1 $0xffff, v1  }
0x15e: {  	v1 =	vld @!p1 [tilespmem:$0xF1A8];
	_ =	sdelay $0x4  }
0x15f: {  	[tilespmem:s2+$0xF258] =	vst.add.f32.msk @!p1 $0xffff, v1  }
0x160: {  	v1 =	vld @!p1 [tilespmem:$0xF1B8];
	_ =	sdelay $0x4  }
0x161: {  	[tilespmem:s2+$0xF268] =	vst.add.f32.msk @!p1 $0xffff, v1  }
0x162: {  	v1 =	vld @!p1 [tilespmem:$0xF1C8];
	_ =	sdelay $0x4  }
0x163: {  	[tilespmem:s2+$0xF278] =	vst.add.f32.msk @!p1 $0xffff, v1  }
0x164: {  	v1 =	vld @!p1 [tilespmem:$0xF1D8];
	_ =	sdelay $0x4  }
0x165: {  	[tilespmem:s2+$0xF288] =	vst.add.f32.msk @!p1 $0xffff, v1  }
0x166: {  	v1 =	vld @!p1 [tilespmem:$0xF1E8];
	_ =	sdelay $0x4  }
0x167: {  	[tilespmem:s2+$0xF298] =	vst.add.f32.msk @!p1 $0xffff, v1  }
0x168: {  	v1 =	vld @!p1 [tilespmem:$0xF1F8];
	_ =	sdelay $0x4  }
0x169: {  	[tilespmem:s2+$0xF2A8] =	vst.add.f32.msk @!p1 $0xffff, v1  }
0x16a: {  	s0 =	sshrl.u32 s0, $0x2;
	[tilespmem:s6+$0xF218] =	vst.msk $0x1, v0  }
0x16b: {  	v0 =	vld [tilespmem:s0+$0xF238];
	_ =	sdelay $0x2  }
0x16c: {  	s31 =	sshll.u32 s6, $0x9  }
0x16d: {  	s2 =	sshra.s32 s31, $0x2  }
0x16e: {  	[tilespmem:s2+$0xF238] =	vst v0  }
0x16f: {  	v0 =	vld [tilespmem:s0+$0xF248];
	_ =	sdelay $0x4  }
0x170: {  	[tilespmem:s2+$0xF248] =	vst v0  }
0x171: {  	v0 =	vld [tilespmem:s0+$0xF258];
	_ =	sdelay $0x4  }
0x172: {  	[tilespmem:s2+$0xF258] =	vst v0  }
0x173: {  	v0 =	vld [tilespmem:s0+$0xF268];
	_ =	sdelay $0x4  }
0x174: {  	[tilespmem:s2+$0xF268] =	vst v0  }
0x175: {  	v0 =	vld [tilespmem:s0+$0xF278];
	_ =	sdelay $0x4  }
0x176: {  	[tilespmem:s2+$0xF278] =	vst v0  }
0x177: {  	v0 =	vld [tilespmem:s0+$0xF288];
	_ =	sdelay $0x4  }
0x178: {  	[tilespmem:s2+$0xF288] =	vst v0  }
0x179: {  	v0 =	vld [tilespmem:s0+$0xF298];
	_ =	sdelay $0x4  }
0x17a: {  	[tilespmem:s2+$0xF298] =	vst v0  }
0x17b: {  	v0 =	vld [tilespmem:s0+$0xF2A8];
	_ =	sdelay $0x4  }
0x17c: {  	s6 =	sadd.s32 $0x1, s6;
	[tilespmem:s2+$0xF2A8] =	vst v0  }
.LBB2_33:
0x17d: {  	s11 =	sadd.s32 $0x1, s11  }
0x17e: {  	p1 =	sne.s32 s11, $0x20  }
.Ltmp20:
0x17f: {  	_ = 	snop;
	(pc) =	sbr.rel @!p1 .LBB2_34-.Ltmp20, $1  }
0x180: {  	_ =	sdelay $0x3  }
.LBB2_26:
0x181: {  	v0 =	vld.msk [tilespmem:s11+$0xF218], $0x1;
	_ =	sdelay $0x4  }
0x182: {  	(v2sf) =	vpush v0, $0x0;
	_ =	sdelay $0xe  }
0x183: {  	s12 =	spop (v2sf)  }
0x184: {  	p1 =	seq.s32 s12, $0xFFFFFFFF  }
.Ltmp21:
0x185: {  	_ = 	snop;
	(pc) =	sbr.rel @p1 .LBB2_33-.Ltmp21, $1  }
0x186: {  	_ =	sdelay $0x3  }
0x187: {  	p1 =	slt.s32 s6, $0x1  }
.Ltmp22:
0x188: {  	_ = 	snop;
	(pc) =	sbr.rel @p1 .LBB2_32-.Ltmp22, $1  }
0x189: {  	_ =	sdelay $0x3  }
0x18a: {  	s13 =	simm.s32 $0xF218;
	p1 =	por $0x0, $0x0  }
0x18b: {  	v1 =	vld.msk @!p1 [tilespmem:s13+$0x0], $0x1;
	_ =	sdelay $0x4  }
0x18c: {  	(v2sf) =	vpush @!p1 v1, $0x0;
	_ =	sdelay $0xd  }
0x18d: {  	p3 =	sne.s32 s6, $0x1  }
.Ltmp23:
0x18e: {  	s0 =	spop @!p1 (v2sf);
	(pc) =	sbr.rel @!p3 .LBB2_30-.Ltmp23, $4  }
0x18f: {  	p2 =	seq.s32 @!p1 s12, s0  }
0x190: {  	s14 =	simm.s32 $0x0;
	p2 =	por !p2, p1  }
0x191: {  	s2 =	simm.s32 $0xFFFFFFFF;
	s14 =	simm.s32 @p2 $0xFFFFFFFF  }
0x192: {  	s0 =	simm.s32 $0x1;
	s14 =	smov.u32 @p1 s2  }
.LBB2_29:
0x193: {  	s2 =	smov.u32 s14;
	p1 =	sne.s32 s14, $0xFFFFFFFF  }
0x194: {  	s13 =	sadd.s32 $0x1, s13;
	s14 =	smov.u32 s0;
	s0 =	sadd.s32 $0x1, s0  }
0x195: {  	p2 =	sne.s32 s6, s0;
	v1 =	vld.msk @!p1 [tilespmem:s13+$0x0], $0x1;
	_ =	sdelay $0x4  }
0x196: {  	(v2sf) =	vpush @!p1 v1, $0x0;
	_ =	sdelay $0xe  }
.Ltmp24:
0x197: {  	s3 =	spop @!p1 (v2sf);
	(pc) =	sbr.rel @p2 .LBB2_29-.Ltmp24, $4  }
0x198: {  	p3 =	seq.s32 @!p1 s12, s3  }
0x199: {  	p3 =	por !p3, p1  }
0x19a: {  	s14 =	simm.s32 @p3 $0xFFFFFFFF  }
0x19b: {  	s14 =	smov.u32 @p1 s2  }
.LBB2_30:
0x19c: {  	p1 =	seq.s32 s14, $0xFFFFFFFF  }
.Ltmp25:
0x19d: {  	_ = 	snop;
	(pc) =	sbr.rel @p1 .LBB2_32-.Ltmp25, $1  }
0x19e: {  	_ =	sdelay $0x3  }
0x19f: {  	s0 =	sshll.u32 s11, $0x7  }
0x1a0: {  	s0 =	sand.u32 $0x3FFFFF80, s0  }
0x1a1: {  	v0 =	vld [tilespmem:s0+$0xF238];
	_ =	sdelay $0x2  }
0x1a2: {  	s2 =	sshll.u32 s14, $0x9  }
0x1a3: {  	s2 =	sshra.s32 s2, $0x2  }
0x1a4: {  	[tilespmem:s2+$0xF238] =	vst.add.f32.msk $0xffff, v0  }
0x1a5: {  	v0 =	vld [tilespmem:s0+$0xF248];
	_ =	sdelay $0x4  }
0x1a6: {  	[tilespmem:s2+$0xF248] =	vst.add.f32.msk $0xffff, v0  }
0x1a7: {  	v0 =	vld [tilespmem:s0+$0xF258];
	_ =	sdelay $0x4  }
0x1a8: {  	[tilespmem:s2+$0xF258] =	vst.add.f32.msk $0xffff, v0  }
0x1a9: {  	v0 =	vld [tilespmem:s0+$0xF268];
	_ =	sdelay $0x4  }
0x1aa: {  	[tilespmem:s2+$0xF268] =	vst.add.f32.msk $0xffff, v0  }
0x1ab: {  	v0 =	vld [tilespmem:s0+$0xF278];
	_ =	sdelay $0x4  }
0x1ac: {  	[tilespmem:s2+$0xF278] =	vst.add.f32.msk $0xffff, v0  }
0x1ad: {  	v0 =	vld [tilespmem:s0+$0xF288];
	_ =	sdelay $0x4  }
0x1ae: {  	[tilespmem:s2+$0xF288] =	vst.add.f32.msk $0xffff, v0  }
0x1af: {  	v0 =	vld [tilespmem:s0+$0xF298];
	_ =	sdelay $0x4  }
0x1b0: {  	[tilespmem:s2+$0xF298] =	vst.add.f32.msk $0xffff, v0  }
0x1b1: {  	v0 =	vld [tilespmem:s0+$0xF2A8]  }
.Ltmp26:
0x1b2: {  	_ = 	snop;
	(pc) =	sbr.rel .LBB2_33-.Ltmp26, $2  }
0x1b3: {  	_ =	sdelay $0x2  }
0x1b4: {  	[tilespmem:s2+$0xF2A8] =	vst.add.f32.msk $0xffff, v0  }
.LBB2_34:
0x1b5: {  	s0 =	simm.s32 $0x6;
	p1 =	seq.s32 s6, $0x0  }
0x1b6: {  	[sflag:s0] =	ssyncpa.u1 $0x1;
	v0 =	vimm.s32 @p1 $0xFFFFFFFF  }
0x1b7: {  	s9 =	sadd.s32 $0xFFFFFFFF, s6;
	[tilespmem:$0x10238] =	vst @p1 v0  }
0x1b8: {  	v0 =	vld.msk @!p1 [tilespmem:s9+$0xF218], $0x1;
	_ =	sdelay $0x1  }
0x1b9: {  	v1 =	vld.msk @!p1 [tilespmem:$0xF218], $0x1;
	_ =	sdelay $0x2  }
0x1ba: {  	p2 =	seq.s32 @!p1 s9, $0x0;
	v0 =	vbroadcast @!p1 v0, $0x0  }
0x1bb: {  	vm0 =	vmmov @!p1 $0x1;
	p2 =	por !p2, p1  }
0x1bc: {  	v1 =	vnsel @!p1 vm0, $0xFFFFFFFF, v1;
	vm0 =	vcmask @!p1 $0x308;
	v0 =	vpsel !p2, $0xFFFFFFFF, v0  }
0x1bd: {  	p2 =	sne.s32 @!p1 s8, s7;
	v0 =	vsel @!p1 vm0, v1, v0  }
0x1be: {  	s0 =	simm.s32 @!p1 $0xF238;
	s2 =	simm.s32 @!p1 $0x0;
	p3 =	por !p2, p1;
	[tilespmem:$0x10238] =	vst @!p1 v0  }
0x1bf: {  	[spmem:s2] =	stream.linear.scatter @!p1 [tilespmem:s0], [sflag:$0x1], $0x80, $0x38;
	[tilespmem:$0x1F6F8] =	vst v63  }
0x1c0: {  	s0 =	sshll.u32 @!p3 s9, $0x9  }
0x1c1: {  	s0 =	sshra.s32 @!p3 s0, $0x2  }
0x1c2: {  	s2 =	simm.s32 @!p3 $0x80;
	s0 =	sadd.s32 @!p3 $0xF238, s0  }
0x1c3: {  	[spmem:s2] =	stream.linear.scatter @!p3 [tilespmem:s0], [sflag:$0x1], $0x80, $0x38;
	[tilespmem:$0x1F6F8] =	vst v63  }
0x1c4: {  	s0 =	simm.s32 @!p3 $0x1  }
0x1c5: {  	_ =	swait.ge @!p3 [sflag:s0], $0x100  }
0x1c6: {  	p1 =	por p2, p1;
	[sflag:s0] =	ssyncset.done @!p3 $0x0  }
0x1c7: {  	[sflag:s0] =	ssyncadd.s32 @!p3 $0xFFFFFF00;
	s0 =	simm.s32 @!p1 $0x1  }
0x1c8: {  	_ =	swait.ge @!p1 [sflag:s0], $0x80  }
0x1c9: {  	s29 =	simm.s32 $0x10238;
	[sflag:s0] =	ssyncset.done @!p1 $0x0  }
0x1ca: {  	s30 =	simm.s32 $0x1000;
	s31 =	simm.s32 $0x1;
	[sflag:s0] =	ssyncadd.s32 @!p1 $0xFFFFFF80  }
0x1cb: {  	[spmem:s30] =	stream.linear.scatter [tilespmem:s29], [sflag:$0x1], $0x10, $0x38;
	[tilespmem:$0x1F6F8] =	vst v63  }
0x1cc: {  	_ =	swait.ge [sflag:s31], $0x10  }
0x1cd: {  	[sflag:s31] =	ssyncset.done $0x0  }
0x1ce: {  	p1 =	seq.s32 s15, $0x0;
	s8 =	rddreg [dreg:$0x1];
	[sflag:s31] =	ssyncadd.s32 $0xFFFFFFF0  }
0x1cf: {  	s2 =	sshll.u32 @p1 s8, $0xE;
	s7 =	rddreg [dreg:$0x2]  }
0x1d0: {  	s0 =	sadd.s32 @p1 $0x15C3C, s2;
	s2 =	sshll.u32 @p1 s7, $0x11  }
0x1d1: {  	_ =	sfence.stream.spmem;
	s0 =	sor.u32 @p1 s2, s0  }
0x1d2: {  	[sflag:s0] =	ssyncadd.remote.s32 @p1 $0x1;
	s0 =	simm.s32 @p1 $0x4  }
0x1d3: {  	s3 =	simm.s32 @!p1 $0x3C;
	s2 =	sand.u32 $0xFFFFFFFE, s8;
	_ =	swait.ge @p1 [sflag:s0], $0x22  }
0x1d4: {  	s4 =	simm.s32 @!p1 $0x0;
	s2 =	sadd.s32 @!p1 $0x4, s2;
	[sflag:s0] =	ssyncset.done @p1 $0x0  }
0x1d5: {  	s5 =	simm.s32 @!p1 $0x100;
	[sflag:s0] =	ssyncadd.s32 @p1 $0xFFFFFFDE;
	s0 =	sshll.u32 @!p1 s2, $0x1A  }
0x1d6: {  	s2 =	sshll.u32 @!p1 s2, $0xD;
	s0 =	sor.u32 @!p1 s0, s7;
	_ =	swait.eq @!p1 [sflag:s3], $0x1  }
0x1d7: {  	s2 =	sor.u32 @!p1 $0x1C04, s2;
	s3 =	simm.s32 @!p1 $0x1C03;
	s0 =	sor.u32 @!p1 $0x80004000, s0  }
0x1d8: {  	[spmem:s5], [sflag:s2] =	dma.general @!p1 [spmem:s4], [sflag:s3], length:$0x20, [dreg:$0x0], stride_count:$0x0, ici_dest:s0, dma_misc:DstOpCode:WRITE  }
0x1d9: {  	p2 =	slt.s32 s9, $0x2;
	s4 =	simm.s32 @!p1 $0x200;
	s5 =	simm.s32 @!p1 $0x202  }
0x1da: {  	[spmem:s5], [sflag:s2] =	dma.general @!p1 [spmem:s4], [sflag:s3], length:$0x2, [dreg:$0x0], stride_count:$0x0, ici_dest:s0, dma_misc:DstOpCode:WRITE  }
.Ltmp27:
0x1db: {  	s0 =	simm.s32 @!p1 $0x3;
	(pc) =	sbr.rel @p2 .LBB2_38-.Ltmp27, $4  }
0x1dc: {  	s2 =	sshll.u32 @!p1 s8, $0xE;
	_ =	swait.ge @!p1 [sflag:s0], $0x22  }
0x1dd: {  	s3 =	sshll.u32 @!p1 s7, $0x11;
	s2 =	sadd.s32 @!p1 $0x11C3C, s2;
	[sflag:s0] =	ssyncset.done @!p1 $0x0  }
0x1de: {  	[sflag:s0] =	ssyncadd.s32 @!p1 $0xFFFFFFDE;
	s0 =	sor.u32 @!p1 s3, s2  }
0x1df: {  	[sflag:s0] =	ssyncadd.remote.s32 @!p1 $0xFFFFFFFF;
	s0 =	simm.s32 $0x0  }
0x1e0: {  	s0 =	simm.s32 $0xF219  }
0x1e1: {  	v0 =	vld.msk [tilespmem:s0+$0x0], $0x1;
	_ =	sdelay $0x4  }
0x1e2: {  	(v2sf) =	vpush v0, $0x0;
	_ =	sdelay $0xb  }
0x1e3: {  	s31 =	sadd.s32 $0xFFFFFFFE, s6  }
0x1e4: {  	s0 =	sadd.s32 $0xFFFFFFFF, s31  }
0x1e5: {  	p2 =	sne.s32 s0, $0x0  }
.Ltmp28:
0x1e6: {  	s2 =	spop (v2sf);
	(pc) =	sbr.rel @!p2 .LBB2_37-.Ltmp28, $4  }
0x1e7: {  	s4 =	simm.s32 $0xF2B8;
	s7 =	simm.s32 $0x0;
	p1 =	sgt.u32 s2, $0x270F0  }
0x1e8: {  	s5 =	simm.s32 $0x0;
	s6 =	simm.s32 $0xF21A;
	s3 =	sand.u32 @!p1 $0x3FFF8, s2  }
0x1e9: {  	s2 =	sand.u32 @!p1 $0x7, s2;
	s7 =	simm.s32 @!p1 $0x200;
	s3 =	sadd.s32 @!p1 s1, s3  }
0x1ea: {  	[hbm4b:s3+s2] =	stream.linear.scatter @!p1 [tilespmem:s4], [sflag:$0x5], $0x80, $0x38;
	[tilespmem:$0x1F6F8] =	vst v63  }
.LBB2_36:
0x1eb: {  	v0 =	vld.msk [tilespmem:s6+$0x0], $0x1;
	s0 =	sadd.s32 $0xFFFFFFFF, s0;
	s5 =	sadd.s32 s5, s7  }
0x1ec: {  	p1 =	sne.s32 s0, $0x0;
	_ =	sdelay $0x3  }
0x1ed: {  	(v2sf) =	vpush v0, $0x0;
	_ =	sdelay $0xe  }
.Ltmp29:
0x1ee: {  	s2 =	spop (v2sf);
	(pc) =	sbr.rel @p1 .LBB2_36-.Ltmp29, $4  }
0x1ef: {  	s7 =	simm.s32 $0x0;
	p2 =	sgt.u32 s2, $0x270F0  }
0x1f0: {  	s4 =	sadd.s32 $0x80, s4;
	s7 =	simm.s32 @!p2 $0x200;
	s3 =	sand.u32 @!p2 $0x3FFF8, s2  }
0x1f1: {  	s6 =	sadd.s32 $0x1, s6;
	s2 =	sand.u32 @!p2 $0x7, s2;
	s3 =	sadd.s32 @!p2 s1, s3  }
0x1f2: {  	[hbm4b:s3+s2] =	stream.linear.scatter @!p2 [tilespmem:s4], [sflag:$0x5], $0x80, $0x38;
	[tilespmem:$0x1F6F8] =	vst v63  }
.LBB2_37:
0x1f3: {  	s0 =	sadd.s32 s5, s7  }
0x1f4: {  	s0 =	sshrl.u32 s0, $0x2  }
.LBB2_38:
0x1f5: {  	s2 =	simm.s32 $0x5  }
0x1f6: {  	_ =	swait.ge [sflag:s2], s0  }
0x1f7: {  	s31 =	ssub.s32 $0x0, s0;
	[sflag:s2] =	ssyncset.done $0x0  }
0x1f8: {  	[sflag:s2] =	ssyncadd.s32 s31  }
0x1f9: {  	[sflag:s2] =	ssyncpa.u1 $0x1  }
.LBB2_39:
0x1fa: {  	s0 =	sor.u32 s15, s16  }
0x1fb: {  	p1 =	sne.s32 s0, $0x0  }
.Ltmp30:
0x1fc: {  	_ = 	snop;
	(pc) =	sbr.rel @p1 .LBB2_54-.Ltmp30, $3  }
0x1fd: {  	_ =	sdelay $0x1  }
0x1fe: {  	[bflag:$0x0] =	sbarrier.arrive $0xFFFF  }
0x1ff: {  	_ =	sfence  }
0x200: {  	s0 =	simm.s32 $0x7  }
0x201: {  	s2 =	simm.s32 $0x1000;
	s3 =	simm.s32 $0xF218;
	[sflag:s0] =	ssyncpa.u1 $0x0  }
0x202: {  	[tilespmem:s3], [sflag:$0x7] =	stream.linear.gather [spmem:s2], $0x20, $0x38;
	[tilespmem:$0x1F6F8] =	vst v63  }
0x203: {  	s30 =	simm.s32 $0xF238;
	s2 =	simm.s32 $0x0  }
0x204: {  	[tilespmem:s30], [sflag:$0x7] =	stream.linear.gather [spmem:s2], $0x1000, $0x38;
	[tilespmem:$0x1F6F8] =	vst v63  }
.Ltmp31:
0x205: {  	_ = 	snop;
	(pc) =	sbr.rel .LBB2_41-.Ltmp31, $4  }
0x206: {  	_ =	swait.ge [sflag:s0], $0x1020  }
0x207: {  	[sflag:s0] =	ssyncset.done $0x0  }
0x208: {  	s31 =	simm.s32 $0x8;
	[sflag:s0] =	ssyncadd.s32 $0xFFFFEFE0  }
0x209: {  	s3 =	simm.s32 $0x0;
	[sflag:s31] =	ssyncpa.u1 $0x0  }
.LBB2_47:
0x20a: {  	p1 =	slt.u32 s4, $0x270F1  }
0x20b: {  	s0 =	sand.u32 @p1 $0x3FFF8, s4  }
0x20c: {  	s4 =	sand.u32 @p1 $0x7, s4;
	s5 =	simm.s32 @p1 $0xF188;
	s0 =	sadd.s32 @p1 s1, s0  }
0x20d: {  	[tilespmem:s5], [sflag:$0x8] =	stream.linear.gather @p1 [hbm4b:s0+s4], $0x80, $0x38;
	[tilespmem:$0x1F6F8] =	vst v63  }
0x20e: {  	s0 =	simm.s32 @p1 $0x8  }
0x20f: {  	_ =	swait.ge @p1 [sflag:s0], $0x80  }
0x210: {  	[sflag:s0] =	ssyncset.done @p1 $0x0  }
0x211: {  	[sflag:s0] =	ssyncadd.s32 @p1 $0xFFFFFF80  }
0x212: {  	v1 =	vld @p1 [tilespmem:$0xF188];
	_ =	sdelay $0x2  }
0x213: {  	s0 =	sshll.u32 @p1 s3, $0x9  }
0x214: {  	s4 =	sshrl.u32 @p1 s0, $0x2  }
0x215: {  	[tilespmem:s4+$0xF238] =	vst.add.f32.msk @p1 $0xffff, v1  }
0x216: {  	v1 =	vld @p1 [tilespmem:$0xF198];
	_ =	sdelay $0x4  }
0x217: {  	[tilespmem:s4+$0xF248] =	vst.add.f32.msk @p1 $0xffff, v1  }
0x218: {  	v1 =	vld @p1 [tilespmem:$0xF1A8];
	_ =	sdelay $0x4  }
0x219: {  	[tilespmem:s4+$0xF258] =	vst.add.f32.msk @p1 $0xffff, v1  }
0x21a: {  	v1 =	vld @p1 [tilespmem:$0xF1B8];
	_ =	sdelay $0x4  }
0x21b: {  	[tilespmem:s4+$0xF268] =	vst.add.f32.msk @p1 $0xffff, v1  }
0x21c: {  	v1 =	vld @p1 [tilespmem:$0xF1C8];
	_ =	sdelay $0x4  }
0x21d: {  	[tilespmem:s4+$0xF278] =	vst.add.f32.msk @p1 $0xffff, v1  }
0x21e: {  	v1 =	vld @p1 [tilespmem:$0xF1D8];
	_ =	sdelay $0x4  }
0x21f: {  	[tilespmem:s4+$0xF288] =	vst.add.f32.msk @p1 $0xffff, v1  }
0x220: {  	v1 =	vld @p1 [tilespmem:$0xF1E8];
	_ =	sdelay $0x4  }
0x221: {  	[tilespmem:s4+$0xF298] =	vst.add.f32.msk @p1 $0xffff, v1  }
0x222: {  	v1 =	vld @p1 [tilespmem:$0xF1F8];
	_ =	sdelay $0x3  }
0x223: {  	s5 =	sshll.u32 @!p1 s3, $0x9  }
0x224: {  	s5 =	smov.u32 @p1 s0;
	[tilespmem:s4+$0xF2A8] =	vst.add.f32.msk @p1 $0xffff, v1  }
0x225: {  	s0 =	sshrl.u32 s5, $0x2;
	[tilespmem:s2+$0xF218] =	vst.msk $0x1, v0  }
0x226: {  	v0 =	vld [tilespmem:s0+$0xF238];
	_ =	sdelay $0x2  }
0x227: {  	s31 =	sshll.u32 s2, $0x9  }
0x228: {  	s4 =	sshra.s32 s31, $0x2  }
0x229: {  	[tilespmem:s4+$0xF238] =	vst v0  }
0x22a: {  	v0 =	vld [tilespmem:s0+$0xF248];
	_ =	sdelay $0x4  }
0x22b: {  	[tilespmem:s4+$0xF248] =	vst v0  }
0x22c: {  	v0 =	vld [tilespmem:s0+$0xF258];
	_ =	sdelay $0x4  }
0x22d: {  	[tilespmem:s4+$0xF258] =	vst v0  }
0x22e: {  	v0 =	vld [tilespmem:s0+$0xF268];
	_ =	sdelay $0x4  }
0x22f: {  	[tilespmem:s4+$0xF268] =	vst v0  }
0x230: {  	v0 =	vld [tilespmem:s0+$0xF278];
	_ =	sdelay $0x4  }
0x231: {  	[tilespmem:s4+$0xF278] =	vst v0  }
0x232: {  	v0 =	vld [tilespmem:s0+$0xF288];
	_ =	sdelay $0x4  }
0x233: {  	[tilespmem:s4+$0xF288] =	vst v0  }
0x234: {  	v0 =	vld [tilespmem:s0+$0xF298];
	_ =	sdelay $0x4  }
0x235: {  	[tilespmem:s4+$0xF298] =	vst v0  }
0x236: {  	v0 =	vld [tilespmem:s0+$0xF2A8];
	_ =	sdelay $0x4  }
0x237: {  	s2 =	sadd.s32 $0x1, s2;
	[tilespmem:s4+$0xF2A8] =	vst v0  }
.LBB2_48:
0x238: {  	s3 =	sadd.s32 $0x1, s3  }
0x239: {  	p1 =	sne.s32 s3, $0x20  }
.Ltmp32:
0x23a: {  	_ = 	snop;
	(pc) =	sbr.rel @!p1 .LBB2_49-.Ltmp32, $1  }
0x23b: {  	_ =	sdelay $0x3  }
.LBB2_41:
0x23c: {  	v0 =	vld.msk [tilespmem:s3+$0xF218], $0x1;
	_ =	sdelay $0x4  }
0x23d: {  	(v2sf) =	vpush v0, $0x0;
	_ =	sdelay $0xe  }
0x23e: {  	s4 =	spop (v2sf)  }
0x23f: {  	p1 =	seq.s32 s4, $0xFFFFFFFF  }
.Ltmp33:
0x240: {  	_ = 	snop;
	(pc) =	sbr.rel @p1 .LBB2_48-.Ltmp33, $1  }
0x241: {  	_ =	sdelay $0x3  }
0x242: {  	p1 =	slt.s32 s2, $0x1  }
.Ltmp34:
0x243: {  	_ = 	snop;
	(pc) =	sbr.rel @p1 .LBB2_47-.Ltmp34, $1  }
0x244: {  	_ =	sdelay $0x3  }
0x245: {  	s5 =	simm.s32 $0xF218;
	p1 =	por $0x0, $0x0  }
0x246: {  	v1 =	vld.msk @!p1 [tilespmem:s5+$0x0], $0x1;
	_ =	sdelay $0x4  }
0x247: {  	(v2sf) =	vpush @!p1 v1, $0x0;
	_ =	sdelay $0xd  }
0x248: {  	p3 =	sne.s32 s2, $0x1  }
.Ltmp35:
0x249: {  	s0 =	spop @!p1 (v2sf);
	(pc) =	sbr.rel @!p3 .LBB2_45-.Ltmp35, $4  }
0x24a: {  	p2 =	seq.s32 @!p1 s4, s0  }
0x24b: {  	s6 =	simm.s32 $0x0;
	p2 =	por !p2, p1  }
0x24c: {  	s7 =	simm.s32 $0xFFFFFFFF;
	s6 =	simm.s32 @p2 $0xFFFFFFFF  }
0x24d: {  	s0 =	simm.s32 $0x1;
	s6 =	smov.u32 @p1 s7  }
.LBB2_44:
0x24e: {  	s7 =	smov.u32 s6;
	p1 =	sne.s32 s6, $0xFFFFFFFF  }
0x24f: {  	s5 =	sadd.s32 $0x1, s5;
	s6 =	smov.u32 s0;
	s0 =	sadd.s32 $0x1, s0  }
0x250: {  	p2 =	sne.s32 s2, s0;
	v1 =	vld.msk @!p1 [tilespmem:s5+$0x0], $0x1;
	_ =	sdelay $0x4  }
0x251: {  	(v2sf) =	vpush @!p1 v1, $0x0;
	_ =	sdelay $0xe  }
.Ltmp36:
0x252: {  	s8 =	spop @!p1 (v2sf);
	(pc) =	sbr.rel @p2 .LBB2_44-.Ltmp36, $4  }
0x253: {  	p3 =	seq.s32 @!p1 s4, s8  }
0x254: {  	p3 =	por !p3, p1  }
0x255: {  	s6 =	simm.s32 @p3 $0xFFFFFFFF  }
0x256: {  	s6 =	smov.u32 @p1 s7  }
.LBB2_45:
0x257: {  	p1 =	seq.s32 s6, $0xFFFFFFFF  }
.Ltmp37:
0x258: {  	_ = 	snop;
	(pc) =	sbr.rel @p1 .LBB2_47-.Ltmp37, $1  }
0x259: {  	_ =	sdelay $0x3  }
0x25a: {  	s0 =	sshll.u32 s3, $0x7  }
0x25b: {  	s0 =	sand.u32 $0x3FFFFF80, s0  }
0x25c: {  	v0 =	vld [tilespmem:s0+$0xF238];
	_ =	sdelay $0x2  }
0x25d: {  	s4 =	sshll.u32 s6, $0x9  }
0x25e: {  	s4 =	sshra.s32 s4, $0x2  }
0x25f: {  	[tilespmem:s4+$0xF238] =	vst.add.f32.msk $0xffff, v0  }
0x260: {  	v0 =	vld [tilespmem:s0+$0xF248];
	_ =	sdelay $0x4  }
0x261: {  	[tilespmem:s4+$0xF248] =	vst.add.f32.msk $0xffff, v0  }
0x262: {  	v0 =	vld [tilespmem:s0+$0xF258];
	_ =	sdelay $0x4  }
0x263: {  	[tilespmem:s4+$0xF258] =	vst.add.f32.msk $0xffff, v0  }
0x264: {  	v0 =	vld [tilespmem:s0+$0xF268];
	_ =	sdelay $0x4  }
0x265: {  	[tilespmem:s4+$0xF268] =	vst.add.f32.msk $0xffff, v0  }
0x266: {  	v0 =	vld [tilespmem:s0+$0xF278];
	_ =	sdelay $0x4  }
0x267: {  	[tilespmem:s4+$0xF278] =	vst.add.f32.msk $0xffff, v0  }
0x268: {  	v0 =	vld [tilespmem:s0+$0xF288];
	_ =	sdelay $0x4  }
0x269: {  	[tilespmem:s4+$0xF288] =	vst.add.f32.msk $0xffff, v0  }
0x26a: {  	v0 =	vld [tilespmem:s0+$0xF298];
	_ =	sdelay $0x4  }
0x26b: {  	[tilespmem:s4+$0xF298] =	vst.add.f32.msk $0xffff, v0  }
0x26c: {  	v0 =	vld [tilespmem:s0+$0xF2A8]  }
.Ltmp38:
0x26d: {  	_ = 	snop;
	(pc) =	sbr.rel .LBB2_48-.Ltmp38, $2  }
0x26e: {  	_ =	sdelay $0x2  }
0x26f: {  	[tilespmem:s4+$0xF2A8] =	vst.add.f32.msk $0xffff, v0  }
.LBB2_49:
0x270: {  	p1 =	slt.s32 s2, $0x1  }
.Ltmp39:
0x271: {  	_ = 	snop;
	(pc) =	sbr.rel @p1 .LBB2_53-.Ltmp39, $3  }
0x272: {  	_ =	sdelay $0x1  }
0x273: {  	s0 =	simm.s32 $0x8  }
0x274: {  	s3 =	simm.s32 $0x0;
	[sflag:s0] =	ssyncpa.u1 $0x1  }
0x275: {  	s0 =	simm.s32 $0xF218  }
0x276: {  	v0 =	vld.msk [tilespmem:s0+$0x0], $0x1;
	_ =	sdelay $0x4  }
0x277: {  	(v2sf) =	vpush v0, $0x0;
	_ =	sdelay $0xe  }
0x278: {  	s0 =	sadd.s32 $0xFFFFFFFF, s2;
	s5 =	spop (v2sf)  }
0x279: {  	p2 =	sne.s32 s0, $0x0;
	p1 =	sgt.u32 s5, $0x270F0  }
.Ltmp40:
0x27a: {  	s6 =	sand.u32 @!p1 $0x3FFF8, s5;
	(pc) =	sbr.rel @!p2 .LBB2_52-.Ltmp40, $4  }
0x27b: {  	s4 =	simm.s32 $0xF238;
	s5 =	sand.u32 @!p1 $0x7, s5;
	s2 =	sadd.s32 @!p1 s1, s6  }
0x27c: {  	[hbm4b:s2+s5] =	stream.linear.scatter @!p1 [tilespmem:s4], [sflag:$0x7], $0x80, $0x38;
	[tilespmem:$0x1F6F8] =	vst v63  }
0x27d: {  	s5 =	simm.s32 $0x0  }
0x27e: {  	s2 =	simm.s32 $0xF219;
	s5 =	simm.s32 @!p1 $0x200  }
.LBB2_51:
0x27f: {  	v0 =	vld.msk [tilespmem:s2+$0x0], $0x1;
	s0 =	sadd.s32 $0xFFFFFFFF, s0;
	s3 =	sadd.s32 s3, s5  }
0x280: {  	p1 =	sne.s32 s0, $0x0;
	_ =	sdelay $0x3  }
0x281: {  	(v2sf) =	vpush v0, $0x0;
	_ =	sdelay $0xe  }
.Ltmp41:
0x282: {  	s6 =	spop (v2sf);
	(pc) =	sbr.rel @p1 .LBB2_51-.Ltmp41, $4  }
0x283: {  	s5 =	simm.s32 $0x0;
	p2 =	sgt.u32 s6, $0x270F0  }
0x284: {  	s4 =	sadd.s32 $0x80, s4;
	s5 =	simm.s32 @!p2 $0x200;
	s7 =	sand.u32 @!p2 $0x3FFF8, s6  }
0x285: {  	s2 =	sadd.s32 $0x1, s2;
	s6 =	sand.u32 @!p2 $0x7, s6;
	s7 =	sadd.s32 @!p2 s1, s7  }
0x286: {  	[hbm4b:s7+s6] =	stream.linear.scatter @!p2 [tilespmem:s4], [sflag:$0x7], $0x80, $0x38;
	[tilespmem:$0x1F6F8] =	vst v63  }
.LBB2_52:
0x287: {  	s0 =	sadd.s32 s3, s5  }
0x288: {  	s3 =	sshrl.u32 s0, $0x2  }
.LBB2_53:
0x289: {  	s0 =	simm.s32 $0x7  }
0x28a: {  	_ =	swait.ge [sflag:s0], s3  }
0x28b: {  	s1 =	ssub.s32 $0x0, s3;
	[sflag:s0] =	ssyncset.done $0x0  }
0x28c: {  	[sflag:s0] =	ssyncadd.s32 s1  }
0x28d: {  	[sflag:s0] =	ssyncpa.u1 $0x1  }
.LBB2_54:
0x28e: {  	_ =	sfence;
	s0 =	simm.s32 $0x1  }
0x28f: {  	[sflag:s0] =	ssyncpa.u1 $0x1  }
0x290: {  	_ =	strace $0x90000047  }
0x291: {  	[bflag:$0x2] =	sbarrier.arrive $0xFFFF  }
0x292: {  	s0 =	rddreg [dreg:$0x3]  }
0x293: {  	s0 =	sadd.s32 @!p0 $0x100000, s0  }
0x294: {  	[sflag:s0] =	ssyncadd.tile.s32 @!p0 $0x1;
	_ =	shalt  }
.Lfunc_end2:
_tile_overlayer_lowered:
.L_overlay_start_2:
0x295: {  	(tag) =	ssettag $0x2  }
0x296: {  	s0 =	rddreg [dreg:$0x0];
	s2 =	stileid.u32  }
0x297: {  	s1 =	rddreg [dreg:$0x1];
	p0 =	sne.s32 s2, $0x0  }
0x298: {  	s3 =	rddreg [dreg:$0x2];
	[bflag:$0x3] =	sbarrier.arrive $0xFFFF;
	s2 =	simm.s32 @!p0 $0x1C01  }
0x299: {  	[timem:s3], [sflag:s2] =	dma.local @!p0 [hbm:s0], s1  }
0x29a: {  	s0 =	simm.s32 @!p0 $0x1  }
0x29b: {  	_ =	swait.ge @!p0 [sflag:s0], s1  }
0x29c: {  	s1 =	ssub.s32 @!p0 $0x0, s1;
	[sflag:s0] =	ssyncset.done @!p0 $0x0  }
0x29d: {  	[sflag:s0] =	ssyncadd.s32 @!p0 s1  }
0x29e: {  	[bflag:$0x3] =	sbarrier.arrive $0xFFFF  }
0x29f: {  	_ =	shalt  }

</sc_bundles>
